<compile_context>
chip_gen: v7x
topology: tpu7x:2x2x1
jax: 0.10.2.dev20260603
libtpu: 0.0.44.dev20260713+nightly
codegen_flags: <defaults>
</compile_context>

<pallas_src>
import functools

import jax
import jax.numpy as jnp
from jax import lax
from jax.experimental import pallas as pl
from jax.experimental.pallas import tpu as pltpu
from jax.experimental.pallas import tpu_sc as plsc

L = 16
B, C, H, W = 4, 96, 192, 192
HW = H * W
NSLICE = B * C
N = NSLICE * HW
UP = 385
UPHW = UP * UP
OUTW = 384
OUT_HW = OUTW * OUTW
OUT_N = NSLICE * OUT_HW

NWORKERS = 32
SLICES_PER_W = NSLICE // NWORKERS
ROWS_PER_CHUNK = 64
NCH = OUTW // ROWS_PER_CHUNK
CHUNK = ROWS_PER_CHUNK * OUTW
NCHUNKS = NSLICE * NCH

EBUF = 8192

MAGIC385 = 21791
SHIFT385 = 23


def _div385(p):
    pu = p.astype(jnp.uint32)
    q = ((pu * jnp.uint32(MAGIC385)) >> jnp.uint32(SHIFT385)).astype(jnp.int32)
    r = p - q * UP
    neg = r < 0
    q = jnp.where(neg, q - 1, q)
    r = jnp.where(neg, r + UP, r)
    return q, r


def _sget(vref, i):
    vec = vref[pl.ds((i >> 4) * L, L)]
    lane = lax.iota(jnp.int32, L)
    sel = jnp.where(lane == (i & (L - 1)), vec, jnp.int32(-2147483648))
    return jnp.max(sel)


def _consume_body(sk_hbm, sv_hbm, starts_hbm, out_hbm,
                  kbuf, vbuf, stg0, stg1, vrow, in_sem, sem0, sem1):
    cid = lax.axis_index("c")
    sid = lax.axis_index("s")
    wid = sid * 2 + cid

    pltpu.sync_copy(starts_hbm.at[wid], vrow)

    kbuf[pl.ds(EBUF, L)] = jnp.full((L,), jnp.int32(2**31 - 1))

    def slice_body(si, carry):
        s_chunk = wid * SLICES_PER_W + si
        kbase = s_chunk * UPHW
        dbase_slice = s_chunk * OUT_HW

        for ch in range(NCH):
            stg = stg0 if ch % 2 == 0 else stg1
            sem = sem0 if ch % 2 == 0 else sem1
            row0 = ch * ROWS_PER_CHUNK

            a = _sget(vrow, si * NCH + ch)
            b = _sget(vrow, si * NCH + ch + 1)
            al = pl.multiple_of(jnp.minimum(a & ~7, N - EBUF), 8)
            n_eff = jnp.minimum(b - a, EBUF - 8)
            nvec = (n_eff + (L - 1)) // L

            cpk = pltpu.async_copy(sk_hbm.at[pl.ds(al, EBUF)],
                                   kbuf.at[pl.ds(0, EBUF)], in_sem)
            cpv = pltpu.async_copy(sv_hbm.at[pl.ds(al, EBUF)],
                                   vbuf.at[pl.ds(0, EBUF)], in_sem)

            if ch >= 2:
                pltpu.make_async_copy(
                    out_hbm.at[pl.ds(0, CHUNK)], stg, sem).wait()
            else:
                @pl.when(si > 0)
                def _drain():
                    pltpu.make_async_copy(
                        out_hbm.at[pl.ds(0, CHUNK)], stg, sem).wait()

            def zbody(j, c2):
                stg[pl.ds(j * L, L)] = jnp.zeros((L,), jnp.float32)
                return c2

            lax.fori_loop(0, CHUNK // L, zbody, None)

            cpk.wait()
            cpv.wait()

            shift = a - al
            p2base = kbase + row0 * UP

            def vbody(j, c2):
                off = shift + j * L
                k = kbuf[pl.ds(off, L)]
                kn = kbuf[pl.ds(off + 1, L)]
                v = vbuf[pl.ds(off, L)]
                lane = jax.lax.iota(jnp.int32, L) + (j * L)
                win = (k != kn) & (lane < n_eff)
                p2 = k - p2base
                r2, cc = _div385(p2)
                valid = win & (r2 < ROWS_PER_CHUNK) & (cc < OUTW)
                ldest = r2 * OUTW + cc
                plsc.store_scatter(stg, [ldest], v, mask=valid)
                return c2

            lax.fori_loop(0, nvec, vbody, None)

            dbase = pl.multiple_of(dbase_slice + row0 * OUTW, 8)
            pltpu.async_copy(stg, out_hbm.at[pl.ds(dbase, CHUNK)], sem)
        return carry

    lax.fori_loop(0, SLICES_PER_W, slice_body, None)

    pltpu.make_async_copy(out_hbm.at[pl.ds(0, CHUNK)], stg0, sem0).wait()
    pltpu.make_async_copy(out_hbm.at[pl.ds(0, CHUNK)], stg1, sem1).wait()


def kernel(x, indices, size):
    del size
    idx = indices.reshape(NSLICE, HW)
    bc = (jnp.arange(NSLICE, dtype=jnp.int32) * UPHW)[:, None]
    keys = (idx + bc).reshape(-1)
    vals = x.reshape(-1)
    sk, sv = lax.sort_key_val(keys, vals, is_stable=False)

    g = jnp.arange(NCHUNKS + 1, dtype=jnp.int32)
    slice_of = g // NCH
    row0_of = (g % NCH) * ROWS_PER_CHUNK
    bkeys = slice_of * UPHW + row0_of * UP
    starts = jnp.searchsorted(sk, bkeys, side="left").astype(jnp.int32)
    per_w = NCHUNKS // NWORKERS
    rows = starts[(jnp.arange(NWORKERS)[:, None] * per_w
                   + jnp.arange(per_w + 1)[None, :]).reshape(-1)]
    starts_arr = jnp.concatenate(
        [rows.reshape(NWORKERS, per_w + 1),
         jnp.zeros((NWORKERS, 80 - (per_w + 1)), jnp.int32)], axis=1)

    mesh = plsc.VectorSubcoreMesh(core_axis_name="c", subcore_axis_name="s")
    out = pl.kernel(
        _consume_body,
        out_type=jax.ShapeDtypeStruct((OUT_N,), jnp.float32),
        mesh=mesh,
        compiler_params=pltpu.CompilerParams(needs_layout_passes=False),
        scratch_types=[
            pltpu.VMEM((EBUF + L,), jnp.int32),
            pltpu.VMEM((EBUF + L,), jnp.float32),
            pltpu.VMEM((CHUNK,), jnp.float32),
            pltpu.VMEM((CHUNK,), jnp.float32),
            pltpu.VMEM((80,), jnp.int32),
            pltpu.SemaphoreType.DMA,
            pltpu.SemaphoreType.DMA,
            pltpu.SemaphoreType.DMA,
        ],
    )(sk, sv, starts_arr)
    return out.reshape(B, C, OUTW, OUTW)

# --- scband reference (transcript-rebuilt; emitter-appended) ---
"""Pipeline reference for scband-baseline-max-unpool2-d-32727650796049 (READ-ONLY COPY).

The authoritative reference and input builder live on the scoring server;
editing this copy changes nothing except your own understanding.
"""

import jax, jax.numpy as jnp
import numpy as np

IN_KS = 2
STRIDE = 2


def setup_inputs(seed: int = 0) -> dict:
    key = jax.random.key(seed)
    k1, k2 = jax.random.split(key)
    B, C, H, W = 4, 96, 192, 192
    # target unpooled size (the `size` forward arg), as in torch: size=(384, 384)
    size = jnp.array([384, 384], dtype=jnp.int32)
    # even kernel -> up_size = (size[0]+1, size[1]+1) = (385, 385)
    up_hw = 385 * 385
    x = jax.random.normal(k1, (B, C, H, W), dtype=jnp.float32)
    indices = jax.random.randint(k2, (B, C, H, W), 0, up_hw, dtype=jnp.int32)
    return {"x": x, "indices": indices, "size": size}


def reference(x, indices, size):
    in_ks = IN_KS
    b, c, h, w = x.shape
    s0 = h * STRIDE
    s1 = w * STRIDE
    if in_ks % 2 == 1:
        up = (s0 + in_ks - 1, s1 + in_ks - 1)
    else:
        up = (s0 + 1, s1 + 1)
    xf = x.reshape(b, c, h * w)
    idx = indices.reshape(b, c, h * w) + 0 * (size[0] + size[1])
    # MaxUnpool2d: scatter x values into zero output at flattened spatial positions
    out = jnp.zeros((b, c, up[0] * up[1]), dtype=x.dtype)
    bi = jnp.arange(b)[:, None, None]
    ci = jnp.arange(c)[None, :, None]
    out = out.at[bi, ci, idx].set(xf)
    out = out.reshape(b, c, up[0], up[1])
    # _unpad
    unpad = in_ks // 2
    if in_ks % 2 == 1:
        return out[:, :, unpad:-unpad, unpad:-unpad]
    return out[:, :, :-unpad, :-unpad]

if __name__ == "__main__":
    import jax
    _d = setup_inputs()
    print(jax.jit(kernel)(*tuple(_d.values())))

</pallas_src>

<mosaic_0001>
#map = affine_map<(d0, d1) -> (0)>
#map1 = affine_map<(d0, d1) -> (0, 0)>
module attributes {stable_mosaic.version = 14 : i64} {
  func.func @_consume_body(%arg0: i32, %arg1: i32, %arg2: memref<14155776xi32, #tpu.memory_space<hbm>>, %arg3: memref<14155776xf32, #tpu.memory_space<hbm>>, %arg4: memref<32x80xi32, #tpu.memory_space<hbm>>, %arg5: memref<56623104xf32, #tpu.memory_space<hbm>>, %arg6: memref<8208xi32, #tpu.memory_space<vmem>>, %arg7: memref<8208xf32, #tpu.memory_space<vmem>>, %arg8: memref<24576xf32, #tpu.memory_space<vmem>>, %arg9: memref<24576xf32, #tpu.memory_space<vmem>>, %arg10: memref<80xi32, #tpu.memory_space<vmem>>, %arg11: memref<!tpu.dma_semaphore, #tpu.memory_space<semaphore_mem>>, %arg12: memref<!tpu.dma_semaphore, #tpu.memory_space<semaphore_mem>>, %arg13: memref<!tpu.dma_semaphore, #tpu.memory_space<semaphore_mem>>) attributes {dimension_semantics = [#tpu.dimension_semantics<core_parallel>, #tpu.dimension_semantics<subcore_parallel>], iteration_bounds = array<i64: 2, 16>, scalar_prefetch = 0 : i64, scratch_operands = 8 : i64, tpu.core_type = #tpu.core_type<sc_vector_subcore>, window_params = [{transform_indices = #map}, {transform_indices = #map}, {transform_indices = #map1}, {transform_indices = #map}]} {
    %mul3A = arith.constant 2 : i32
    %mul3A_0 = arith.muli %arg1, %mul3A : i32
    %add3A = arith.addi %mul3A_0, %arg0 : i32
    "tpu.region"() ({
      %run_scoped3A = tpu.sem_alloc : memref<!tpu.dma_semaphore, #tpu.memory_space<semaphore_mem>>
      %dma_start3A = arith.constant 0 : i32
      %dma_start3A_14 = tpu.memref_slice %arg4[%add3A, %dma_start3A] : memref<32x80xi32, #tpu.memory_space<hbm>> -> memref<1x80xi32, #tpu.memory_space<hbm>>
      %dma_start3A_15 = tpu.memref_squeeze %dma_start3A_14 : memref<1x80xi32, #tpu.memory_space<hbm>> -> memref<80xi32, #tpu.memory_space<hbm>>
      %dma_start3A_16 = arith.constant 0 : i32
      %dma_start3A_17 = tpu.memref_slice %arg4[%add3A, %dma_start3A_16] : memref<32x80xi32, #tpu.memory_space<hbm>> -> memref<1x80xi32, #tpu.memory_space<hbm>>
      %dma_start3A_18 = tpu.memref_squeeze %dma_start3A_17 : memref<1x80xi32, #tpu.memory_space<hbm>> -> memref<80xi32, #tpu.memory_space<hbm>>
      tpu.enqueue_dma source(%dma_start3A_18 : memref<80xi32, #tpu.memory_space<hbm>>) target(%arg10 : memref<80xi32, #tpu.memory_space<vmem>>) target_semaphore(%run_scoped3A : memref<!tpu.dma_semaphore, #tpu.memory_space<semaphore_mem>>)
      %dma_wait3A_19 = arith.constant 0 : i32
      %dma_wait3A_20 = tpu.memref_slice %arg4[%add3A, %dma_wait3A_19] : memref<32x80xi32, #tpu.memory_space<hbm>> -> memref<1x80xi32, #tpu.memory_space<hbm>>
      %dma_wait3A_21 = tpu.memref_squeeze %dma_wait3A_20 : memref<1x80xi32, #tpu.memory_space<hbm>> -> memref<80xi32, #tpu.memory_space<hbm>>
      %dma_wait3A_22 = arith.constant 0 : i32
      %dma_wait3A_23 = tpu.memref_slice %arg4[%add3A, %dma_wait3A_22] : memref<32x80xi32, #tpu.memory_space<hbm>> -> memref<1x80xi32, #tpu.memory_space<hbm>>
      %dma_wait3A_24 = tpu.memref_squeeze %dma_wait3A_23 : memref<1x80xi32, #tpu.memory_space<hbm>> -> memref<80xi32, #tpu.memory_space<hbm>>
      tpu.wait_dma2 semaphore(%run_scoped3A : memref<!tpu.dma_semaphore, #tpu.memory_space<semaphore_mem>>) src(%dma_wait3A_24 : memref<80xi32, #tpu.memory_space<hbm>>) dst(%arg10 : memref<80xi32, #tpu.memory_space<vmem>>)
      tpu.yield
    }) : () -> ()
    %broadcast_in_dim3A = arith.constant 2147483647 : i32
    %broadcast_in_dim3A_1 = vector.broadcast %broadcast_in_dim3A : i32 to vector<16xi32>
    %swap3A = arith.constant 8192 : index
    %swap3A_2 = tpu.vector_load %arg6[%swap3A] {strides = array<i32>} : memref<8208xi32, #tpu.memory_space<vmem>>, vector<16xi32>,
    tpu.vector_store %arg6[%swap3A], %broadcast_in_dim3A_1 {strides = array<i32>} : memref<8208xi32, #tpu.memory_space<vmem>>, vector<16xi32>,
    %scan3A = arith.constant 0 : i32
    %scan3A_3 = arith.constant 12 : i32
    %scan3A_4 = arith.addi %scan3A, %scan3A_3 : i32
    %scan3A_5 = arith.constant 1 : i32
    scf.for %scan3A_14 = %scan3A to %scan3A_4 step %scan3A_5  : i32 {
      %mul3A_15 = arith.constant 12 : i32
      %mul3A_16 = arith.muli %add3A, %mul3A_15 : i32
      %add3A_17 = arith.addi %mul3A_16, %scan3A_14 : i32
      %mul3A_18 = arith.constant 148225 : i32
      %mul3A_19 = arith.muli %add3A_17, %mul3A_18 : i32
      %mul3A_20 = arith.constant 147456 : i32
      %mul3A_21 = arith.muli %add3A_17, %mul3A_20 : i32
      %mul3A_22 = arith.constant 6 : i32
      %mul3A_23 = arith.muli %scan3A_14, %mul3A_22 : i32
      %add3A_24 = arith.constant 0 : i32
      %add3A_25 = arith.addi %mul3A_23, %add3A_24 : i32
      %shift_right_arithmetic3A = arith.constant 4 : i32
      %shift_right_arithmetic3A_26 = arith.shrsi %add3A_25, %shift_right_arithmetic3A : i32
      %mul3A_27 = arith.constant 16 : i32
      %mul3A_28 = arith.muli %shift_right_arithmetic3A_26, %mul3A_27 : i32
      %get3A = arith.index_cast %mul3A_28 : i32 to index
      %get3A_29 = tpu.vector_load %arg10[%get3A] {strides = array<i32>} : memref<80xi32, #tpu.memory_space<vmem>>, vector<16xi32>,
      %iota3A = tpu.iota {dimensions = array<i32: 0>} : vector<16xi32>
      %and3A = arith.constant 15 : i32
      %and3A_30 = arith.andi %add3A_25, %and3A : i32
      %eq3A = vector.broadcast %and3A_30 : i32 to vector<16xi32>
      %eq3A_31 = arith.cmpi eq, %iota3A, %eq3A : vector<16xi32>
      %jit3A = arith.constant -2147483648 : i32
      %broadcast_in_dim3A_32 = vector.broadcast %jit3A : i32 to vector<16xi32>
      %select_n3A = arith.select %eq3A_31, %get3A_29, %broadcast_in_dim3A_32 : vector<16xi1>, vector<16xi32>
      %reduce_max3A = arith.constant true
      %reduce_max3A_33 = vector.broadcast %reduce_max3A : i1 to vector<16xi1>
      %reduce_max3A_34 = arith.constant -2147483648 : i32
      %reduce_max3A_35 = vector.broadcast %reduce_max3A_34 : i32 to vector<16xi32>
      %reduce_max3A_36 = arith.xori %select_n3A, %reduce_max3A_35 : vector<16xi32>
      %reduce_max3A_37 = tpu.scan <max>, %reduce_max3A_36 masked %reduce_max3A_33 : vector<16xi32>, vector<16xi1> -> vector<16xi32>
      %reduce_max3A_38 = arith.xori %reduce_max3A_37, %reduce_max3A_35 : vector<16xi32>
      %reduce_max3A_39 = vector.extract %reduce_max3A_38[15] : i32 from vector<16xi32>
      %mul3A_40 = arith.constant 6 : i32
      %mul3A_41 = arith.muli %scan3A_14, %mul3A_40 : i32
      %add3A_42 = arith.constant 0 : i32
      %add3A_43 = arith.addi %mul3A_41, %add3A_42 : i32
      %add3A_44 = arith.constant 1 : i32
      %add3A_45 = arith.addi %add3A_43, %add3A_44 : i32
      %shift_right_arithmetic3A_46 = arith.constant 4 : i32
      %shift_right_arithmetic3A_47 = arith.shrsi %add3A_45, %shift_right_arithmetic3A_46 : i32
      %mul3A_48 = arith.constant 16 : i32
      %mul3A_49 = arith.muli %shift_right_arithmetic3A_47, %mul3A_48 : i32
      %get3A_50 = arith.index_cast %mul3A_49 : i32 to index
      %get3A_51 = tpu.vector_load %arg10[%get3A_50] {strides = array<i32>} : memref<80xi32, #tpu.memory_space<vmem>>, vector<16xi32>,
      %iota3A_52 = tpu.iota {dimensions = array<i32: 0>} : vector<16xi32>
      %and3A_53 = arith.constant 15 : i32
      %and3A_54 = arith.andi %add3A_45, %and3A_53 : i32
      %eq3A_55 = vector.broadcast %and3A_54 : i32 to vector<16xi32>
      %eq3A_56 = arith.cmpi eq, %iota3A_52, %eq3A_55 : vector<16xi32>
      %jit3A_57 = arith.constant -2147483648 : i32
      %broadcast_in_dim3A_58 = vector.broadcast %jit3A_57 : i32 to vector<16xi32>
      %select_n3A_59 = arith.select %eq3A_56, %get3A_51, %broadcast_in_dim3A_58 : vector<16xi1>, vector<16xi32>
      %reduce_max3A_60 = arith.constant true
      %reduce_max3A_61 = vector.broadcast %reduce_max3A_60 : i1 to vector<16xi1>
      %reduce_max3A_62 = arith.constant -2147483648 : i32
      %reduce_max3A_63 = vector.broadcast %reduce_max3A_62 : i32 to vector<16xi32>
      %reduce_max3A_64 = arith.xori %select_n3A_59, %reduce_max3A_63 : vector<16xi32>
      %reduce_max3A_65 = tpu.scan <max>, %reduce_max3A_64 masked %reduce_max3A_61 : vector<16xi32>, vector<16xi1> -> vector<16xi32>
      %reduce_max3A_66 = arith.xori %reduce_max3A_65, %reduce_max3A_63 : vector<16xi32>
      %reduce_max3A_67 = vector.extract %reduce_max3A_66[15] : i32 from vector<16xi32>
      %and3A_68 = arith.constant -8 : i32
      %and3A_69 = arith.andi %reduce_max3A_39, %and3A_68 : i32
      %min3A = arith.constant 14147584 : i32
      %min3A_70 = arith.minsi %and3A_69, %min3A : i32
      %multiple_of3A = tpu.assume_multiple %min3A_70, 8 : i32
      %sub3A = arith.subi %reduce_max3A_67, %reduce_max3A_39 : i32
      %min3A_71 = arith.constant 8184 : i32
      %min3A_72 = arith.minsi %sub3A, %min3A_71 : i32
      %add3A_73 = arith.constant 15 : i32
      %add3A_74 = arith.addi %min3A_72, %add3A_73 : i32
      %jit3A_75 = arith.constant 16 : i32
      %div3A = arith.divsi %add3A_74, %jit3A_75 : i32
      %sign3A = arith.constant 0 : i32
      %sign3A_76 = arith.cmpi sgt, %add3A_74, %sign3A : i32
      %sign3A_77 = arith.extui %sign3A_76 : i1 to i32
      %sign3A_78 = arith.constant 0 : i32
      %sign3A_79 = arith.cmpi slt, %add3A_74, %sign3A_78 : i32
      %sign3A_80 = arith.extui %sign3A_79 : i1 to i32
      %sign3A_81 = arith.subi %sign3A_77, %sign3A_80 : i32
      %sign3A_82 = arith.constant 0 : i32
      %sign3A_83 = arith.cmpi sgt, %jit3A_75, %sign3A_82 : i32
      %sign3A_84 = arith.extui %sign3A_83 : i1 to i32
      %sign3A_85 = arith.constant 0 : i32
      %sign3A_86 = arith.cmpi slt, %jit3A_75, %sign3A_85 : i32
      %sign3A_87 = arith.extui %sign3A_86 : i1 to i32
      %sign3A_88 = arith.subi %sign3A_84, %sign3A_87 : i32
      %ne3A = arith.cmpi ne, %sign3A_81, %sign3A_88 : i32
      %rem3A = arith.remsi %add3A_74, %jit3A_75 : i32
      %ne3A_89 = arith.constant 0 : i32
      %ne3A_90 = arith.cmpi ne, %rem3A, %ne3A_89 : i32
      %and3A_91 = arith.andi %ne3A, %ne3A_90 : i1
      %sub3A_92 = arith.constant 1 : i32
      %sub3A_93 = arith.subi %div3A, %sub3A_92 : i32
      %select_n3A_94 = arith.select %and3A_91, %sub3A_93, %div3A : i32
      %dma_start3A = arith.constant 0 : i32
      %dma_start3A_95 = tpu.memref_slice %arg6[%dma_start3A] : memref<8208xi32, #tpu.memory_space<vmem>> -> memref<8192xi32, #tpu.memory_space<vmem>>
      %dma_start3A_96 = tpu.memref_slice %arg2[%multiple_of3A] : memref<14155776xi32, #tpu.memory_space<hbm>> -> memref<8192xi32, #tpu.memory_space<hbm>>
      %dma_start3A_97 = arith.constant 0 : i32
      %dma_start3A_98 = tpu.memref_slice %arg6[%dma_start3A_97] : memref<8208xi32, #tpu.memory_space<vmem>> -> memref<8192xi32, #tpu.memory_space<vmem>>
      %dma_start3A_99 = tpu.memref_slice %arg2[%multiple_of3A] : memref<14155776xi32, #tpu.memory_space<hbm>> -> memref<8192xi32, #tpu.memory_space<hbm>>
      tpu.enqueue_dma source(%dma_start3A_99 : memref<8192xi32, #tpu.memory_space<hbm>>) target(%dma_start3A_98 : memref<8192xi32, #tpu.memory_space<vmem>>) target_semaphore(%arg11 : memref<!tpu.dma_semaphore, #tpu.memory_space<semaphore_mem>>)
      %dma_start3A_100 = arith.constant 0 : i32
      %dma_start3A_101 = tpu.memref_slice %arg7[%dma_start3A_100] : memref<8208xf32, #tpu.memory_space<vmem>> -> memref<8192xf32, #tpu.memory_space<vmem>>
      %dma_start3A_102 = tpu.memref_slice %arg3[%multiple_of3A] : memref<14155776xf32, #tpu.memory_space<hbm>> -> memref<8192xf32, #tpu.memory_space<hbm>>
      %dma_start3A_103 = arith.constant 0 : i32
      %dma_start3A_104 = tpu.memref_slice %arg7[%dma_start3A_103] : memref<8208xf32, #tpu.memory_space<vmem>> -> memref<8192xf32, #tpu.memory_space<vmem>>
      %dma_start3A_105 = tpu.memref_slice %arg3[%multiple_of3A] : memref<14155776xf32, #tpu.memory_space<hbm>> -> memref<8192xf32, #tpu.memory_space<hbm>>
      tpu.enqueue_dma source(%dma_start3A_105 : memref<8192xf32, #tpu.memory_space<hbm>>) target(%dma_start3A_104 : memref<8192xf32, #tpu.memory_space<vmem>>) target_semaphore(%arg11 : memref<!tpu.dma_semaphore, #tpu.memory_space<semaphore_mem>>)
      %gt3A = arith.constant 0 : i32
      %gt3A_106 = arith.cmpi sgt, %scan3A_14, %gt3A : i32
      %convert_element_type3A = arith.extui %gt3A_106 : i1 to i32
      %cond3A = arith.constant 0 : i32
      %cond3A_107 = arith.cmpi ne, %convert_element_type3A, %cond3A : i32
      scf.if %cond3A_107 {
        %dma_wait3A_832 = arith.constant 0 : i32
        %dma_wait3A_833 = tpu.memref_slice %arg5[%dma_wait3A_832] : memref<56623104xf32, #tpu.memory_space<hbm>> -> memref<24576xf32, #tpu.memory_space<hbm>>
        %dma_wait3A_834 = arith.constant 0 : i32
        %dma_wait3A_835 = tpu.memref_slice %arg5[%dma_wait3A_834] : memref<56623104xf32, #tpu.memory_space<hbm>> -> memref<24576xf32, #tpu.memory_space<hbm>>
        tpu.wait_dma2 semaphore(%arg12 : memref<!tpu.dma_semaphore, #tpu.memory_space<semaphore_mem>>) src(%dma_wait3A_835 : memref<24576xf32, #tpu.memory_space<hbm>>) dst(%arg8 : memref<24576xf32, #tpu.memory_space<vmem>>)
      } else {
      }
      %scan3A_108 = arith.constant 0 : i32
      %scan3A_109 = arith.constant 1536 : i32
      %scan3A_110 = arith.addi %scan3A_108, %scan3A_109 : i32
      %scan3A_111 = arith.constant 1 : i32
      scf.for %scan3A_832 = %scan3A_108 to %scan3A_110 step %scan3A_111  : i32 {
        %broadcast_in_dim3A_833 = arith.constant 0.000000e+00 : f32
        %broadcast_in_dim3A_834 = vector.broadcast %broadcast_in_dim3A_833 : f32 to vector<16xf32>
        %mul3A_835 = arith.constant 16 : i32
        %mul3A_836 = arith.muli %scan3A_832, %mul3A_835 : i32
        %swap3A_837 = arith.index_cast %mul3A_836 : i32 to index
        %swap3A_838 = tpu.vector_load %arg8[%swap3A_837] {strides = array<i32>} : memref<24576xf32, #tpu.memory_space<vmem>>, vector<16xf32>,
        tpu.vector_store %arg8[%swap3A_837], %broadcast_in_dim3A_834 {strides = array<i32>} : memref<24576xf32, #tpu.memory_space<vmem>>, vector<16xf32>,
      }
      %scan3A_112 = arith.constant 1536 : i32
      %dma_wait3A_113 = arith.constant 0 : i32
      %dma_wait3A_114 = tpu.memref_slice %arg6[%dma_wait3A_113] : memref<8208xi32, #tpu.memory_space<vmem>> -> memref<8192xi32, #tpu.memory_space<vmem>>
      %dma_wait3A_115 = tpu.memref_slice %arg2[%multiple_of3A] : memref<14155776xi32, #tpu.memory_space<hbm>> -> memref<8192xi32, #tpu.memory_space<hbm>>
      %dma_wait3A_116 = arith.constant 0 : i32
      %dma_wait3A_117 = tpu.memref_slice %arg6[%dma_wait3A_116] : memref<8208xi32, #tpu.memory_space<vmem>> -> memref<8192xi32, #tpu.memory_space<vmem>>
      %dma_wait3A_118 = tpu.memref_slice %arg2[%multiple_of3A] : memref<14155776xi32, #tpu.memory_space<hbm>> -> memref<8192xi32, #tpu.memory_space<hbm>>
      tpu.wait_dma2 semaphore(%arg11 : memref<!tpu.dma_semaphore, #tpu.memory_space<semaphore_mem>>) src(%dma_wait3A_118 : memref<8192xi32, #tpu.memory_space<hbm>>) dst(%dma_wait3A_117 : memref<8192xi32, #tpu.memory_space<vmem>>)
      %dma_wait3A_119 = arith.constant 0 : i32
      %dma_wait3A_120 = tpu.memref_slice %arg7[%dma_wait3A_119] : memref<8208xf32, #tpu.memory_space<vmem>> -> memref<8192xf32, #tpu.memory_space<vmem>>
      %dma_wait3A_121 = tpu.memref_slice %arg3[%multiple_of3A] : memref<14155776xf32, #tpu.memory_space<hbm>> -> memref<8192xf32, #tpu.memory_space<hbm>>
      %dma_wait3A_122 = arith.constant 0 : i32
      %dma_wait3A_123 = tpu.memref_slice %arg7[%dma_wait3A_122] : memref<8208xf32, #tpu.memory_space<vmem>> -> memref<8192xf32, #tpu.memory_space<vmem>>
      %dma_wait3A_124 = tpu.memref_slice %arg3[%multiple_of3A] : memref<14155776xf32, #tpu.memory_space<hbm>> -> memref<8192xf32, #tpu.memory_space<hbm>>
      tpu.wait_dma2 semaphore(%arg11 : memref<!tpu.dma_semaphore, #tpu.memory_space<semaphore_mem>>) src(%dma_wait3A_124 : memref<8192xf32, #tpu.memory_space<hbm>>) dst(%dma_wait3A_123 : memref<8192xf32, #tpu.memory_space<vmem>>)
      %sub3A_125 = arith.subi %reduce_max3A_39, %multiple_of3A : i32
      %add3A_126 = arith.constant 0 : i32
      %add3A_127 = arith.addi %mul3A_19, %add3A_126 : i32
      %while3A = arith.constant 0 : i32
      %while3A_128 = arith.subi %select_n3A_94, %while3A : i32
      %while3A_129 = arith.addi %while3A, %while3A_128 : i32
      %while3A_130 = arith.constant 1 : i32
      %while3A_131 = arith.divsi %while3A_128, %while3A_130 : i32
      %while3A_132 = arith.muli %while3A_131, %while3A_130 : i32
      %while3A_133 = arith.addi %while3A, %while3A_132 : i32
      %while3A_134 = arith.constant 1 : i32
      scf.for %while3A_832 = %while3A to %while3A_133 step %while3A_134  : i32 {
        %mul3A_833 = arith.constant 16 : i32
        %mul3A_834 = arith.muli %while3A_832, %mul3A_833 : i32
        %add3A_835 = arith.addi %sub3A_125, %mul3A_834 : i32
        %get3A_836 = arith.index_cast %add3A_835 : i32 to index
        %get3A_837 = tpu.vector_load %arg6[%get3A_836] {strides = array<i32>} : memref<8208xi32, #tpu.memory_space<vmem>>, vector<16xi32>,
        %add3A_838 = arith.constant 1 : i32
        %add3A_839 = arith.addi %add3A_835, %add3A_838 : i32
        %get3A_840 = arith.index_cast %add3A_839 : i32 to index
        %get3A_841 = tpu.vector_load %arg6[%get3A_840] {strides = array<i32>} : memref<8208xi32, #tpu.memory_space<vmem>>, vector<16xi32>,
        %get3A_842 = arith.index_cast %add3A_835 : i32 to index
        %get3A_843 = tpu.vector_load %arg7[%get3A_842] {strides = array<i32>} : memref<8208xf32, #tpu.memory_space<vmem>>, vector<16xf32>,
        %iota3A_844 = tpu.iota {dimensions = array<i32: 0>} : vector<16xi32>
        %mul3A_845 = arith.constant 16 : i32
        %mul3A_846 = arith.muli %while3A_832, %mul3A_845 : i32
        %add3A_847 = vector.broadcast %mul3A_846 : i32 to vector<16xi32>
        %add3A_848 = arith.addi %iota3A_844, %add3A_847 : vector<16xi32>
        %ne3A_849 = arith.cmpi ne, %get3A_837, %get3A_841 : vector<16xi32>
        %lt3A = vector.broadcast %min3A_72 : i32 to vector<16xi32>
        %lt3A_850 = arith.cmpi slt, %add3A_848, %lt3A : vector<16xi32>
        %and3A_851 = arith.andi %ne3A_849, %lt3A_850 : vector<16xi1>
        %sub3A_852 = vector.broadcast %add3A_127 : i32 to vector<16xi32>
        %sub3A_853 = arith.subi %get3A_837, %sub3A_852 : vector<16xi32>
        %mul3A_854 = arith.constant 21791 : i32
        %mul3A_855 = vector.broadcast %mul3A_854 : i32 to vector<16xi32>
        %mul3A_856 = arith.muli %sub3A_853, %mul3A_855 : vector<16xi32>
        %shift_right_logical3A = arith.constant 23 : i32
        %shift_right_logical3A_857 = vector.broadcast %shift_right_logical3A : i32 to vector<16xi32>
        %shift_right_logical3A_858 = arith.shrui %mul3A_856, %shift_right_logical3A_857 : vector<16xi32>
        %mul3A_859 = arith.constant 385 : i32
        %mul3A_860 = vector.broadcast %mul3A_859 : i32 to vector<16xi32>
        %mul3A_861 = arith.muli %shift_right_logical3A_858, %mul3A_860 : vector<16xi32>
        %sub3A_862 = arith.subi %sub3A_853, %mul3A_861 : vector<16xi32>
        %lt3A_863 = arith.constant 0 : i32
        %lt3A_864 = vector.broadcast %lt3A_863 : i32 to vector<16xi32>
        %lt3A_865 = arith.cmpi slt, %sub3A_862, %lt3A_864 : vector<16xi32>
        %sub3A_866 = arith.constant 1 : i32
        %sub3A_867 = vector.broadcast %sub3A_866 : i32 to vector<16xi32>
        %sub3A_868 = arith.subi %shift_right_logical3A_858, %sub3A_867 : vector<16xi32>
        %select_n3A_869 = arith.select %lt3A_865, %sub3A_868, %shift_right_logical3A_858 : vector<16xi1>, vector<16xi32>
        %add3A_870 = arith.constant 385 : i32
        %add3A_871 = vector.broadcast %add3A_870 : i32 to vector<16xi32>
        %add3A_872 = arith.addi %sub3A_862, %add3A_871 : vector<16xi32>
        %select_n3A_873 = arith.select %lt3A_865, %add3A_872, %sub3A_862 : vector<16xi1>, vector<16xi32>
        %lt3A_874 = arith.constant 64 : i32
        %lt3A_875 = vector.broadcast %lt3A_874 : i32 to vector<16xi32>
        %lt3A_876 = arith.cmpi slt, %select_n3A_869, %lt3A_875 : vector<16xi32>
        %and3A_877 = arith.andi %and3A_851, %lt3A_876 : vector<16xi1>
        %lt3A_878 = arith.constant 384 : i32
        %lt3A_879 = vector.broadcast %lt3A_878 : i32 to vector<16xi32>
        %lt3A_880 = arith.cmpi slt, %select_n3A_873, %lt3A_879 : vector<16xi32>
        %and3A_881 = arith.andi %and3A_877, %lt3A_880 : vector<16xi1>
        %mul3A_882 = arith.constant 384 : i32
        %mul3A_883 = vector.broadcast %mul3A_882 : i32 to vector<16xi32>
        %mul3A_884 = arith.muli %select_n3A_869, %mul3A_883 : vector<16xi32>
        %add3A_885 = arith.addi %mul3A_884, %select_n3A_873 : vector<16xi32>
        tpu.vector_store_idx %arg8[%add3A_885], %get3A_843 masked %and3A_881 : memref<24576xf32, #tpu.memory_space<vmem>>[vector<16xi32>], vector<16xf32>, vector<16xi1>
      }
      %while3A_135 = arith.constant 1 : i32
      scf.for %while3A_832 = %while3A_133 to %while3A_129 step %while3A_135  : i32 {
        %mul3A_833 = arith.constant 16 : i32
        %mul3A_834 = arith.muli %while3A_832, %mul3A_833 : i32
        %add3A_835 = arith.addi %sub3A_125, %mul3A_834 : i32
        %get3A_836 = arith.index_cast %add3A_835 : i32 to index
        %get3A_837 = tpu.vector_load %arg6[%get3A_836] {strides = array<i32>} : memref<8208xi32, #tpu.memory_space<vmem>>, vector<16xi32>,
        %add3A_838 = arith.constant 1 : i32
        %add3A_839 = arith.addi %add3A_835, %add3A_838 : i32
        %get3A_840 = arith.index_cast %add3A_839 : i32 to index
        %get3A_841 = tpu.vector_load %arg6[%get3A_840] {strides = array<i32>} : memref<8208xi32, #tpu.memory_space<vmem>>, vector<16xi32>,
        %get3A_842 = arith.index_cast %add3A_835 : i32 to index
        %get3A_843 = tpu.vector_load %arg7[%get3A_842] {strides = array<i32>} : memref<8208xf32, #tpu.memory_space<vmem>>, vector<16xf32>,
        %iota3A_844 = tpu.iota {dimensions = array<i32: 0>} : vector<16xi32>
        %mul3A_845 = arith.constant 16 : i32
        %mul3A_846 = arith.muli %while3A_832, %mul3A_845 : i32
        %add3A_847 = vector.broadcast %mul3A_846 : i32 to vector<16xi32>
        %add3A_848 = arith.addi %iota3A_844, %add3A_847 : vector<16xi32>
        %ne3A_849 = arith.cmpi ne, %get3A_837, %get3A_841 : vector<16xi32>
        %lt3A = vector.broadcast %min3A_72 : i32 to vector<16xi32>
        %lt3A_850 = arith.cmpi slt, %add3A_848, %lt3A : vector<16xi32>
        %and3A_851 = arith.andi %ne3A_849, %lt3A_850 : vector<16xi1>
        %sub3A_852 = vector.broadcast %add3A_127 : i32 to vector<16xi32>
        %sub3A_853 = arith.subi %get3A_837, %sub3A_852 : vector<16xi32>
        %mul3A_854 = arith.constant 21791 : i32
        %mul3A_855 = vector.broadcast %mul3A_854 : i32 to vector<16xi32>
        %mul3A_856 = arith.muli %sub3A_853, %mul3A_855 : vector<16xi32>
        %shift_right_logical3A = arith.constant 23 : i32
        %shift_right_logical3A_857 = vector.broadcast %shift_right_logical3A : i32 to vector<16xi32>
        %shift_right_logical3A_858 = arith.shrui %mul3A_856, %shift_right_logical3A_857 : vector<16xi32>
        %mul3A_859 = arith.constant 385 : i32
        %mul3A_860 = vector.broadcast %mul3A_859 : i32 to vector<16xi32>
        %mul3A_861 = arith.muli %shift_right_logical3A_858, %mul3A_860 : vector<16xi32>
        %sub3A_862 = arith.subi %sub3A_853, %mul3A_861 : vector<16xi32>
        %lt3A_863 = arith.constant 0 : i32
        %lt3A_864 = vector.broadcast %lt3A_863 : i32 to vector<16xi32>
        %lt3A_865 = arith.cmpi slt, %sub3A_862, %lt3A_864 : vector<16xi32>
        %sub3A_866 = arith.constant 1 : i32
        %sub3A_867 = vector.broadcast %sub3A_866 : i32 to vector<16xi32>
        %sub3A_868 = arith.subi %shift_right_logical3A_858, %sub3A_867 : vector<16xi32>
        %select_n3A_869 = arith.select %lt3A_865, %sub3A_868, %shift_right_logical3A_858 : vector<16xi1>, vector<16xi32>
        %add3A_870 = arith.constant 385 : i32
        %add3A_871 = vector.broadcast %add3A_870 : i32 to vector<16xi32>
        %add3A_872 = arith.addi %sub3A_862, %add3A_871 : vector<16xi32>
        %select_n3A_873 = arith.select %lt3A_865, %add3A_872, %sub3A_862 : vector<16xi1>, vector<16xi32>
        %lt3A_874 = arith.constant 64 : i32
        %lt3A_875 = vector.broadcast %lt3A_874 : i32 to vector<16xi32>
        %lt3A_876 = arith.cmpi slt, %select_n3A_869, %lt3A_875 : vector<16xi32>
        %and3A_877 = arith.andi %and3A_851, %lt3A_876 : vector<16xi1>
        %lt3A_878 = arith.constant 384 : i32
        %lt3A_879 = vector.broadcast %lt3A_878 : i32 to vector<16xi32>
        %lt3A_880 = arith.cmpi slt, %select_n3A_873, %lt3A_879 : vector<16xi32>
        %and3A_881 = arith.andi %and3A_877, %lt3A_880 : vector<16xi1>
        %mul3A_882 = arith.constant 384 : i32
        %mul3A_883 = vector.broadcast %mul3A_882 : i32 to vector<16xi32>
        %mul3A_884 = arith.muli %select_n3A_869, %mul3A_883 : vector<16xi32>
        %add3A_885 = arith.addi %mul3A_884, %select_n3A_873 : vector<16xi32>
        tpu.vector_store_idx %arg8[%add3A_885], %get3A_843 masked %and3A_881 : memref<24576xf32, #tpu.memory_space<vmem>>[vector<16xi32>], vector<16xf32>, vector<16xi1>
      }
      %add3A_136 = arith.constant 0 : i32
      %add3A_137 = arith.addi %mul3A_21, %add3A_136 : i32
      %multiple_of3A_138 = tpu.assume_multiple %add3A_137, 8 : i32
      %dma_start3A_139 = tpu.memref_slice %arg5[%multiple_of3A_138] : memref<56623104xf32, #tpu.memory_space<hbm>> -> memref<24576xf32, #tpu.memory_space<hbm>>
      %dma_start3A_140 = tpu.memref_slice %arg5[%multiple_of3A_138] : memref<56623104xf32, #tpu.memory_space<hbm>> -> memref<24576xf32, #tpu.memory_space<hbm>>
      tpu.enqueue_dma source(%arg8 : memref<24576xf32, #tpu.memory_space<vmem>>) target(%dma_start3A_140 : memref<24576xf32, #tpu.memory_space<hbm>>) target_semaphore(%arg12 : memref<!tpu.dma_semaphore, #tpu.memory_space<semaphore_mem>>)
      %mul3A_141 = arith.constant 6 : i32
      %mul3A_142 = arith.muli %scan3A_14, %mul3A_141 : i32
      %add3A_143 = arith.constant 1 : i32
      %add3A_144 = arith.addi %mul3A_142, %add3A_143 : i32
      %shift_right_arithmetic3A_145 = arith.constant 4 : i32
      %shift_right_arithmetic3A_146 = arith.shrsi %add3A_144, %shift_right_arithmetic3A_145 : i32
      %mul3A_147 = arith.constant 16 : i32
      %mul3A_148 = arith.muli %shift_right_arithmetic3A_146, %mul3A_147 : i32
      %get3A_149 = arith.index_cast %mul3A_148 : i32 to index
      %get3A_150 = tpu.vector_load %arg10[%get3A_149] {strides = array<i32>} : memref<80xi32, #tpu.memory_space<vmem>>, vector<16xi32>,
      %iota3A_151 = tpu.iota {dimensions = array<i32: 0>} : vector<16xi32>
      %and3A_152 = arith.constant 15 : i32
      %and3A_153 = arith.andi %add3A_144, %and3A_152 : i32
      %eq3A_154 = vector.broadcast %and3A_153 : i32 to vector<16xi32>
      %eq3A_155 = arith.cmpi eq, %iota3A_151, %eq3A_154 : vector<16xi32>
      %jit3A_156 = arith.constant -2147483648 : i32
      %broadcast_in_dim3A_157 = vector.broadcast %jit3A_156 : i32 to vector<16xi32>
      %select_n3A_158 = arith.select %eq3A_155, %get3A_150, %broadcast_in_dim3A_157 : vector<16xi1>, vector<16xi32>
      %reduce_max3A_159 = arith.constant true
      %reduce_max3A_160 = vector.broadcast %reduce_max3A_159 : i1 to vector<16xi1>
      %reduce_max3A_161 = arith.constant -2147483648 : i32
      %reduce_max3A_162 = vector.broadcast %reduce_max3A_161 : i32 to vector<16xi32>
      %reduce_max3A_163 = arith.xori %select_n3A_158, %reduce_max3A_162 : vector<16xi32>
      %reduce_max3A_164 = tpu.scan <max>, %reduce_max3A_163 masked %reduce_max3A_160 : vector<16xi32>, vector<16xi1> -> vector<16xi32>
      %reduce_max3A_165 = arith.xori %reduce_max3A_164, %reduce_max3A_162 : vector<16xi32>
      %reduce_max3A_166 = vector.extract %reduce_max3A_165[15] : i32 from vector<16xi32>
      %mul3A_167 = arith.constant 6 : i32
      %mul3A_168 = arith.muli %scan3A_14, %mul3A_167 : i32
      %add3A_169 = arith.constant 1 : i32
      %add3A_170 = arith.addi %mul3A_168, %add3A_169 : i32
      %add3A_171 = arith.constant 1 : i32
      %add3A_172 = arith.addi %add3A_170, %add3A_171 : i32
      %shift_right_arithmetic3A_173 = arith.constant 4 : i32
      %shift_right_arithmetic3A_174 = arith.shrsi %add3A_172, %shift_right_arithmetic3A_173 : i32
      %mul3A_175 = arith.constant 16 : i32
      %mul3A_176 = arith.muli %shift_right_arithmetic3A_174, %mul3A_175 : i32
      %get3A_177 = arith.index_cast %mul3A_176 : i32 to index
      %get3A_178 = tpu.vector_load %arg10[%get3A_177] {strides = array<i32>} : memref<80xi32, #tpu.memory_space<vmem>>, vector<16xi32>,
      %iota3A_179 = tpu.iota {dimensions = array<i32: 0>} : vector<16xi32>
      %and3A_180 = arith.constant 15 : i32
      %and3A_181 = arith.andi %add3A_172, %and3A_180 : i32
      %eq3A_182 = vector.broadcast %and3A_181 : i32 to vector<16xi32>
      %eq3A_183 = arith.cmpi eq, %iota3A_179, %eq3A_182 : vector<16xi32>
      %jit3A_184 = arith.constant -2147483648 : i32
      %broadcast_in_dim3A_185 = vector.broadcast %jit3A_184 : i32 to vector<16xi32>
      %select_n3A_186 = arith.select %eq3A_183, %get3A_178, %broadcast_in_dim3A_185 : vector<16xi1>, vector<16xi32>
      %reduce_max3A_187 = arith.constant true
      %reduce_max3A_188 = vector.broadcast %reduce_max3A_187 : i1 to vector<16xi1>
      %reduce_max3A_189 = arith.constant -2147483648 : i32
      %reduce_max3A_190 = vector.broadcast %reduce_max3A_189 : i32 to vector<16xi32>
      %reduce_max3A_191 = arith.xori %select_n3A_186, %reduce_max3A_190 : vector<16xi32>
      %reduce_max3A_192 = tpu.scan <max>, %reduce_max3A_191 masked %reduce_max3A_188 : vector<16xi32>, vector<16xi1> -> vector<16xi32>
      %reduce_max3A_193 = arith.xori %reduce_max3A_192, %reduce_max3A_190 : vector<16xi32>
      %reduce_max3A_194 = vector.extract %reduce_max3A_193[15] : i32 from vector<16xi32>
      %and3A_195 = arith.constant -8 : i32
      %and3A_196 = arith.andi %reduce_max3A_166, %and3A_195 : i32
      %min3A_197 = arith.constant 14147584 : i32
      %min3A_198 = arith.minsi %and3A_196, %min3A_197 : i32
      %multiple_of3A_199 = tpu.assume_multiple %min3A_198, 8 : i32
      %sub3A_200 = arith.subi %reduce_max3A_194, %reduce_max3A_166 : i32
      %min3A_201 = arith.constant 8184 : i32
      %min3A_202 = arith.minsi %sub3A_200, %min3A_201 : i32
      %add3A_203 = arith.constant 15 : i32
      %add3A_204 = arith.addi %min3A_202, %add3A_203 : i32
      %jit3A_205 = arith.constant 16 : i32
      %div3A_206 = arith.divsi %add3A_204, %jit3A_205 : i32
      %sign3A_207 = arith.constant 0 : i32
      %sign3A_208 = arith.cmpi sgt, %add3A_204, %sign3A_207 : i32
      %sign3A_209 = arith.extui %sign3A_208 : i1 to i32
      %sign3A_210 = arith.constant 0 : i32
      %sign3A_211 = arith.cmpi slt, %add3A_204, %sign3A_210 : i32
      %sign3A_212 = arith.extui %sign3A_211 : i1 to i32
      %sign3A_213 = arith.subi %sign3A_209, %sign3A_212 : i32
      %sign3A_214 = arith.constant 0 : i32
      %sign3A_215 = arith.cmpi sgt, %jit3A_205, %sign3A_214 : i32
      %sign3A_216 = arith.extui %sign3A_215 : i1 to i32
      %sign3A_217 = arith.constant 0 : i32
      %sign3A_218 = arith.cmpi slt, %jit3A_205, %sign3A_217 : i32
      %sign3A_219 = arith.extui %sign3A_218 : i1 to i32
      %sign3A_220 = arith.subi %sign3A_216, %sign3A_219 : i32
      %ne3A_221 = arith.cmpi ne, %sign3A_213, %sign3A_220 : i32
      %rem3A_222 = arith.remsi %add3A_204, %jit3A_205 : i32
      %ne3A_223 = arith.constant 0 : i32
      %ne3A_224 = arith.cmpi ne, %rem3A_222, %ne3A_223 : i32
      %and3A_225 = arith.andi %ne3A_221, %ne3A_224 : i1
      %sub3A_226 = arith.constant 1 : i32
      %sub3A_227 = arith.subi %div3A_206, %sub3A_226 : i32
      %select_n3A_228 = arith.select %and3A_225, %sub3A_227, %div3A_206 : i32
      %dma_start3A_229 = arith.constant 0 : i32
      %dma_start3A_230 = tpu.memref_slice %arg6[%dma_start3A_229] : memref<8208xi32, #tpu.memory_space<vmem>> -> memref<8192xi32, #tpu.memory_space<vmem>>
      %dma_start3A_231 = tpu.memref_slice %arg2[%multiple_of3A_199] : memref<14155776xi32, #tpu.memory_space<hbm>> -> memref<8192xi32, #tpu.memory_space<hbm>>
      %dma_start3A_232 = arith.constant 0 : i32
      %dma_start3A_233 = tpu.memref_slice %arg6[%dma_start3A_232] : memref<8208xi32, #tpu.memory_space<vmem>> -> memref<8192xi32, #tpu.memory_space<vmem>>
      %dma_start3A_234 = tpu.memref_slice %arg2[%multiple_of3A_199] : memref<14155776xi32, #tpu.memory_space<hbm>> -> memref<8192xi32, #tpu.memory_space<hbm>>
      tpu.enqueue_dma source(%dma_start3A_234 : memref<8192xi32, #tpu.memory_space<hbm>>) target(%dma_start3A_233 : memref<8192xi32, #tpu.memory_space<vmem>>) target_semaphore(%arg11 : memref<!tpu.dma_semaphore, #tpu.memory_space<semaphore_mem>>)
      %dma_start3A_235 = arith.constant 0 : i32
      %dma_start3A_236 = tpu.memref_slice %arg7[%dma_start3A_235] : memref<8208xf32, #tpu.memory_space<vmem>> -> memref<8192xf32, #tpu.memory_space<vmem>>
      %dma_start3A_237 = tpu.memref_slice %arg3[%multiple_of3A_199] : memref<14155776xf32, #tpu.memory_space<hbm>> -> memref<8192xf32, #tpu.memory_space<hbm>>
      %dma_start3A_238 = arith.constant 0 : i32
      %dma_start3A_239 = tpu.memref_slice %arg7[%dma_start3A_238] : memref<8208xf32, #tpu.memory_space<vmem>> -> memref<8192xf32, #tpu.memory_space<vmem>>
      %dma_start3A_240 = tpu.memref_slice %arg3[%multiple_of3A_199] : memref<14155776xf32, #tpu.memory_space<hbm>> -> memref<8192xf32, #tpu.memory_space<hbm>>
      tpu.enqueue_dma source(%dma_start3A_240 : memref<8192xf32, #tpu.memory_space<hbm>>) target(%dma_start3A_239 : memref<8192xf32, #tpu.memory_space<vmem>>) target_semaphore(%arg11 : memref<!tpu.dma_semaphore, #tpu.memory_space<semaphore_mem>>)
      %gt3A_241 = arith.constant 0 : i32
      %gt3A_242 = arith.cmpi sgt, %scan3A_14, %gt3A_241 : i32
      %convert_element_type3A_243 = arith.extui %gt3A_242 : i1 to i32
      %cond3A_244 = arith.constant 0 : i32
      %cond3A_245 = arith.cmpi ne, %convert_element_type3A_243, %cond3A_244 : i32
      scf.if %cond3A_245 {
        %dma_wait3A_832 = arith.constant 0 : i32
        %dma_wait3A_833 = tpu.memref_slice %arg5[%dma_wait3A_832] : memref<56623104xf32, #tpu.memory_space<hbm>> -> memref<24576xf32, #tpu.memory_space<hbm>>
        %dma_wait3A_834 = arith.constant 0 : i32
        %dma_wait3A_835 = tpu.memref_slice %arg5[%dma_wait3A_834] : memref<56623104xf32, #tpu.memory_space<hbm>> -> memref<24576xf32, #tpu.memory_space<hbm>>
        tpu.wait_dma2 semaphore(%arg13 : memref<!tpu.dma_semaphore, #tpu.memory_space<semaphore_mem>>) src(%dma_wait3A_835 : memref<24576xf32, #tpu.memory_space<hbm>>) dst(%arg9 : memref<24576xf32, #tpu.memory_space<vmem>>)
      } else {
      }
      %scan3A_246 = arith.constant 0 : i32
      %scan3A_247 = arith.constant 1536 : i32
      %scan3A_248 = arith.addi %scan3A_246, %scan3A_247 : i32
      %scan3A_249 = arith.constant 1 : i32
      scf.for %scan3A_832 = %scan3A_246 to %scan3A_248 step %scan3A_249  : i32 {
        %broadcast_in_dim3A_833 = arith.constant 0.000000e+00 : f32
        %broadcast_in_dim3A_834 = vector.broadcast %broadcast_in_dim3A_833 : f32 to vector<16xf32>
        %mul3A_835 = arith.constant 16 : i32
        %mul3A_836 = arith.muli %scan3A_832, %mul3A_835 : i32
        %swap3A_837 = arith.index_cast %mul3A_836 : i32 to index
        %swap3A_838 = tpu.vector_load %arg9[%swap3A_837] {strides = array<i32>} : memref<24576xf32, #tpu.memory_space<vmem>>, vector<16xf32>,
        tpu.vector_store %arg9[%swap3A_837], %broadcast_in_dim3A_834 {strides = array<i32>} : memref<24576xf32, #tpu.memory_space<vmem>>, vector<16xf32>,
      }
      %scan3A_250 = arith.constant 1536 : i32
      %dma_wait3A_251 = arith.constant 0 : i32
      %dma_wait3A_252 = tpu.memref_slice %arg6[%dma_wait3A_251] : memref<8208xi32, #tpu.memory_space<vmem>> -> memref<8192xi32, #tpu.memory_space<vmem>>
      %dma_wait3A_253 = tpu.memref_slice %arg2[%multiple_of3A_199] : memref<14155776xi32, #tpu.memory_space<hbm>> -> memref<8192xi32, #tpu.memory_space<hbm>>
      %dma_wait3A_254 = arith.constant 0 : i32
      %dma_wait3A_255 = tpu.memref_slice %arg6[%dma_wait3A_254] : memref<8208xi32, #tpu.memory_space<vmem>> -> memref<8192xi32, #tpu.memory_space<vmem>>
      %dma_wait3A_256 = tpu.memref_slice %arg2[%multiple_of3A_199] : memref<14155776xi32, #tpu.memory_space<hbm>> -> memref<8192xi32, #tpu.memory_space<hbm>>
      tpu.wait_dma2 semaphore(%arg11 : memref<!tpu.dma_semaphore, #tpu.memory_space<semaphore_mem>>) src(%dma_wait3A_256 : memref<8192xi32, #tpu.memory_space<hbm>>) dst(%dma_wait3A_255 : memref<8192xi32, #tpu.memory_space<vmem>>)
      %dma_wait3A_257 = arith.constant 0 : i32
      %dma_wait3A_258 = tpu.memref_slice %arg7[%dma_wait3A_257] : memref<8208xf32, #tpu.memory_space<vmem>> -> memref<8192xf32, #tpu.memory_space<vmem>>
      %dma_wait3A_259 = tpu.memref_slice %arg3[%multiple_of3A_199] : memref<14155776xf32, #tpu.memory_space<hbm>> -> memref<8192xf32, #tpu.memory_space<hbm>>
      %dma_wait3A_260 = arith.constant 0 : i32
      %dma_wait3A_261 = tpu.memref_slice %arg7[%dma_wait3A_260] : memref<8208xf32, #tpu.memory_space<vmem>> -> memref<8192xf32, #tpu.memory_space<vmem>>
      %dma_wait3A_262 = tpu.memref_slice %arg3[%multiple_of3A_199] : memref<14155776xf32, #tpu.memory_space<hbm>> -> memref<8192xf32, #tpu.memory_space<hbm>>
      tpu.wait_dma2 semaphore(%arg11 : memref<!tpu.dma_semaphore, #tpu.memory_space<semaphore_mem>>) src(%dma_wait3A_262 : memref<8192xf32, #tpu.memory_space<hbm>>) dst(%dma_wait3A_261 : memref<8192xf32, #tpu.memory_space<vmem>>)
      %sub3A_263 = arith.subi %reduce_max3A_166, %multiple_of3A_199 : i32
      %add3A_264 = arith.constant 24640 : i32
      %add3A_265 = arith.addi %mul3A_19, %add3A_264 : i32
      %while3A_266 = arith.constant 0 : i32
      %while3A_267 = arith.subi %select_n3A_228, %while3A_266 : i32
      %while3A_268 = arith.addi %while3A_266, %while3A_267 : i32
      %while3A_269 = arith.constant 1 : i32
      %while3A_270 = arith.divsi %while3A_267, %while3A_269 : i32
      %while3A_271 = arith.muli %while3A_270, %while3A_269 : i32
      %while3A_272 = arith.addi %while3A_266, %while3A_271 : i32
      %while3A_273 = arith.constant 1 : i32
      scf.for %while3A_832 = %while3A_266 to %while3A_272 step %while3A_273  : i32 {
        %mul3A_833 = arith.constant 16 : i32
        %mul3A_834 = arith.muli %while3A_832, %mul3A_833 : i32
        %add3A_835 = arith.addi %sub3A_263, %mul3A_834 : i32
        %get3A_836 = arith.index_cast %add3A_835 : i32 to index
        %get3A_837 = tpu.vector_load %arg6[%get3A_836] {strides = array<i32>} : memref<8208xi32, #tpu.memory_space<vmem>>, vector<16xi32>,
        %add3A_838 = arith.constant 1 : i32
        %add3A_839 = arith.addi %add3A_835, %add3A_838 : i32
        %get3A_840 = arith.index_cast %add3A_839 : i32 to index
        %get3A_841 = tpu.vector_load %arg6[%get3A_840] {strides = array<i32>} : memref<8208xi32, #tpu.memory_space<vmem>>, vector<16xi32>,
        %get3A_842 = arith.index_cast %add3A_835 : i32 to index
        %get3A_843 = tpu.vector_load %arg7[%get3A_842] {strides = array<i32>} : memref<8208xf32, #tpu.memory_space<vmem>>, vector<16xf32>,
        %iota3A_844 = tpu.iota {dimensions = array<i32: 0>} : vector<16xi32>
        %mul3A_845 = arith.constant 16 : i32
        %mul3A_846 = arith.muli %while3A_832, %mul3A_845 : i32
        %add3A_847 = vector.broadcast %mul3A_846 : i32 to vector<16xi32>
        %add3A_848 = arith.addi %iota3A_844, %add3A_847 : vector<16xi32>
        %ne3A_849 = arith.cmpi ne, %get3A_837, %get3A_841 : vector<16xi32>
        %lt3A = vector.broadcast %min3A_202 : i32 to vector<16xi32>
        %lt3A_850 = arith.cmpi slt, %add3A_848, %lt3A : vector<16xi32>
        %and3A_851 = arith.andi %ne3A_849, %lt3A_850 : vector<16xi1>
        %sub3A_852 = vector.broadcast %add3A_265 : i32 to vector<16xi32>
        %sub3A_853 = arith.subi %get3A_837, %sub3A_852 : vector<16xi32>
        %mul3A_854 = arith.constant 21791 : i32
        %mul3A_855 = vector.broadcast %mul3A_854 : i32 to vector<16xi32>
        %mul3A_856 = arith.muli %sub3A_853, %mul3A_855 : vector<16xi32>
        %shift_right_logical3A = arith.constant 23 : i32
        %shift_right_logical3A_857 = vector.broadcast %shift_right_logical3A : i32 to vector<16xi32>
        %shift_right_logical3A_858 = arith.shrui %mul3A_856, %shift_right_logical3A_857 : vector<16xi32>
        %mul3A_859 = arith.constant 385 : i32
        %mul3A_860 = vector.broadcast %mul3A_859 : i32 to vector<16xi32>
        %mul3A_861 = arith.muli %shift_right_logical3A_858, %mul3A_860 : vector<16xi32>
        %sub3A_862 = arith.subi %sub3A_853, %mul3A_861 : vector<16xi32>
        %lt3A_863 = arith.constant 0 : i32
        %lt3A_864 = vector.broadcast %lt3A_863 : i32 to vector<16xi32>
        %lt3A_865 = arith.cmpi slt, %sub3A_862, %lt3A_864 : vector<16xi32>
        %sub3A_866 = arith.constant 1 : i32
        %sub3A_867 = vector.broadcast %sub3A_866 : i32 to vector<16xi32>
        %sub3A_868 = arith.subi %shift_right_logical3A_858, %sub3A_867 : vector<16xi32>
        %select_n3A_869 = arith.select %lt3A_865, %sub3A_868, %shift_right_logical3A_858 : vector<16xi1>, vector<16xi32>
        %add3A_870 = arith.constant 385 : i32
        %add3A_871 = vector.broadcast %add3A_870 : i32 to vector<16xi32>
        %add3A_872 = arith.addi %sub3A_862, %add3A_871 : vector<16xi32>
        %select_n3A_873 = arith.select %lt3A_865, %add3A_872, %sub3A_862 : vector<16xi1>, vector<16xi32>
        %lt3A_874 = arith.constant 64 : i32
        %lt3A_875 = vector.broadcast %lt3A_874 : i32 to vector<16xi32>
        %lt3A_876 = arith.cmpi slt, %select_n3A_869, %lt3A_875 : vector<16xi32>
        %and3A_877 = arith.andi %and3A_851, %lt3A_876 : vector<16xi1>
        %lt3A_878 = arith.constant 384 : i32
        %lt3A_879 = vector.broadcast %lt3A_878 : i32 to vector<16xi32>
        %lt3A_880 = arith.cmpi slt, %select_n3A_873, %lt3A_879 : vector<16xi32>
        %and3A_881 = arith.andi %and3A_877, %lt3A_880 : vector<16xi1>
        %mul3A_882 = arith.constant 384 : i32
        %mul3A_883 = vector.broadcast %mul3A_882 : i32 to vector<16xi32>
        %mul3A_884 = arith.muli %select_n3A_869, %mul3A_883 : vector<16xi32>
        %add3A_885 = arith.addi %mul3A_884, %select_n3A_873 : vector<16xi32>
        tpu.vector_store_idx %arg9[%add3A_885], %get3A_843 masked %and3A_881 : memref<24576xf32, #tpu.memory_space<vmem>>[vector<16xi32>], vector<16xf32>, vector<16xi1>
      }
      %while3A_274 = arith.constant 1 : i32
      scf.for %while3A_832 = %while3A_272 to %while3A_268 step %while3A_274  : i32 {
        %mul3A_833 = arith.constant 16 : i32
        %mul3A_834 = arith.muli %while3A_832, %mul3A_833 : i32
        %add3A_835 = arith.addi %sub3A_263, %mul3A_834 : i32
        %get3A_836 = arith.index_cast %add3A_835 : i32 to index
        %get3A_837 = tpu.vector_load %arg6[%get3A_836] {strides = array<i32>} : memref<8208xi32, #tpu.memory_space<vmem>>, vector<16xi32>,
        %add3A_838 = arith.constant 1 : i32
        %add3A_839 = arith.addi %add3A_835, %add3A_838 : i32
        %get3A_840 = arith.index_cast %add3A_839 : i32 to index
        %get3A_841 = tpu.vector_load %arg6[%get3A_840] {strides = array<i32>} : memref<8208xi32, #tpu.memory_space<vmem>>, vector<16xi32>,
        %get3A_842 = arith.index_cast %add3A_835 : i32 to index
        %get3A_843 = tpu.vector_load %arg7[%get3A_842] {strides = array<i32>} : memref<8208xf32, #tpu.memory_space<vmem>>, vector<16xf32>,
        %iota3A_844 = tpu.iota {dimensions = array<i32: 0>} : vector<16xi32>
        %mul3A_845 = arith.constant 16 : i32
        %mul3A_846 = arith.muli %while3A_832, %mul3A_845 : i32
        %add3A_847 = vector.broadcast %mul3A_846 : i32 to vector<16xi32>
        %add3A_848 = arith.addi %iota3A_844, %add3A_847 : vector<16xi32>
        %ne3A_849 = arith.cmpi ne, %get3A_837, %get3A_841 : vector<16xi32>
        %lt3A = vector.broadcast %min3A_202 : i32 to vector<16xi32>
        %lt3A_850 = arith.cmpi slt, %add3A_848, %lt3A : vector<16xi32>
        %and3A_851 = arith.andi %ne3A_849, %lt3A_850 : vector<16xi1>
        %sub3A_852 = vector.broadcast %add3A_265 : i32 to vector<16xi32>
        %sub3A_853 = arith.subi %get3A_837, %sub3A_852 : vector<16xi32>
        %mul3A_854 = arith.constant 21791 : i32
        %mul3A_855 = vector.broadcast %mul3A_854 : i32 to vector<16xi32>
        %mul3A_856 = arith.muli %sub3A_853, %mul3A_855 : vector<16xi32>
        %shift_right_logical3A = arith.constant 23 : i32
        %shift_right_logical3A_857 = vector.broadcast %shift_right_logical3A : i32 to vector<16xi32>
        %shift_right_logical3A_858 = arith.shrui %mul3A_856, %shift_right_logical3A_857 : vector<16xi32>
        %mul3A_859 = arith.constant 385 : i32
        %mul3A_860 = vector.broadcast %mul3A_859 : i32 to vector<16xi32>
        %mul3A_861 = arith.muli %shift_right_logical3A_858, %mul3A_860 : vector<16xi32>
        %sub3A_862 = arith.subi %sub3A_853, %mul3A_861 : vector<16xi32>
        %lt3A_863 = arith.constant 0 : i32
        %lt3A_864 = vector.broadcast %lt3A_863 : i32 to vector<16xi32>
        %lt3A_865 = arith.cmpi slt, %sub3A_862, %lt3A_864 : vector<16xi32>
        %sub3A_866 = arith.constant 1 : i32
        %sub3A_867 = vector.broadcast %sub3A_866 : i32 to vector<16xi32>
        %sub3A_868 = arith.subi %shift_right_logical3A_858, %sub3A_867 : vector<16xi32>
        %select_n3A_869 = arith.select %lt3A_865, %sub3A_868, %shift_right_logical3A_858 : vector<16xi1>, vector<16xi32>
        %add3A_870 = arith.constant 385 : i32
        %add3A_871 = vector.broadcast %add3A_870 : i32 to vector<16xi32>
        %add3A_872 = arith.addi %sub3A_862, %add3A_871 : vector<16xi32>
        %select_n3A_873 = arith.select %lt3A_865, %add3A_872, %sub3A_862 : vector<16xi1>, vector<16xi32>
        %lt3A_874 = arith.constant 64 : i32
        %lt3A_875 = vector.broadcast %lt3A_874 : i32 to vector<16xi32>
        %lt3A_876 = arith.cmpi slt, %select_n3A_869, %lt3A_875 : vector<16xi32>
        %and3A_877 = arith.andi %and3A_851, %lt3A_876 : vector<16xi1>
        %lt3A_878 = arith.constant 384 : i32
        %lt3A_879 = vector.broadcast %lt3A_878 : i32 to vector<16xi32>
        %lt3A_880 = arith.cmpi slt, %select_n3A_873, %lt3A_879 : vector<16xi32>
        %and3A_881 = arith.andi %and3A_877, %lt3A_880 : vector<16xi1>
        %mul3A_882 = arith.constant 384 : i32
        %mul3A_883 = vector.broadcast %mul3A_882 : i32 to vector<16xi32>
        %mul3A_884 = arith.muli %select_n3A_869, %mul3A_883 : vector<16xi32>
        %add3A_885 = arith.addi %mul3A_884, %select_n3A_873 : vector<16xi32>
        tpu.vector_store_idx %arg9[%add3A_885], %get3A_843 masked %and3A_881 : memref<24576xf32, #tpu.memory_space<vmem>>[vector<16xi32>], vector<16xf32>, vector<16xi1>
      }
      %add3A_275 = arith.constant 24576 : i32
      %add3A_276 = arith.addi %mul3A_21, %add3A_275 : i32
      %multiple_of3A_277 = tpu.assume_multiple %add3A_276, 8 : i32
      %dma_start3A_278 = tpu.memref_slice %arg5[%multiple_of3A_277] : memref<56623104xf32, #tpu.memory_space<hbm>> -> memref<24576xf32, #tpu.memory_space<hbm>>
      %dma_start3A_279 = tpu.memref_slice %arg5[%multiple_of3A_277] : memref<56623104xf32, #tpu.memory_space<hbm>> -> memref<24576xf32, #tpu.memory_space<hbm>>
      tpu.enqueue_dma source(%arg9 : memref<24576xf32, #tpu.memory_space<vmem>>) target(%dma_start3A_279 : memref<24576xf32, #tpu.memory_space<hbm>>) target_semaphore(%arg13 : memref<!tpu.dma_semaphore, #tpu.memory_space<semaphore_mem>>)
      %mul3A_280 = arith.constant 6 : i32
      %mul3A_281 = arith.muli %scan3A_14, %mul3A_280 : i32
      %add3A_282 = arith.constant 2 : i32
      %add3A_283 = arith.addi %mul3A_281, %add3A_282 : i32
      %shift_right_arithmetic3A_284 = arith.constant 4 : i32
      %shift_right_arithmetic3A_285 = arith.shrsi %add3A_283, %shift_right_arithmetic3A_284 : i32
      %mul3A_286 = arith.constant 16 : i32
      %mul3A_287 = arith.muli %shift_right_arithmetic3A_285, %mul3A_286 : i32
      %get3A_288 = arith.index_cast %mul3A_287 : i32 to index
      %get3A_289 = tpu.vector_load %arg10[%get3A_288] {strides = array<i32>} : memref<80xi32, #tpu.memory_space<vmem>>, vector<16xi32>,
      %iota3A_290 = tpu.iota {dimensions = array<i32: 0>} : vector<16xi32>
      %and3A_291 = arith.constant 15 : i32
      %and3A_292 = arith.andi %add3A_283, %and3A_291 : i32
      %eq3A_293 = vector.broadcast %and3A_292 : i32 to vector<16xi32>
      %eq3A_294 = arith.cmpi eq, %iota3A_290, %eq3A_293 : vector<16xi32>
      %jit3A_295 = arith.constant -2147483648 : i32
      %broadcast_in_dim3A_296 = vector.broadcast %jit3A_295 : i32 to vector<16xi32>
      %select_n3A_297 = arith.select %eq3A_294, %get3A_289, %broadcast_in_dim3A_296 : vector<16xi1>, vector<16xi32>
      %reduce_max3A_298 = arith.constant true
      %reduce_max3A_299 = vector.broadcast %reduce_max3A_298 : i1 to vector<16xi1>
      %reduce_max3A_300 = arith.constant -2147483648 : i32
      %reduce_max3A_301 = vector.broadcast %reduce_max3A_300 : i32 to vector<16xi32>
      %reduce_max3A_302 = arith.xori %select_n3A_297, %reduce_max3A_301 : vector<16xi32>
      %reduce_max3A_303 = tpu.scan <max>, %reduce_max3A_302 masked %reduce_max3A_299 : vector<16xi32>, vector<16xi1> -> vector<16xi32>
      %reduce_max3A_304 = arith.xori %reduce_max3A_303, %reduce_max3A_301 : vector<16xi32>
      %reduce_max3A_305 = vector.extract %reduce_max3A_304[15] : i32 from vector<16xi32>
      %mul3A_306 = arith.constant 6 : i32
      %mul3A_307 = arith.muli %scan3A_14, %mul3A_306 : i32
      %add3A_308 = arith.constant 2 : i32
      %add3A_309 = arith.addi %mul3A_307, %add3A_308 : i32
      %add3A_310 = arith.constant 1 : i32
      %add3A_311 = arith.addi %add3A_309, %add3A_310 : i32
      %shift_right_arithmetic3A_312 = arith.constant 4 : i32
      %shift_right_arithmetic3A_313 = arith.shrsi %add3A_311, %shift_right_arithmetic3A_312 : i32
      %mul3A_314 = arith.constant 16 : i32
      %mul3A_315 = arith.muli %shift_right_arithmetic3A_313, %mul3A_314 : i32
      %get3A_316 = arith.index_cast %mul3A_315 : i32 to index
      %get3A_317 = tpu.vector_load %arg10[%get3A_316] {strides = array<i32>} : memref<80xi32, #tpu.memory_space<vmem>>, vector<16xi32>,
      %iota3A_318 = tpu.iota {dimensions = array<i32: 0>} : vector<16xi32>
      %and3A_319 = arith.constant 15 : i32
      %and3A_320 = arith.andi %add3A_311, %and3A_319 : i32
      %eq3A_321 = vector.broadcast %and3A_320 : i32 to vector<16xi32>
      %eq3A_322 = arith.cmpi eq, %iota3A_318, %eq3A_321 : vector<16xi32>
      %jit3A_323 = arith.constant -2147483648 : i32
      %broadcast_in_dim3A_324 = vector.broadcast %jit3A_323 : i32 to vector<16xi32>
      %select_n3A_325 = arith.select %eq3A_322, %get3A_317, %broadcast_in_dim3A_324 : vector<16xi1>, vector<16xi32>
      %reduce_max3A_326 = arith.constant true
      %reduce_max3A_327 = vector.broadcast %reduce_max3A_326 : i1 to vector<16xi1>
      %reduce_max3A_328 = arith.constant -2147483648 : i32
      %reduce_max3A_329 = vector.broadcast %reduce_max3A_328 : i32 to vector<16xi32>
      %reduce_max3A_330 = arith.xori %select_n3A_325, %reduce_max3A_329 : vector<16xi32>
      %reduce_max3A_331 = tpu.scan <max>, %reduce_max3A_330 masked %reduce_max3A_327 : vector<16xi32>, vector<16xi1> -> vector<16xi32>
      %reduce_max3A_332 = arith.xori %reduce_max3A_331, %reduce_max3A_329 : vector<16xi32>
      %reduce_max3A_333 = vector.extract %reduce_max3A_332[15] : i32 from vector<16xi32>
      %and3A_334 = arith.constant -8 : i32
      %and3A_335 = arith.andi %reduce_max3A_305, %and3A_334 : i32
      %min3A_336 = arith.constant 14147584 : i32
      %min3A_337 = arith.minsi %and3A_335, %min3A_336 : i32
      %multiple_of3A_338 = tpu.assume_multiple %min3A_337, 8 : i32
      %sub3A_339 = arith.subi %reduce_max3A_333, %reduce_max3A_305 : i32
      %min3A_340 = arith.constant 8184 : i32
      %min3A_341 = arith.minsi %sub3A_339, %min3A_340 : i32
      %add3A_342 = arith.constant 15 : i32
      %add3A_343 = arith.addi %min3A_341, %add3A_342 : i32
      %jit3A_344 = arith.constant 16 : i32
      %div3A_345 = arith.divsi %add3A_343, %jit3A_344 : i32
      %sign3A_346 = arith.constant 0 : i32
      %sign3A_347 = arith.cmpi sgt, %add3A_343, %sign3A_346 : i32
      %sign3A_348 = arith.extui %sign3A_347 : i1 to i32
      %sign3A_349 = arith.constant 0 : i32
      %sign3A_350 = arith.cmpi slt, %add3A_343, %sign3A_349 : i32
      %sign3A_351 = arith.extui %sign3A_350 : i1 to i32
      %sign3A_352 = arith.subi %sign3A_348, %sign3A_351 : i32
      %sign3A_353 = arith.constant 0 : i32
      %sign3A_354 = arith.cmpi sgt, %jit3A_344, %sign3A_353 : i32
      %sign3A_355 = arith.extui %sign3A_354 : i1 to i32
      %sign3A_356 = arith.constant 0 : i32
      %sign3A_357 = arith.cmpi slt, %jit3A_344, %sign3A_356 : i32
      %sign3A_358 = arith.extui %sign3A_357 : i1 to i32
      %sign3A_359 = arith.subi %sign3A_355, %sign3A_358 : i32
      %ne3A_360 = arith.cmpi ne, %sign3A_352, %sign3A_359 : i32
      %rem3A_361 = arith.remsi %add3A_343, %jit3A_344 : i32
      %ne3A_362 = arith.constant 0 : i32
      %ne3A_363 = arith.cmpi ne, %rem3A_361, %ne3A_362 : i32
      %and3A_364 = arith.andi %ne3A_360, %ne3A_363 : i1
      %sub3A_365 = arith.constant 1 : i32
      %sub3A_366 = arith.subi %div3A_345, %sub3A_365 : i32
      %select_n3A_367 = arith.select %and3A_364, %sub3A_366, %div3A_345 : i32
      %dma_start3A_368 = arith.constant 0 : i32
      %dma_start3A_369 = tpu.memref_slice %arg6[%dma_start3A_368] : memref<8208xi32, #tpu.memory_space<vmem>> -> memref<8192xi32, #tpu.memory_space<vmem>>
      %dma_start3A_370 = tpu.memref_slice %arg2[%multiple_of3A_338] : memref<14155776xi32, #tpu.memory_space<hbm>> -> memref<8192xi32, #tpu.memory_space<hbm>>
      %dma_start3A_371 = arith.constant 0 : i32
      %dma_start3A_372 = tpu.memref_slice %arg6[%dma_start3A_371] : memref<8208xi32, #tpu.memory_space<vmem>> -> memref<8192xi32, #tpu.memory_space<vmem>>
      %dma_start3A_373 = tpu.memref_slice %arg2[%multiple_of3A_338] : memref<14155776xi32, #tpu.memory_space<hbm>> -> memref<8192xi32, #tpu.memory_space<hbm>>
      tpu.enqueue_dma source(%dma_start3A_373 : memref<8192xi32, #tpu.memory_space<hbm>>) target(%dma_start3A_372 : memref<8192xi32, #tpu.memory_space<vmem>>) target_semaphore(%arg11 : memref<!tpu.dma_semaphore, #tpu.memory_space<semaphore_mem>>)
      %dma_start3A_374 = arith.constant 0 : i32
      %dma_start3A_375 = tpu.memref_slice %arg7[%dma_start3A_374] : memref<8208xf32, #tpu.memory_space<vmem>> -> memref<8192xf32, #tpu.memory_space<vmem>>
      %dma_start3A_376 = tpu.memref_slice %arg3[%multiple_of3A_338] : memref<14155776xf32, #tpu.memory_space<hbm>> -> memref<8192xf32, #tpu.memory_space<hbm>>
      %dma_start3A_377 = arith.constant 0 : i32
      %dma_start3A_378 = tpu.memref_slice %arg7[%dma_start3A_377] : memref<8208xf32, #tpu.memory_space<vmem>> -> memref<8192xf32, #tpu.memory_space<vmem>>
      %dma_start3A_379 = tpu.memref_slice %arg3[%multiple_of3A_338] : memref<14155776xf32, #tpu.memory_space<hbm>> -> memref<8192xf32, #tpu.memory_space<hbm>>
      tpu.enqueue_dma source(%dma_start3A_379 : memref<8192xf32, #tpu.memory_space<hbm>>) target(%dma_start3A_378 : memref<8192xf32, #tpu.memory_space<vmem>>) target_semaphore(%arg11 : memref<!tpu.dma_semaphore, #tpu.memory_space<semaphore_mem>>)
      %dma_wait3A_380 = arith.constant 0 : i32
      %dma_wait3A_381 = tpu.memref_slice %arg5[%dma_wait3A_380] : memref<56623104xf32, #tpu.memory_space<hbm>> -> memref<24576xf32, #tpu.memory_space<hbm>>
      %dma_wait3A_382 = arith.constant 0 : i32
      %dma_wait3A_383 = tpu.memref_slice %arg5[%dma_wait3A_382] : memref<56623104xf32, #tpu.memory_space<hbm>> -> memref<24576xf32, #tpu.memory_space<hbm>>
      tpu.wait_dma2 semaphore(%arg12 : memref<!tpu.dma_semaphore, #tpu.memory_space<semaphore_mem>>) src(%dma_wait3A_383 : memref<24576xf32, #tpu.memory_space<hbm>>) dst(%arg8 : memref<24576xf32, #tpu.memory_space<vmem>>)
      %scan3A_384 = arith.constant 0 : i32
      %scan3A_385 = arith.constant 1536 : i32
      %scan3A_386 = arith.addi %scan3A_384, %scan3A_385 : i32
      %scan3A_387 = arith.constant 1 : i32
      scf.for %scan3A_832 = %scan3A_384 to %scan3A_386 step %scan3A_387  : i32 {
        %broadcast_in_dim3A_833 = arith.constant 0.000000e+00 : f32
        %broadcast_in_dim3A_834 = vector.broadcast %broadcast_in_dim3A_833 : f32 to vector<16xf32>
        %mul3A_835 = arith.constant 16 : i32
        %mul3A_836 = arith.muli %scan3A_832, %mul3A_835 : i32
        %swap3A_837 = arith.index_cast %mul3A_836 : i32 to index
        %swap3A_838 = tpu.vector_load %arg8[%swap3A_837] {strides = array<i32>} : memref<24576xf32, #tpu.memory_space<vmem>>, vector<16xf32>,
        tpu.vector_store %arg8[%swap3A_837], %broadcast_in_dim3A_834 {strides = array<i32>} : memref<24576xf32, #tpu.memory_space<vmem>>, vector<16xf32>,
      }
      %scan3A_388 = arith.constant 1536 : i32
      %dma_wait3A_389 = arith.constant 0 : i32
      %dma_wait3A_390 = tpu.memref_slice %arg6[%dma_wait3A_389] : memref<8208xi32, #tpu.memory_space<vmem>> -> memref<8192xi32, #tpu.memory_space<vmem>>
      %dma_wait3A_391 = tpu.memref_slice %arg2[%multiple_of3A_338] : memref<14155776xi32, #tpu.memory_space<hbm>> -> memref<8192xi32, #tpu.memory_space<hbm>>
      %dma_wait3A_392 = arith.constant 0 : i32
      %dma_wait3A_393 = tpu.memref_slice %arg6[%dma_wait3A_392] : memref<8208xi32, #tpu.memory_space<vmem>> -> memref<8192xi32, #tpu.memory_space<vmem>>
      %dma_wait3A_394 = tpu.memref_slice %arg2[%multiple_of3A_338] : memref<14155776xi32, #tpu.memory_space<hbm>> -> memref<8192xi32, #tpu.memory_space<hbm>>
      tpu.wait_dma2 semaphore(%arg11 : memref<!tpu.dma_semaphore, #tpu.memory_space<semaphore_mem>>) src(%dma_wait3A_394 : memref<8192xi32, #tpu.memory_space<hbm>>) dst(%dma_wait3A_393 : memref<8192xi32, #tpu.memory_space<vmem>>)
      %dma_wait3A_395 = arith.constant 0 : i32
      %dma_wait3A_396 = tpu.memref_slice %arg7[%dma_wait3A_395] : memref<8208xf32, #tpu.memory_space<vmem>> -> memref<8192xf32, #tpu.memory_space<vmem>>
      %dma_wait3A_397 = tpu.memref_slice %arg3[%multiple_of3A_338] : memref<14155776xf32, #tpu.memory_space<hbm>> -> memref<8192xf32, #tpu.memory_space<hbm>>
      %dma_wait3A_398 = arith.constant 0 : i32
      %dma_wait3A_399 = tpu.memref_slice %arg7[%dma_wait3A_398] : memref<8208xf32, #tpu.memory_space<vmem>> -> memref<8192xf32, #tpu.memory_space<vmem>>
      %dma_wait3A_400 = tpu.memref_slice %arg3[%multiple_of3A_338] : memref<14155776xf32, #tpu.memory_space<hbm>> -> memref<8192xf32, #tpu.memory_space<hbm>>
      tpu.wait_dma2 semaphore(%arg11 : memref<!tpu.dma_semaphore, #tpu.memory_space<semaphore_mem>>) src(%dma_wait3A_400 : memref<8192xf32, #tpu.memory_space<hbm>>) dst(%dma_wait3A_399 : memref<8192xf32, #tpu.memory_space<vmem>>)
      %sub3A_401 = arith.subi %reduce_max3A_305, %multiple_of3A_338 : i32
      %add3A_402 = arith.constant 49280 : i32
      %add3A_403 = arith.addi %mul3A_19, %add3A_402 : i32
      %while3A_404 = arith.constant 0 : i32
      %while3A_405 = arith.subi %select_n3A_367, %while3A_404 : i32
      %while3A_406 = arith.addi %while3A_404, %while3A_405 : i32
      %while3A_407 = arith.constant 1 : i32
      %while3A_408 = arith.divsi %while3A_405, %while3A_407 : i32
      %while3A_409 = arith.muli %while3A_408, %while3A_407 : i32
      %while3A_410 = arith.addi %while3A_404, %while3A_409 : i32
      %while3A_411 = arith.constant 1 : i32
      scf.for %while3A_832 = %while3A_404 to %while3A_410 step %while3A_411  : i32 {
        %mul3A_833 = arith.constant 16 : i32
        %mul3A_834 = arith.muli %while3A_832, %mul3A_833 : i32
        %add3A_835 = arith.addi %sub3A_401, %mul3A_834 : i32
        %get3A_836 = arith.index_cast %add3A_835 : i32 to index
        %get3A_837 = tpu.vector_load %arg6[%get3A_836] {strides = array<i32>} : memref<8208xi32, #tpu.memory_space<vmem>>, vector<16xi32>,
        %add3A_838 = arith.constant 1 : i32
        %add3A_839 = arith.addi %add3A_835, %add3A_838 : i32
        %get3A_840 = arith.index_cast %add3A_839 : i32 to index
        %get3A_841 = tpu.vector_load %arg6[%get3A_840] {strides = array<i32>} : memref<8208xi32, #tpu.memory_space<vmem>>, vector<16xi32>,
        %get3A_842 = arith.index_cast %add3A_835 : i32 to index
        %get3A_843 = tpu.vector_load %arg7[%get3A_842] {strides = array<i32>} : memref<8208xf32, #tpu.memory_space<vmem>>, vector<16xf32>,
        %iota3A_844 = tpu.iota {dimensions = array<i32: 0>} : vector<16xi32>
        %mul3A_845 = arith.constant 16 : i32
        %mul3A_846 = arith.muli %while3A_832, %mul3A_845 : i32
        %add3A_847 = vector.broadcast %mul3A_846 : i32 to vector<16xi32>
        %add3A_848 = arith.addi %iota3A_844, %add3A_847 : vector<16xi32>
        %ne3A_849 = arith.cmpi ne, %get3A_837, %get3A_841 : vector<16xi32>
        %lt3A = vector.broadcast %min3A_341 : i32 to vector<16xi32>
        %lt3A_850 = arith.cmpi slt, %add3A_848, %lt3A : vector<16xi32>
        %and3A_851 = arith.andi %ne3A_849, %lt3A_850 : vector<16xi1>
        %sub3A_852 = vector.broadcast %add3A_403 : i32 to vector<16xi32>
        %sub3A_853 = arith.subi %get3A_837, %sub3A_852 : vector<16xi32>
        %mul3A_854 = arith.constant 21791 : i32
        %mul3A_855 = vector.broadcast %mul3A_854 : i32 to vector<16xi32>
        %mul3A_856 = arith.muli %sub3A_853, %mul3A_855 : vector<16xi32>
        %shift_right_logical3A = arith.constant 23 : i32
        %shift_right_logical3A_857 = vector.broadcast %shift_right_logical3A : i32 to vector<16xi32>
        %shift_right_logical3A_858 = arith.shrui %mul3A_856, %shift_right_logical3A_857 : vector<16xi32>
        %mul3A_859 = arith.constant 385 : i32
        %mul3A_860 = vector.broadcast %mul3A_859 : i32 to vector<16xi32>
        %mul3A_861 = arith.muli %shift_right_logical3A_858, %mul3A_860 : vector<16xi32>
        %sub3A_862 = arith.subi %sub3A_853, %mul3A_861 : vector<16xi32>
        %lt3A_863 = arith.constant 0 : i32
        %lt3A_864 = vector.broadcast %lt3A_863 : i32 to vector<16xi32>
        %lt3A_865 = arith.cmpi slt, %sub3A_862, %lt3A_864 : vector<16xi32>
        %sub3A_866 = arith.constant 1 : i32
        %sub3A_867 = vector.broadcast %sub3A_866 : i32 to vector<16xi32>
        %sub3A_868 = arith.subi %shift_right_logical3A_858, %sub3A_867 : vector<16xi32>
        %select_n3A_869 = arith.select %lt3A_865, %sub3A_868, %shift_right_logical3A_858 : vector<16xi1>, vector<16xi32>
        %add3A_870 = arith.constant 385 : i32
        %add3A_871 = vector.broadcast %add3A_870 : i32 to vector<16xi32>
        %add3A_872 = arith.addi %sub3A_862, %add3A_871 : vector<16xi32>
        %select_n3A_873 = arith.select %lt3A_865, %add3A_872, %sub3A_862 : vector<16xi1>, vector<16xi32>
        %lt3A_874 = arith.constant 64 : i32
        %lt3A_875 = vector.broadcast %lt3A_874 : i32 to vector<16xi32>
        %lt3A_876 = arith.cmpi slt, %select_n3A_869, %lt3A_875 : vector<16xi32>
        %and3A_877 = arith.andi %and3A_851, %lt3A_876 : vector<16xi1>
        %lt3A_878 = arith.constant 384 : i32
        %lt3A_879 = vector.broadcast %lt3A_878 : i32 to vector<16xi32>
        %lt3A_880 = arith.cmpi slt, %select_n3A_873, %lt3A_879 : vector<16xi32>
        %and3A_881 = arith.andi %and3A_877, %lt3A_880 : vector<16xi1>
        %mul3A_882 = arith.constant 384 : i32
        %mul3A_883 = vector.broadcast %mul3A_882 : i32 to vector<16xi32>
        %mul3A_884 = arith.muli %select_n3A_869, %mul3A_883 : vector<16xi32>
        %add3A_885 = arith.addi %mul3A_884, %select_n3A_873 : vector<16xi32>
        tpu.vector_store_idx %arg8[%add3A_885], %get3A_843 masked %and3A_881 : memref<24576xf32, #tpu.memory_space<vmem>>[vector<16xi32>], vector<16xf32>, vector<16xi1>
      }
      %while3A_412 = arith.constant 1 : i32
      scf.for %while3A_832 = %while3A_410 to %while3A_406 step %while3A_412  : i32 {
        %mul3A_833 = arith.constant 16 : i32
        %mul3A_834 = arith.muli %while3A_832, %mul3A_833 : i32
        %add3A_835 = arith.addi %sub3A_401, %mul3A_834 : i32
        %get3A_836 = arith.index_cast %add3A_835 : i32 to index
        %get3A_837 = tpu.vector_load %arg6[%get3A_836] {strides = array<i32>} : memref<8208xi32, #tpu.memory_space<vmem>>, vector<16xi32>,
        %add3A_838 = arith.constant 1 : i32
        %add3A_839 = arith.addi %add3A_835, %add3A_838 : i32
        %get3A_840 = arith.index_cast %add3A_839 : i32 to index
        %get3A_841 = tpu.vector_load %arg6[%get3A_840] {strides = array<i32>} : memref<8208xi32, #tpu.memory_space<vmem>>, vector<16xi32>,
        %get3A_842 = arith.index_cast %add3A_835 : i32 to index
        %get3A_843 = tpu.vector_load %arg7[%get3A_842] {strides = array<i32>} : memref<8208xf32, #tpu.memory_space<vmem>>, vector<16xf32>,
        %iota3A_844 = tpu.iota {dimensions = array<i32: 0>} : vector<16xi32>
        %mul3A_845 = arith.constant 16 : i32
        %mul3A_846 = arith.muli %while3A_832, %mul3A_845 : i32
        %add3A_847 = vector.broadcast %mul3A_846 : i32 to vector<16xi32>
        %add3A_848 = arith.addi %iota3A_844, %add3A_847 : vector<16xi32>
        %ne3A_849 = arith.cmpi ne, %get3A_837, %get3A_841 : vector<16xi32>
        %lt3A = vector.broadcast %min3A_341 : i32 to vector<16xi32>
        %lt3A_850 = arith.cmpi slt, %add3A_848, %lt3A : vector<16xi32>
        %and3A_851 = arith.andi %ne3A_849, %lt3A_850 : vector<16xi1>
        %sub3A_852 = vector.broadcast %add3A_403 : i32 to vector<16xi32>
        %sub3A_853 = arith.subi %get3A_837, %sub3A_852 : vector<16xi32>
        %mul3A_854 = arith.constant 21791 : i32
        %mul3A_855 = vector.broadcast %mul3A_854 : i32 to vector<16xi32>
        %mul3A_856 = arith.muli %sub3A_853, %mul3A_855 : vector<16xi32>
        %shift_right_logical3A = arith.constant 23 : i32
        %shift_right_logical3A_857 = vector.broadcast %shift_right_logical3A : i32 to vector<16xi32>
        %shift_right_logical3A_858 = arith.shrui %mul3A_856, %shift_right_logical3A_857 : vector<16xi32>
        %mul3A_859 = arith.constant 385 : i32
        %mul3A_860 = vector.broadcast %mul3A_859 : i32 to vector<16xi32>
        %mul3A_861 = arith.muli %shift_right_logical3A_858, %mul3A_860 : vector<16xi32>
        %sub3A_862 = arith.subi %sub3A_853, %mul3A_861 : vector<16xi32>
        %lt3A_863 = arith.constant 0 : i32
        %lt3A_864 = vector.broadcast %lt3A_863 : i32 to vector<16xi32>
        %lt3A_865 = arith.cmpi slt, %sub3A_862, %lt3A_864 : vector<16xi32>
        %sub3A_866 = arith.constant 1 : i32
        %sub3A_867 = vector.broadcast %sub3A_866 : i32 to vector<16xi32>
        %sub3A_868 = arith.subi %shift_right_logical3A_858, %sub3A_867 : vector<16xi32>
        %select_n3A_869 = arith.select %lt3A_865, %sub3A_868, %shift_right_logical3A_858 : vector<16xi1>, vector<16xi32>
        %add3A_870 = arith.constant 385 : i32
        %add3A_871 = vector.broadcast %add3A_870 : i32 to vector<16xi32>
        %add3A_872 = arith.addi %sub3A_862, %add3A_871 : vector<16xi32>
        %select_n3A_873 = arith.select %lt3A_865, %add3A_872, %sub3A_862 : vector<16xi1>, vector<16xi32>
        %lt3A_874 = arith.constant 64 : i32
        %lt3A_875 = vector.broadcast %lt3A_874 : i32 to vector<16xi32>
        %lt3A_876 = arith.cmpi slt, %select_n3A_869, %lt3A_875 : vector<16xi32>
        %and3A_877 = arith.andi %and3A_851, %lt3A_876 : vector<16xi1>
        %lt3A_878 = arith.constant 384 : i32
        %lt3A_879 = vector.broadcast %lt3A_878 : i32 to vector<16xi32>
        %lt3A_880 = arith.cmpi slt, %select_n3A_873, %lt3A_879 : vector<16xi32>
        %and3A_881 = arith.andi %and3A_877, %lt3A_880 : vector<16xi1>
        %mul3A_882 = arith.constant 384 : i32
        %mul3A_883 = vector.broadcast %mul3A_882 : i32 to vector<16xi32>
        %mul3A_884 = arith.muli %select_n3A_869, %mul3A_883 : vector<16xi32>
        %add3A_885 = arith.addi %mul3A_884, %select_n3A_873 : vector<16xi32>
        tpu.vector_store_idx %arg8[%add3A_885], %get3A_843 masked %and3A_881 : memref<24576xf32, #tpu.memory_space<vmem>>[vector<16xi32>], vector<16xf32>, vector<16xi1>
      }
      %add3A_413 = arith.constant 49152 : i32
      %add3A_414 = arith.addi %mul3A_21, %add3A_413 : i32
      %multiple_of3A_415 = tpu.assume_multiple %add3A_414, 8 : i32
      %dma_start3A_416 = tpu.memref_slice %arg5[%multiple_of3A_415] : memref<56623104xf32, #tpu.memory_space<hbm>> -> memref<24576xf32, #tpu.memory_space<hbm>>
      %dma_start3A_417 = tpu.memref_slice %arg5[%multiple_of3A_415] : memref<56623104xf32, #tpu.memory_space<hbm>> -> memref<24576xf32, #tpu.memory_space<hbm>>
      tpu.enqueue_dma source(%arg8 : memref<24576xf32, #tpu.memory_space<vmem>>) target(%dma_start3A_417 : memref<24576xf32, #tpu.memory_space<hbm>>) target_semaphore(%arg12 : memref<!tpu.dma_semaphore, #tpu.memory_space<semaphore_mem>>)
      %mul3A_418 = arith.constant 6 : i32
      %mul3A_419 = arith.muli %scan3A_14, %mul3A_418 : i32
      %add3A_420 = arith.constant 3 : i32
      %add3A_421 = arith.addi %mul3A_419, %add3A_420 : i32
      %shift_right_arithmetic3A_422 = arith.constant 4 : i32
      %shift_right_arithmetic3A_423 = arith.shrsi %add3A_421, %shift_right_arithmetic3A_422 : i32
      %mul3A_424 = arith.constant 16 : i32
      %mul3A_425 = arith.muli %shift_right_arithmetic3A_423, %mul3A_424 : i32
      %get3A_426 = arith.index_cast %mul3A_425 : i32 to index
      %get3A_427 = tpu.vector_load %arg10[%get3A_426] {strides = array<i32>} : memref<80xi32, #tpu.memory_space<vmem>>, vector<16xi32>,
      %iota3A_428 = tpu.iota {dimensions = array<i32: 0>} : vector<16xi32>
      %and3A_429 = arith.constant 15 : i32
      %and3A_430 = arith.andi %add3A_421, %and3A_429 : i32
      %eq3A_431 = vector.broadcast %and3A_430 : i32 to vector<16xi32>
      %eq3A_432 = arith.cmpi eq, %iota3A_428, %eq3A_431 : vector<16xi32>
      %jit3A_433 = arith.constant -2147483648 : i32
      %broadcast_in_dim3A_434 = vector.broadcast %jit3A_433 : i32 to vector<16xi32>
      %select_n3A_435 = arith.select %eq3A_432, %get3A_427, %broadcast_in_dim3A_434 : vector<16xi1>, vector<16xi32>
      %reduce_max3A_436 = arith.constant true
      %reduce_max3A_437 = vector.broadcast %reduce_max3A_436 : i1 to vector<16xi1>
      %reduce_max3A_438 = arith.constant -2147483648 : i32
      %reduce_max3A_439 = vector.broadcast %reduce_max3A_438 : i32 to vector<16xi32>
      %reduce_max3A_440 = arith.xori %select_n3A_435, %reduce_max3A_439 : vector<16xi32>
      %reduce_max3A_441 = tpu.scan <max>, %reduce_max3A_440 masked %reduce_max3A_437 : vector<16xi32>, vector<16xi1> -> vector<16xi32>
      %reduce_max3A_442 = arith.xori %reduce_max3A_441, %reduce_max3A_439 : vector<16xi32>
      %reduce_max3A_443 = vector.extract %reduce_max3A_442[15] : i32 from vector<16xi32>
      %mul3A_444 = arith.constant 6 : i32
      %mul3A_445 = arith.muli %scan3A_14, %mul3A_444 : i32
      %add3A_446 = arith.constant 3 : i32
      %add3A_447 = arith.addi %mul3A_445, %add3A_446 : i32
      %add3A_448 = arith.constant 1 : i32
      %add3A_449 = arith.addi %add3A_447, %add3A_448 : i32
      %shift_right_arithmetic3A_450 = arith.constant 4 : i32
      %shift_right_arithmetic3A_451 = arith.shrsi %add3A_449, %shift_right_arithmetic3A_450 : i32
      %mul3A_452 = arith.constant 16 : i32
      %mul3A_453 = arith.muli %shift_right_arithmetic3A_451, %mul3A_452 : i32
      %get3A_454 = arith.index_cast %mul3A_453 : i32 to index
      %get3A_455 = tpu.vector_load %arg10[%get3A_454] {strides = array<i32>} : memref<80xi32, #tpu.memory_space<vmem>>, vector<16xi32>,
      %iota3A_456 = tpu.iota {dimensions = array<i32: 0>} : vector<16xi32>
      %and3A_457 = arith.constant 15 : i32
      %and3A_458 = arith.andi %add3A_449, %and3A_457 : i32
      %eq3A_459 = vector.broadcast %and3A_458 : i32 to vector<16xi32>
      %eq3A_460 = arith.cmpi eq, %iota3A_456, %eq3A_459 : vector<16xi32>
      %jit3A_461 = arith.constant -2147483648 : i32
      %broadcast_in_dim3A_462 = vector.broadcast %jit3A_461 : i32 to vector<16xi32>
      %select_n3A_463 = arith.select %eq3A_460, %get3A_455, %broadcast_in_dim3A_462 : vector<16xi1>, vector<16xi32>
      %reduce_max3A_464 = arith.constant true
      %reduce_max3A_465 = vector.broadcast %reduce_max3A_464 : i1 to vector<16xi1>
      %reduce_max3A_466 = arith.constant -2147483648 : i32
      %reduce_max3A_467 = vector.broadcast %reduce_max3A_466 : i32 to vector<16xi32>
      %reduce_max3A_468 = arith.xori %select_n3A_463, %reduce_max3A_467 : vector<16xi32>
      %reduce_max3A_469 = tpu.scan <max>, %reduce_max3A_468 masked %reduce_max3A_465 : vector<16xi32>, vector<16xi1> -> vector<16xi32>
      %reduce_max3A_470 = arith.xori %reduce_max3A_469, %reduce_max3A_467 : vector<16xi32>
      %reduce_max3A_471 = vector.extract %reduce_max3A_470[15] : i32 from vector<16xi32>
      %and3A_472 = arith.constant -8 : i32
      %and3A_473 = arith.andi %reduce_max3A_443, %and3A_472 : i32
      %min3A_474 = arith.constant 14147584 : i32
      %min3A_475 = arith.minsi %and3A_473, %min3A_474 : i32
      %multiple_of3A_476 = tpu.assume_multiple %min3A_475, 8 : i32
      %sub3A_477 = arith.subi %reduce_max3A_471, %reduce_max3A_443 : i32
      %min3A_478 = arith.constant 8184 : i32
      %min3A_479 = arith.minsi %sub3A_477, %min3A_478 : i32
      %add3A_480 = arith.constant 15 : i32
      %add3A_481 = arith.addi %min3A_479, %add3A_480 : i32
      %jit3A_482 = arith.constant 16 : i32
      %div3A_483 = arith.divsi %add3A_481, %jit3A_482 : i32
      %sign3A_484 = arith.constant 0 : i32
      %sign3A_485 = arith.cmpi sgt, %add3A_481, %sign3A_484 : i32
      %sign3A_486 = arith.extui %sign3A_485 : i1 to i32
      %sign3A_487 = arith.constant 0 : i32
      %sign3A_488 = arith.cmpi slt, %add3A_481, %sign3A_487 : i32
      %sign3A_489 = arith.extui %sign3A_488 : i1 to i32
      %sign3A_490 = arith.subi %sign3A_486, %sign3A_489 : i32
      %sign3A_491 = arith.constant 0 : i32
      %sign3A_492 = arith.cmpi sgt, %jit3A_482, %sign3A_491 : i32
      %sign3A_493 = arith.extui %sign3A_492 : i1 to i32
      %sign3A_494 = arith.constant 0 : i32
      %sign3A_495 = arith.cmpi slt, %jit3A_482, %sign3A_494 : i32
      %sign3A_496 = arith.extui %sign3A_495 : i1 to i32
      %sign3A_497 = arith.subi %sign3A_493, %sign3A_496 : i32
      %ne3A_498 = arith.cmpi ne, %sign3A_490, %sign3A_497 : i32
      %rem3A_499 = arith.remsi %add3A_481, %jit3A_482 : i32
      %ne3A_500 = arith.constant 0 : i32
      %ne3A_501 = arith.cmpi ne, %rem3A_499, %ne3A_500 : i32
      %and3A_502 = arith.andi %ne3A_498, %ne3A_501 : i1
      %sub3A_503 = arith.constant 1 : i32
      %sub3A_504 = arith.subi %div3A_483, %sub3A_503 : i32
      %select_n3A_505 = arith.select %and3A_502, %sub3A_504, %div3A_483 : i32
      %dma_start3A_506 = arith.constant 0 : i32
      %dma_start3A_507 = tpu.memref_slice %arg6[%dma_start3A_506] : memref<8208xi32, #tpu.memory_space<vmem>> -> memref<8192xi32, #tpu.memory_space<vmem>>
      %dma_start3A_508 = tpu.memref_slice %arg2[%multiple_of3A_476] : memref<14155776xi32, #tpu.memory_space<hbm>> -> memref<8192xi32, #tpu.memory_space<hbm>>
      %dma_start3A_509 = arith.constant 0 : i32
      %dma_start3A_510 = tpu.memref_slice %arg6[%dma_start3A_509] : memref<8208xi32, #tpu.memory_space<vmem>> -> memref<8192xi32, #tpu.memory_space<vmem>>
      %dma_start3A_511 = tpu.memref_slice %arg2[%multiple_of3A_476] : memref<14155776xi32, #tpu.memory_space<hbm>> -> memref<8192xi32, #tpu.memory_space<hbm>>
      tpu.enqueue_dma source(%dma_start3A_511 : memref<8192xi32, #tpu.memory_space<hbm>>) target(%dma_start3A_510 : memref<8192xi32, #tpu.memory_space<vmem>>) target_semaphore(%arg11 : memref<!tpu.dma_semaphore, #tpu.memory_space<semaphore_mem>>)
      %dma_start3A_512 = arith.constant 0 : i32
      %dma_start3A_513 = tpu.memref_slice %arg7[%dma_start3A_512] : memref<8208xf32, #tpu.memory_space<vmem>> -> memref<8192xf32, #tpu.memory_space<vmem>>
      %dma_start3A_514 = tpu.memref_slice %arg3[%multiple_of3A_476] : memref<14155776xf32, #tpu.memory_space<hbm>> -> memref<8192xf32, #tpu.memory_space<hbm>>
      %dma_start3A_515 = arith.constant 0 : i32
      %dma_start3A_516 = tpu.memref_slice %arg7[%dma_start3A_515] : memref<8208xf32, #tpu.memory_space<vmem>> -> memref<8192xf32, #tpu.memory_space<vmem>>
      %dma_start3A_517 = tpu.memref_slice %arg3[%multiple_of3A_476] : memref<14155776xf32, #tpu.memory_space<hbm>> -> memref<8192xf32, #tpu.memory_space<hbm>>
      tpu.enqueue_dma source(%dma_start3A_517 : memref<8192xf32, #tpu.memory_space<hbm>>) target(%dma_start3A_516 : memref<8192xf32, #tpu.memory_space<vmem>>) target_semaphore(%arg11 : memref<!tpu.dma_semaphore, #tpu.memory_space<semaphore_mem>>)
      %dma_wait3A_518 = arith.constant 0 : i32
      %dma_wait3A_519 = tpu.memref_slice %arg5[%dma_wait3A_518] : memref<56623104xf32, #tpu.memory_space<hbm>> -> memref<24576xf32, #tpu.memory_space<hbm>>
      %dma_wait3A_520 = arith.constant 0 : i32
      %dma_wait3A_521 = tpu.memref_slice %arg5[%dma_wait3A_520] : memref<56623104xf32, #tpu.memory_space<hbm>> -> memref<24576xf32, #tpu.memory_space<hbm>>
      tpu.wait_dma2 semaphore(%arg13 : memref<!tpu.dma_semaphore, #tpu.memory_space<semaphore_mem>>) src(%dma_wait3A_521 : memref<24576xf32, #tpu.memory_space<hbm>>) dst(%arg9 : memref<24576xf32, #tpu.memory_space<vmem>>)
      %scan3A_522 = arith.constant 0 : i32
      %scan3A_523 = arith.constant 1536 : i32
      %scan3A_524 = arith.addi %scan3A_522, %scan3A_523 : i32
      %scan3A_525 = arith.constant 1 : i32
      scf.for %scan3A_832 = %scan3A_522 to %scan3A_524 step %scan3A_525  : i32 {
        %broadcast_in_dim3A_833 = arith.constant 0.000000e+00 : f32
        %broadcast_in_dim3A_834 = vector.broadcast %broadcast_in_dim3A_833 : f32 to vector<16xf32>
        %mul3A_835 = arith.constant 16 : i32
        %mul3A_836 = arith.muli %scan3A_832, %mul3A_835 : i32
        %swap3A_837 = arith.index_cast %mul3A_836 : i32 to index
        %swap3A_838 = tpu.vector_load %arg9[%swap3A_837] {strides = array<i32>} : memref<24576xf32, #tpu.memory_space<vmem>>, vector<16xf32>,
        tpu.vector_store %arg9[%swap3A_837], %broadcast_in_dim3A_834 {strides = array<i32>} : memref<24576xf32, #tpu.memory_space<vmem>>, vector<16xf32>,
      }
      %scan3A_526 = arith.constant 1536 : i32
      %dma_wait3A_527 = arith.constant 0 : i32
      %dma_wait3A_528 = tpu.memref_slice %arg6[%dma_wait3A_527] : memref<8208xi32, #tpu.memory_space<vmem>> -> memref<8192xi32, #tpu.memory_space<vmem>>
      %dma_wait3A_529 = tpu.memref_slice %arg2[%multiple_of3A_476] : memref<14155776xi32, #tpu.memory_space<hbm>> -> memref<8192xi32, #tpu.memory_space<hbm>>
      %dma_wait3A_530 = arith.constant 0 : i32
      %dma_wait3A_531 = tpu.memref_slice %arg6[%dma_wait3A_530] : memref<8208xi32, #tpu.memory_space<vmem>> -> memref<8192xi32, #tpu.memory_space<vmem>>
      %dma_wait3A_532 = tpu.memref_slice %arg2[%multiple_of3A_476] : memref<14155776xi32, #tpu.memory_space<hbm>> -> memref<8192xi32, #tpu.memory_space<hbm>>
      tpu.wait_dma2 semaphore(%arg11 : memref<!tpu.dma_semaphore, #tpu.memory_space<semaphore_mem>>) src(%dma_wait3A_532 : memref<8192xi32, #tpu.memory_space<hbm>>) dst(%dma_wait3A_531 : memref<8192xi32, #tpu.memory_space<vmem>>)
      %dma_wait3A_533 = arith.constant 0 : i32
      %dma_wait3A_534 = tpu.memref_slice %arg7[%dma_wait3A_533] : memref<8208xf32, #tpu.memory_space<vmem>> -> memref<8192xf32, #tpu.memory_space<vmem>>
      %dma_wait3A_535 = tpu.memref_slice %arg3[%multiple_of3A_476] : memref<14155776xf32, #tpu.memory_space<hbm>> -> memref<8192xf32, #tpu.memory_space<hbm>>
      %dma_wait3A_536 = arith.constant 0 : i32
      %dma_wait3A_537 = tpu.memref_slice %arg7[%dma_wait3A_536] : memref<8208xf32, #tpu.memory_space<vmem>> -> memref<8192xf32, #tpu.memory_space<vmem>>
      %dma_wait3A_538 = tpu.memref_slice %arg3[%multiple_of3A_476] : memref<14155776xf32, #tpu.memory_space<hbm>> -> memref<8192xf32, #tpu.memory_space<hbm>>
      tpu.wait_dma2 semaphore(%arg11 : memref<!tpu.dma_semaphore, #tpu.memory_space<semaphore_mem>>) src(%dma_wait3A_538 : memref<8192xf32, #tpu.memory_space<hbm>>) dst(%dma_wait3A_537 : memref<8192xf32, #tpu.memory_space<vmem>>)
      %sub3A_539 = arith.subi %reduce_max3A_443, %multiple_of3A_476 : i32
      %add3A_540 = arith.constant 73920 : i32
      %add3A_541 = arith.addi %mul3A_19, %add3A_540 : i32
      %while3A_542 = arith.constant 0 : i32
      %while3A_543 = arith.subi %select_n3A_505, %while3A_542 : i32
      %while3A_544 = arith.addi %while3A_542, %while3A_543 : i32
      %while3A_545 = arith.constant 1 : i32
      %while3A_546 = arith.divsi %while3A_543, %while3A_545 : i32
      %while3A_547 = arith.muli %while3A_546, %while3A_545 : i32
      %while3A_548 = arith.addi %while3A_542, %while3A_547 : i32
      %while3A_549 = arith.constant 1 : i32
      scf.for %while3A_832 = %while3A_542 to %while3A_548 step %while3A_549  : i32 {
        %mul3A_833 = arith.constant 16 : i32
        %mul3A_834 = arith.muli %while3A_832, %mul3A_833 : i32
        %add3A_835 = arith.addi %sub3A_539, %mul3A_834 : i32
        %get3A_836 = arith.index_cast %add3A_835 : i32 to index
        %get3A_837 = tpu.vector_load %arg6[%get3A_836] {strides = array<i32>} : memref<8208xi32, #tpu.memory_space<vmem>>, vector<16xi32>,
        %add3A_838 = arith.constant 1 : i32
        %add3A_839 = arith.addi %add3A_835, %add3A_838 : i32
        %get3A_840 = arith.index_cast %add3A_839 : i32 to index
        %get3A_841 = tpu.vector_load %arg6[%get3A_840] {strides = array<i32>} : memref<8208xi32, #tpu.memory_space<vmem>>, vector<16xi32>,
        %get3A_842 = arith.index_cast %add3A_835 : i32 to index
        %get3A_843 = tpu.vector_load %arg7[%get3A_842] {strides = array<i32>} : memref<8208xf32, #tpu.memory_space<vmem>>, vector<16xf32>,
        %iota3A_844 = tpu.iota {dimensions = array<i32: 0>} : vector<16xi32>
        %mul3A_845 = arith.constant 16 : i32
        %mul3A_846 = arith.muli %while3A_832, %mul3A_845 : i32
        %add3A_847 = vector.broadcast %mul3A_846 : i32 to vector<16xi32>
        %add3A_848 = arith.addi %iota3A_844, %add3A_847 : vector<16xi32>
        %ne3A_849 = arith.cmpi ne, %get3A_837, %get3A_841 : vector<16xi32>
        %lt3A = vector.broadcast %min3A_479 : i32 to vector<16xi32>
        %lt3A_850 = arith.cmpi slt, %add3A_848, %lt3A : vector<16xi32>
        %and3A_851 = arith.andi %ne3A_849, %lt3A_850 : vector<16xi1>
        %sub3A_852 = vector.broadcast %add3A_541 : i32 to vector<16xi32>
        %sub3A_853 = arith.subi %get3A_837, %sub3A_852 : vector<16xi32>
        %mul3A_854 = arith.constant 21791 : i32
        %mul3A_855 = vector.broadcast %mul3A_854 : i32 to vector<16xi32>
        %mul3A_856 = arith.muli %sub3A_853, %mul3A_855 : vector<16xi32>
        %shift_right_logical3A = arith.constant 23 : i32
        %shift_right_logical3A_857 = vector.broadcast %shift_right_logical3A : i32 to vector<16xi32>
        %shift_right_logical3A_858 = arith.shrui %mul3A_856, %shift_right_logical3A_857 : vector<16xi32>
        %mul3A_859 = arith.constant 385 : i32
        %mul3A_860 = vector.broadcast %mul3A_859 : i32 to vector<16xi32>
        %mul3A_861 = arith.muli %shift_right_logical3A_858, %mul3A_860 : vector<16xi32>
        %sub3A_862 = arith.subi %sub3A_853, %mul3A_861 : vector<16xi32>
        %lt3A_863 = arith.constant 0 : i32
        %lt3A_864 = vector.broadcast %lt3A_863 : i32 to vector<16xi32>
        %lt3A_865 = arith.cmpi slt, %sub3A_862, %lt3A_864 : vector<16xi32>
        %sub3A_866 = arith.constant 1 : i32
        %sub3A_867 = vector.broadcast %sub3A_866 : i32 to vector<16xi32>
        %sub3A_868 = arith.subi %shift_right_logical3A_858, %sub3A_867 : vector<16xi32>
        %select_n3A_869 = arith.select %lt3A_865, %sub3A_868, %shift_right_logical3A_858 : vector<16xi1>, vector<16xi32>
        %add3A_870 = arith.constant 385 : i32
        %add3A_871 = vector.broadcast %add3A_870 : i32 to vector<16xi32>
        %add3A_872 = arith.addi %sub3A_862, %add3A_871 : vector<16xi32>
        %select_n3A_873 = arith.select %lt3A_865, %add3A_872, %sub3A_862 : vector<16xi1>, vector<16xi32>
        %lt3A_874 = arith.constant 64 : i32
        %lt3A_875 = vector.broadcast %lt3A_874 : i32 to vector<16xi32>
        %lt3A_876 = arith.cmpi slt, %select_n3A_869, %lt3A_875 : vector<16xi32>
        %and3A_877 = arith.andi %and3A_851, %lt3A_876 : vector<16xi1>
        %lt3A_878 = arith.constant 384 : i32
        %lt3A_879 = vector.broadcast %lt3A_878 : i32 to vector<16xi32>
        %lt3A_880 = arith.cmpi slt, %select_n3A_873, %lt3A_879 : vector<16xi32>
        %and3A_881 = arith.andi %and3A_877, %lt3A_880 : vector<16xi1>
        %mul3A_882 = arith.constant 384 : i32
        %mul3A_883 = vector.broadcast %mul3A_882 : i32 to vector<16xi32>
        %mul3A_884 = arith.muli %select_n3A_869, %mul3A_883 : vector<16xi32>
        %add3A_885 = arith.addi %mul3A_884, %select_n3A_873 : vector<16xi32>
        tpu.vector_store_idx %arg9[%add3A_885], %get3A_843 masked %and3A_881 : memref<24576xf32, #tpu.memory_space<vmem>>[vector<16xi32>], vector<16xf32>, vector<16xi1>
      }
      %while3A_550 = arith.constant 1 : i32
      scf.for %while3A_832 = %while3A_548 to %while3A_544 step %while3A_550  : i32 {
        %mul3A_833 = arith.constant 16 : i32
        %mul3A_834 = arith.muli %while3A_832, %mul3A_833 : i32
        %add3A_835 = arith.addi %sub3A_539, %mul3A_834 : i32
        %get3A_836 = arith.index_cast %add3A_835 : i32 to index
        %get3A_837 = tpu.vector_load %arg6[%get3A_836] {strides = array<i32>} : memref<8208xi32, #tpu.memory_space<vmem>>, vector<16xi32>,
        %add3A_838 = arith.constant 1 : i32
        %add3A_839 = arith.addi %add3A_835, %add3A_838 : i32
        %get3A_840 = arith.index_cast %add3A_839 : i32 to index
        %get3A_841 = tpu.vector_load %arg6[%get3A_840] {strides = array<i32>} : memref<8208xi32, #tpu.memory_space<vmem>>, vector<16xi32>,
        %get3A_842 = arith.index_cast %add3A_835 : i32 to index
        %get3A_843 = tpu.vector_load %arg7[%get3A_842] {strides = array<i32>} : memref<8208xf32, #tpu.memory_space<vmem>>, vector<16xf32>,
        %iota3A_844 = tpu.iota {dimensions = array<i32: 0>} : vector<16xi32>
        %mul3A_845 = arith.constant 16 : i32
        %mul3A_846 = arith.muli %while3A_832, %mul3A_845 : i32
        %add3A_847 = vector.broadcast %mul3A_846 : i32 to vector<16xi32>
        %add3A_848 = arith.addi %iota3A_844, %add3A_847 : vector<16xi32>
        %ne3A_849 = arith.cmpi ne, %get3A_837, %get3A_841 : vector<16xi32>
        %lt3A = vector.broadcast %min3A_479 : i32 to vector<16xi32>
        %lt3A_850 = arith.cmpi slt, %add3A_848, %lt3A : vector<16xi32>
        %and3A_851 = arith.andi %ne3A_849, %lt3A_850 : vector<16xi1>
        %sub3A_852 = vector.broadcast %add3A_541 : i32 to vector<16xi32>
        %sub3A_853 = arith.subi %get3A_837, %sub3A_852 : vector<16xi32>
        %mul3A_854 = arith.constant 21791 : i32
        %mul3A_855 = vector.broadcast %mul3A_854 : i32 to vector<16xi32>
        %mul3A_856 = arith.muli %sub3A_853, %mul3A_855 : vector<16xi32>
        %shift_right_logical3A = arith.constant 23 : i32
        %shift_right_logical3A_857 = vector.broadcast %shift_right_logical3A : i32 to vector<16xi32>
        %shift_right_logical3A_858 = arith.shrui %mul3A_856, %shift_right_logical3A_857 : vector<16xi32>
        %mul3A_859 = arith.constant 385 : i32
        %mul3A_860 = vector.broadcast %mul3A_859 : i32 to vector<16xi32>
        %mul3A_861 = arith.muli %shift_right_logical3A_858, %mul3A_860 : vector<16xi32>
        %sub3A_862 = arith.subi %sub3A_853, %mul3A_861 : vector<16xi32>
        %lt3A_863 = arith.constant 0 : i32
        %lt3A_864 = vector.broadcast %lt3A_863 : i32 to vector<16xi32>
        %lt3A_865 = arith.cmpi slt, %sub3A_862, %lt3A_864 : vector<16xi32>
        %sub3A_866 = arith.constant 1 : i32
        %sub3A_867 = vector.broadcast %sub3A_866 : i32 to vector<16xi32>
        %sub3A_868 = arith.subi %shift_right_logical3A_858, %sub3A_867 : vector<16xi32>
        %select_n3A_869 = arith.select %lt3A_865, %sub3A_868, %shift_right_logical3A_858 : vector<16xi1>, vector<16xi32>
        %add3A_870 = arith.constant 385 : i32
        %add3A_871 = vector.broadcast %add3A_870 : i32 to vector<16xi32>
        %add3A_872 = arith.addi %sub3A_862, %add3A_871 : vector<16xi32>
        %select_n3A_873 = arith.select %lt3A_865, %add3A_872, %sub3A_862 : vector<16xi1>, vector<16xi32>
        %lt3A_874 = arith.constant 64 : i32
        %lt3A_875 = vector.broadcast %lt3A_874 : i32 to vector<16xi32>
        %lt3A_876 = arith.cmpi slt, %select_n3A_869, %lt3A_875 : vector<16xi32>
        %and3A_877 = arith.andi %and3A_851, %lt3A_876 : vector<16xi1>
        %lt3A_878 = arith.constant 384 : i32
        %lt3A_879 = vector.broadcast %lt3A_878 : i32 to vector<16xi32>
        %lt3A_880 = arith.cmpi slt, %select_n3A_873, %lt3A_879 : vector<16xi32>
        %and3A_881 = arith.andi %and3A_877, %lt3A_880 : vector<16xi1>
        %mul3A_882 = arith.constant 384 : i32
        %mul3A_883 = vector.broadcast %mul3A_882 : i32 to vector<16xi32>
        %mul3A_884 = arith.muli %select_n3A_869, %mul3A_883 : vector<16xi32>
        %add3A_885 = arith.addi %mul3A_884, %select_n3A_873 : vector<16xi32>
        tpu.vector_store_idx %arg9[%add3A_885], %get3A_843 masked %and3A_881 : memref<24576xf32, #tpu.memory_space<vmem>>[vector<16xi32>], vector<16xf32>, vector<16xi1>
      }
      %add3A_551 = arith.constant 73728 : i32
      %add3A_552 = arith.addi %mul3A_21, %add3A_551 : i32
      %multiple_of3A_553 = tpu.assume_multiple %add3A_552, 8 : i32
      %dma_start3A_554 = tpu.memref_slice %arg5[%multiple_of3A_553] : memref<56623104xf32, #tpu.memory_space<hbm>> -> memref<24576xf32, #tpu.memory_space<hbm>>
      %dma_start3A_555 = tpu.memref_slice %arg5[%multiple_of3A_553] : memref<56623104xf32, #tpu.memory_space<hbm>> -> memref<24576xf32, #tpu.memory_space<hbm>>
      tpu.enqueue_dma source(%arg9 : memref<24576xf32, #tpu.memory_space<vmem>>) target(%dma_start3A_555 : memref<24576xf32, #tpu.memory_space<hbm>>) target_semaphore(%arg13 : memref<!tpu.dma_semaphore, #tpu.memory_space<semaphore_mem>>)
      %mul3A_556 = arith.constant 6 : i32
      %mul3A_557 = arith.muli %scan3A_14, %mul3A_556 : i32
      %add3A_558 = arith.constant 4 : i32
      %add3A_559 = arith.addi %mul3A_557, %add3A_558 : i32
      %shift_right_arithmetic3A_560 = arith.constant 4 : i32
      %shift_right_arithmetic3A_561 = arith.shrsi %add3A_559, %shift_right_arithmetic3A_560 : i32
      %mul3A_562 = arith.constant 16 : i32
      %mul3A_563 = arith.muli %shift_right_arithmetic3A_561, %mul3A_562 : i32
      %get3A_564 = arith.index_cast %mul3A_563 : i32 to index
      %get3A_565 = tpu.vector_load %arg10[%get3A_564] {strides = array<i32>} : memref<80xi32, #tpu.memory_space<vmem>>, vector<16xi32>,
      %iota3A_566 = tpu.iota {dimensions = array<i32: 0>} : vector<16xi32>
      %and3A_567 = arith.constant 15 : i32
      %and3A_568 = arith.andi %add3A_559, %and3A_567 : i32
      %eq3A_569 = vector.broadcast %and3A_568 : i32 to vector<16xi32>
      %eq3A_570 = arith.cmpi eq, %iota3A_566, %eq3A_569 : vector<16xi32>
      %jit3A_571 = arith.constant -2147483648 : i32
      %broadcast_in_dim3A_572 = vector.broadcast %jit3A_571 : i32 to vector<16xi32>
      %select_n3A_573 = arith.select %eq3A_570, %get3A_565, %broadcast_in_dim3A_572 : vector<16xi1>, vector<16xi32>
      %reduce_max3A_574 = arith.constant true
      %reduce_max3A_575 = vector.broadcast %reduce_max3A_574 : i1 to vector<16xi1>
      %reduce_max3A_576 = arith.constant -2147483648 : i32
      %reduce_max3A_577 = vector.broadcast %reduce_max3A_576 : i32 to vector<16xi32>
      %reduce_max3A_578 = arith.xori %select_n3A_573, %reduce_max3A_577 : vector<16xi32>
      %reduce_max3A_579 = tpu.scan <max>, %reduce_max3A_578 masked %reduce_max3A_575 : vector<16xi32>, vector<16xi1> -> vector<16xi32>
      %reduce_max3A_580 = arith.xori %reduce_max3A_579, %reduce_max3A_577 : vector<16xi32>
      %reduce_max3A_581 = vector.extract %reduce_max3A_580[15] : i32 from vector<16xi32>
      %mul3A_582 = arith.constant 6 : i32
      %mul3A_583 = arith.muli %scan3A_14, %mul3A_582 : i32
      %add3A_584 = arith.constant 4 : i32
      %add3A_585 = arith.addi %mul3A_583, %add3A_584 : i32
      %add3A_586 = arith.constant 1 : i32
      %add3A_587 = arith.addi %add3A_585, %add3A_586 : i32
      %shift_right_arithmetic3A_588 = arith.constant 4 : i32
      %shift_right_arithmetic3A_589 = arith.shrsi %add3A_587, %shift_right_arithmetic3A_588 : i32
      %mul3A_590 = arith.constant 16 : i32
      %mul3A_591 = arith.muli %shift_right_arithmetic3A_589, %mul3A_590 : i32
      %get3A_592 = arith.index_cast %mul3A_591 : i32 to index
      %get3A_593 = tpu.vector_load %arg10[%get3A_592] {strides = array<i32>} : memref<80xi32, #tpu.memory_space<vmem>>, vector<16xi32>,
      %iota3A_594 = tpu.iota {dimensions = array<i32: 0>} : vector<16xi32>
      %and3A_595 = arith.constant 15 : i32
      %and3A_596 = arith.andi %add3A_587, %and3A_595 : i32
      %eq3A_597 = vector.broadcast %and3A_596 : i32 to vector<16xi32>
      %eq3A_598 = arith.cmpi eq, %iota3A_594, %eq3A_597 : vector<16xi32>
      %jit3A_599 = arith.constant -2147483648 : i32
      %broadcast_in_dim3A_600 = vector.broadcast %jit3A_599 : i32 to vector<16xi32>
      %select_n3A_601 = arith.select %eq3A_598, %get3A_593, %broadcast_in_dim3A_600 : vector<16xi1>, vector<16xi32>
      %reduce_max3A_602 = arith.constant true
      %reduce_max3A_603 = vector.broadcast %reduce_max3A_602 : i1 to vector<16xi1>
      %reduce_max3A_604 = arith.constant -2147483648 : i32
      %reduce_max3A_605 = vector.broadcast %reduce_max3A_604 : i32 to vector<16xi32>
      %reduce_max3A_606 = arith.xori %select_n3A_601, %reduce_max3A_605 : vector<16xi32>
      %reduce_max3A_607 = tpu.scan <max>, %reduce_max3A_606 masked %reduce_max3A_603 : vector<16xi32>, vector<16xi1> -> vector<16xi32>
      %reduce_max3A_608 = arith.xori %reduce_max3A_607, %reduce_max3A_605 : vector<16xi32>
      %reduce_max3A_609 = vector.extract %reduce_max3A_608[15] : i32 from vector<16xi32>
      %and3A_610 = arith.constant -8 : i32
      %and3A_611 = arith.andi %reduce_max3A_581, %and3A_610 : i32
      %min3A_612 = arith.constant 14147584 : i32
      %min3A_613 = arith.minsi %and3A_611, %min3A_612 : i32
      %multiple_of3A_614 = tpu.assume_multiple %min3A_613, 8 : i32
      %sub3A_615 = arith.subi %reduce_max3A_609, %reduce_max3A_581 : i32
      %min3A_616 = arith.constant 8184 : i32
      %min3A_617 = arith.minsi %sub3A_615, %min3A_616 : i32
      %add3A_618 = arith.constant 15 : i32
      %add3A_619 = arith.addi %min3A_617, %add3A_618 : i32
      %jit3A_620 = arith.constant 16 : i32
      %div3A_621 = arith.divsi %add3A_619, %jit3A_620 : i32
      %sign3A_622 = arith.constant 0 : i32
      %sign3A_623 = arith.cmpi sgt, %add3A_619, %sign3A_622 : i32
      %sign3A_624 = arith.extui %sign3A_623 : i1 to i32
      %sign3A_625 = arith.constant 0 : i32
      %sign3A_626 = arith.cmpi slt, %add3A_619, %sign3A_625 : i32
      %sign3A_627 = arith.extui %sign3A_626 : i1 to i32
      %sign3A_628 = arith.subi %sign3A_624, %sign3A_627 : i32
      %sign3A_629 = arith.constant 0 : i32
      %sign3A_630 = arith.cmpi sgt, %jit3A_620, %sign3A_629 : i32
      %sign3A_631 = arith.extui %sign3A_630 : i1 to i32
      %sign3A_632 = arith.constant 0 : i32
      %sign3A_633 = arith.cmpi slt, %jit3A_620, %sign3A_632 : i32
      %sign3A_634 = arith.extui %sign3A_633 : i1 to i32
      %sign3A_635 = arith.subi %sign3A_631, %sign3A_634 : i32
      %ne3A_636 = arith.cmpi ne, %sign3A_628, %sign3A_635 : i32
      %rem3A_637 = arith.remsi %add3A_619, %jit3A_620 : i32
      %ne3A_638 = arith.constant 0 : i32
      %ne3A_639 = arith.cmpi ne, %rem3A_637, %ne3A_638 : i32
      %and3A_640 = arith.andi %ne3A_636, %ne3A_639 : i1
      %sub3A_641 = arith.constant 1 : i32
      %sub3A_642 = arith.subi %div3A_621, %sub3A_641 : i32
      %select_n3A_643 = arith.select %and3A_640, %sub3A_642, %div3A_621 : i32
      %dma_start3A_644 = arith.constant 0 : i32
      %dma_start3A_645 = tpu.memref_slice %arg6[%dma_start3A_644] : memref<8208xi32, #tpu.memory_space<vmem>> -> memref<8192xi32, #tpu.memory_space<vmem>>
      %dma_start3A_646 = tpu.memref_slice %arg2[%multiple_of3A_614] : memref<14155776xi32, #tpu.memory_space<hbm>> -> memref<8192xi32, #tpu.memory_space<hbm>>
      %dma_start3A_647 = arith.constant 0 : i32
      %dma_start3A_648 = tpu.memref_slice %arg6[%dma_start3A_647] : memref<8208xi32, #tpu.memory_space<vmem>> -> memref<8192xi32, #tpu.memory_space<vmem>>
      %dma_start3A_649 = tpu.memref_slice %arg2[%multiple_of3A_614] : memref<14155776xi32, #tpu.memory_space<hbm>> -> memref<8192xi32, #tpu.memory_space<hbm>>
      tpu.enqueue_dma source(%dma_start3A_649 : memref<8192xi32, #tpu.memory_space<hbm>>) target(%dma_start3A_648 : memref<8192xi32, #tpu.memory_space<vmem>>) target_semaphore(%arg11 : memref<!tpu.dma_semaphore, #tpu.memory_space<semaphore_mem>>)
      %dma_start3A_650 = arith.constant 0 : i32
      %dma_start3A_651 = tpu.memref_slice %arg7[%dma_start3A_650] : memref<8208xf32, #tpu.memory_space<vmem>> -> memref<8192xf32, #tpu.memory_space<vmem>>
      %dma_start3A_652 = tpu.memref_slice %arg3[%multiple_of3A_614] : memref<14155776xf32, #tpu.memory_space<hbm>> -> memref<8192xf32, #tpu.memory_space<hbm>>
      %dma_start3A_653 = arith.constant 0 : i32
      %dma_start3A_654 = tpu.memref_slice %arg7[%dma_start3A_653] : memref<8208xf32, #tpu.memory_space<vmem>> -> memref<8192xf32, #tpu.memory_space<vmem>>
      %dma_start3A_655 = tpu.memref_slice %arg3[%multiple_of3A_614] : memref<14155776xf32, #tpu.memory_space<hbm>> -> memref<8192xf32, #tpu.memory_space<hbm>>
      tpu.enqueue_dma source(%dma_start3A_655 : memref<8192xf32, #tpu.memory_space<hbm>>) target(%dma_start3A_654 : memref<8192xf32, #tpu.memory_space<vmem>>) target_semaphore(%arg11 : memref<!tpu.dma_semaphore, #tpu.memory_space<semaphore_mem>>)
      %dma_wait3A_656 = arith.constant 0 : i32
      %dma_wait3A_657 = tpu.memref_slice %arg5[%dma_wait3A_656] : memref<56623104xf32, #tpu.memory_space<hbm>> -> memref<24576xf32, #tpu.memory_space<hbm>>
      %dma_wait3A_658 = arith.constant 0 : i32
      %dma_wait3A_659 = tpu.memref_slice %arg5[%dma_wait3A_658] : memref<56623104xf32, #tpu.memory_space<hbm>> -> memref<24576xf32, #tpu.memory_space<hbm>>
      tpu.wait_dma2 semaphore(%arg12 : memref<!tpu.dma_semaphore, #tpu.memory_space<semaphore_mem>>) src(%dma_wait3A_659 : memref<24576xf32, #tpu.memory_space<hbm>>) dst(%arg8 : memref<24576xf32, #tpu.memory_space<vmem>>)
      %scan3A_660 = arith.constant 0 : i32
      %scan3A_661 = arith.constant 1536 : i32
      %scan3A_662 = arith.addi %scan3A_660, %scan3A_661 : i32
      %scan3A_663 = arith.constant 1 : i32
      scf.for %scan3A_832 = %scan3A_660 to %scan3A_662 step %scan3A_663  : i32 {
        %broadcast_in_dim3A_833 = arith.constant 0.000000e+00 : f32
        %broadcast_in_dim3A_834 = vector.broadcast %broadcast_in_dim3A_833 : f32 to vector<16xf32>
        %mul3A_835 = arith.constant 16 : i32
        %mul3A_836 = arith.muli %scan3A_832, %mul3A_835 : i32
        %swap3A_837 = arith.index_cast %mul3A_836 : i32 to index
        %swap3A_838 = tpu.vector_load %arg8[%swap3A_837] {strides = array<i32>} : memref<24576xf32, #tpu.memory_space<vmem>>, vector<16xf32>,
        tpu.vector_store %arg8[%swap3A_837], %broadcast_in_dim3A_834 {strides = array<i32>} : memref<24576xf32, #tpu.memory_space<vmem>>, vector<16xf32>,
      }
      %scan3A_664 = arith.constant 1536 : i32
      %dma_wait3A_665 = arith.constant 0 : i32
      %dma_wait3A_666 = tpu.memref_slice %arg6[%dma_wait3A_665] : memref<8208xi32, #tpu.memory_space<vmem>> -> memref<8192xi32, #tpu.memory_space<vmem>>
      %dma_wait3A_667 = tpu.memref_slice %arg2[%multiple_of3A_614] : memref<14155776xi32, #tpu.memory_space<hbm>> -> memref<8192xi32, #tpu.memory_space<hbm>>
      %dma_wait3A_668 = arith.constant 0 : i32
      %dma_wait3A_669 = tpu.memref_slice %arg6[%dma_wait3A_668] : memref<8208xi32, #tpu.memory_space<vmem>> -> memref<8192xi32, #tpu.memory_space<vmem>>
      %dma_wait3A_670 = tpu.memref_slice %arg2[%multiple_of3A_614] : memref<14155776xi32, #tpu.memory_space<hbm>> -> memref<8192xi32, #tpu.memory_space<hbm>>
      tpu.wait_dma2 semaphore(%arg11 : memref<!tpu.dma_semaphore, #tpu.memory_space<semaphore_mem>>) src(%dma_wait3A_670 : memref<8192xi32, #tpu.memory_space<hbm>>) dst(%dma_wait3A_669 : memref<8192xi32, #tpu.memory_space<vmem>>)
      %dma_wait3A_671 = arith.constant 0 : i32
      %dma_wait3A_672 = tpu.memref_slice %arg7[%dma_wait3A_671] : memref<8208xf32, #tpu.memory_space<vmem>> -> memref<8192xf32, #tpu.memory_space<vmem>>
      %dma_wait3A_673 = tpu.memref_slice %arg3[%multiple_of3A_614] : memref<14155776xf32, #tpu.memory_space<hbm>> -> memref<8192xf32, #tpu.memory_space<hbm>>
      %dma_wait3A_674 = arith.constant 0 : i32
      %dma_wait3A_675 = tpu.memref_slice %arg7[%dma_wait3A_674] : memref<8208xf32, #tpu.memory_space<vmem>> -> memref<8192xf32, #tpu.memory_space<vmem>>
      %dma_wait3A_676 = tpu.memref_slice %arg3[%multiple_of3A_614] : memref<14155776xf32, #tpu.memory_space<hbm>> -> memref<8192xf32, #tpu.memory_space<hbm>>
      tpu.wait_dma2 semaphore(%arg11 : memref<!tpu.dma_semaphore, #tpu.memory_space<semaphore_mem>>) src(%dma_wait3A_676 : memref<8192xf32, #tpu.memory_space<hbm>>) dst(%dma_wait3A_675 : memref<8192xf32, #tpu.memory_space<vmem>>)
      %sub3A_677 = arith.subi %reduce_max3A_581, %multiple_of3A_614 : i32
      %add3A_678 = arith.constant 98560 : i32
      %add3A_679 = arith.addi %mul3A_19, %add3A_678 : i32
      %while3A_680 = arith.constant 0 : i32
      %while3A_681 = arith.subi %select_n3A_643, %while3A_680 : i32
      %while3A_682 = arith.addi %while3A_680, %while3A_681 : i32
      %while3A_683 = arith.constant 1 : i32
      %while3A_684 = arith.divsi %while3A_681, %while3A_683 : i32
      %while3A_685 = arith.muli %while3A_684, %while3A_683 : i32
      %while3A_686 = arith.addi %while3A_680, %while3A_685 : i32
      %while3A_687 = arith.constant 1 : i32
      scf.for %while3A_832 = %while3A_680 to %while3A_686 step %while3A_687  : i32 {
        %mul3A_833 = arith.constant 16 : i32
        %mul3A_834 = arith.muli %while3A_832, %mul3A_833 : i32
        %add3A_835 = arith.addi %sub3A_677, %mul3A_834 : i32
        %get3A_836 = arith.index_cast %add3A_835 : i32 to index
        %get3A_837 = tpu.vector_load %arg6[%get3A_836] {strides = array<i32>} : memref<8208xi32, #tpu.memory_space<vmem>>, vector<16xi32>,
        %add3A_838 = arith.constant 1 : i32
        %add3A_839 = arith.addi %add3A_835, %add3A_838 : i32
        %get3A_840 = arith.index_cast %add3A_839 : i32 to index
        %get3A_841 = tpu.vector_load %arg6[%get3A_840] {strides = array<i32>} : memref<8208xi32, #tpu.memory_space<vmem>>, vector<16xi32>,
        %get3A_842 = arith.index_cast %add3A_835 : i32 to index
        %get3A_843 = tpu.vector_load %arg7[%get3A_842] {strides = array<i32>} : memref<8208xf32, #tpu.memory_space<vmem>>, vector<16xf32>,
        %iota3A_844 = tpu.iota {dimensions = array<i32: 0>} : vector<16xi32>
        %mul3A_845 = arith.constant 16 : i32
        %mul3A_846 = arith.muli %while3A_832, %mul3A_845 : i32
        %add3A_847 = vector.broadcast %mul3A_846 : i32 to vector<16xi32>
        %add3A_848 = arith.addi %iota3A_844, %add3A_847 : vector<16xi32>
        %ne3A_849 = arith.cmpi ne, %get3A_837, %get3A_841 : vector<16xi32>
        %lt3A = vector.broadcast %min3A_617 : i32 to vector<16xi32>
        %lt3A_850 = arith.cmpi slt, %add3A_848, %lt3A : vector<16xi32>
        %and3A_851 = arith.andi %ne3A_849, %lt3A_850 : vector<16xi1>
        %sub3A_852 = vector.broadcast %add3A_679 : i32 to vector<16xi32>
        %sub3A_853 = arith.subi %get3A_837, %sub3A_852 : vector<16xi32>
        %mul3A_854 = arith.constant 21791 : i32
        %mul3A_855 = vector.broadcast %mul3A_854 : i32 to vector<16xi32>
        %mul3A_856 = arith.muli %sub3A_853, %mul3A_855 : vector<16xi32>
        %shift_right_logical3A = arith.constant 23 : i32
        %shift_right_logical3A_857 = vector.broadcast %shift_right_logical3A : i32 to vector<16xi32>
        %shift_right_logical3A_858 = arith.shrui %mul3A_856, %shift_right_logical3A_857 : vector<16xi32>
        %mul3A_859 = arith.constant 385 : i32
        %mul3A_860 = vector.broadcast %mul3A_859 : i32 to vector<16xi32>
        %mul3A_861 = arith.muli %shift_right_logical3A_858, %mul3A_860 : vector<16xi32>
        %sub3A_862 = arith.subi %sub3A_853, %mul3A_861 : vector<16xi32>
        %lt3A_863 = arith.constant 0 : i32
        %lt3A_864 = vector.broadcast %lt3A_863 : i32 to vector<16xi32>
        %lt3A_865 = arith.cmpi slt, %sub3A_862, %lt3A_864 : vector<16xi32>
        %sub3A_866 = arith.constant 1 : i32
        %sub3A_867 = vector.broadcast %sub3A_866 : i32 to vector<16xi32>
        %sub3A_868 = arith.subi %shift_right_logical3A_858, %sub3A_867 : vector<16xi32>
        %select_n3A_869 = arith.select %lt3A_865, %sub3A_868, %shift_right_logical3A_858 : vector<16xi1>, vector<16xi32>
        %add3A_870 = arith.constant 385 : i32
        %add3A_871 = vector.broadcast %add3A_870 : i32 to vector<16xi32>
        %add3A_872 = arith.addi %sub3A_862, %add3A_871 : vector<16xi32>
        %select_n3A_873 = arith.select %lt3A_865, %add3A_872, %sub3A_862 : vector<16xi1>, vector<16xi32>
        %lt3A_874 = arith.constant 64 : i32
        %lt3A_875 = vector.broadcast %lt3A_874 : i32 to vector<16xi32>
        %lt3A_876 = arith.cmpi slt, %select_n3A_869, %lt3A_875 : vector<16xi32>
        %and3A_877 = arith.andi %and3A_851, %lt3A_876 : vector<16xi1>
        %lt3A_878 = arith.constant 384 : i32
        %lt3A_879 = vector.broadcast %lt3A_878 : i32 to vector<16xi32>
        %lt3A_880 = arith.cmpi slt, %select_n3A_873, %lt3A_879 : vector<16xi32>
        %and3A_881 = arith.andi %and3A_877, %lt3A_880 : vector<16xi1>
        %mul3A_882 = arith.constant 384 : i32
        %mul3A_883 = vector.broadcast %mul3A_882 : i32 to vector<16xi32>
        %mul3A_884 = arith.muli %select_n3A_869, %mul3A_883 : vector<16xi32>
        %add3A_885 = arith.addi %mul3A_884, %select_n3A_873 : vector<16xi32>
        tpu.vector_store_idx %arg8[%add3A_885], %get3A_843 masked %and3A_881 : memref<24576xf32, #tpu.memory_space<vmem>>[vector<16xi32>], vector<16xf32>, vector<16xi1>
      }
      %while3A_688 = arith.constant 1 : i32
      scf.for %while3A_832 = %while3A_686 to %while3A_682 step %while3A_688  : i32 {
        %mul3A_833 = arith.constant 16 : i32
        %mul3A_834 = arith.muli %while3A_832, %mul3A_833 : i32
        %add3A_835 = arith.addi %sub3A_677, %mul3A_834 : i32
        %get3A_836 = arith.index_cast %add3A_835 : i32 to index
        %get3A_837 = tpu.vector_load %arg6[%get3A_836] {strides = array<i32>} : memref<8208xi32, #tpu.memory_space<vmem>>, vector<16xi32>,
        %add3A_838 = arith.constant 1 : i32
        %add3A_839 = arith.addi %add3A_835, %add3A_838 : i32
        %get3A_840 = arith.index_cast %add3A_839 : i32 to index
        %get3A_841 = tpu.vector_load %arg6[%get3A_840] {strides = array<i32>} : memref<8208xi32, #tpu.memory_space<vmem>>, vector<16xi32>,
        %get3A_842 = arith.index_cast %add3A_835 : i32 to index
        %get3A_843 = tpu.vector_load %arg7[%get3A_842] {strides = array<i32>} : memref<8208xf32, #tpu.memory_space<vmem>>, vector<16xf32>,
        %iota3A_844 = tpu.iota {dimensions = array<i32: 0>} : vector<16xi32>
        %mul3A_845 = arith.constant 16 : i32
        %mul3A_846 = arith.muli %while3A_832, %mul3A_845 : i32
        %add3A_847 = vector.broadcast %mul3A_846 : i32 to vector<16xi32>
        %add3A_848 = arith.addi %iota3A_844, %add3A_847 : vector<16xi32>
        %ne3A_849 = arith.cmpi ne, %get3A_837, %get3A_841 : vector<16xi32>
        %lt3A = vector.broadcast %min3A_617 : i32 to vector<16xi32>
        %lt3A_850 = arith.cmpi slt, %add3A_848, %lt3A : vector<16xi32>
        %and3A_851 = arith.andi %ne3A_849, %lt3A_850 : vector<16xi1>
        %sub3A_852 = vector.broadcast %add3A_679 : i32 to vector<16xi32>
        %sub3A_853 = arith.subi %get3A_837, %sub3A_852 : vector<16xi32>
        %mul3A_854 = arith.constant 21791 : i32
        %mul3A_855 = vector.broadcast %mul3A_854 : i32 to vector<16xi32>
        %mul3A_856 = arith.muli %sub3A_853, %mul3A_855 : vector<16xi32>
        %shift_right_logical3A = arith.constant 23 : i32
        %shift_right_logical3A_857 = vector.broadcast %shift_right_logical3A : i32 to vector<16xi32>
        %shift_right_logical3A_858 = arith.shrui %mul3A_856, %shift_right_logical3A_857 : vector<16xi32>
        %mul3A_859 = arith.constant 385 : i32
        %mul3A_860 = vector.broadcast %mul3A_859 : i32 to vector<16xi32>
        %mul3A_861 = arith.muli %shift_right_logical3A_858, %mul3A_860 : vector<16xi32>
        %sub3A_862 = arith.subi %sub3A_853, %mul3A_861 : vector<16xi32>
        %lt3A_863 = arith.constant 0 : i32
        %lt3A_864 = vector.broadcast %lt3A_863 : i32 to vector<16xi32>
        %lt3A_865 = arith.cmpi slt, %sub3A_862, %lt3A_864 : vector<16xi32>
        %sub3A_866 = arith.constant 1 : i32
        %sub3A_867 = vector.broadcast %sub3A_866 : i32 to vector<16xi32>
        %sub3A_868 = arith.subi %shift_right_logical3A_858, %sub3A_867 : vector<16xi32>
        %select_n3A_869 = arith.select %lt3A_865, %sub3A_868, %shift_right_logical3A_858 : vector<16xi1>, vector<16xi32>
        %add3A_870 = arith.constant 385 : i32
        %add3A_871 = vector.broadcast %add3A_870 : i32 to vector<16xi32>
        %add3A_872 = arith.addi %sub3A_862, %add3A_871 : vector<16xi32>
        %select_n3A_873 = arith.select %lt3A_865, %add3A_872, %sub3A_862 : vector<16xi1>, vector<16xi32>
        %lt3A_874 = arith.constant 64 : i32
        %lt3A_875 = vector.broadcast %lt3A_874 : i32 to vector<16xi32>
        %lt3A_876 = arith.cmpi slt, %select_n3A_869, %lt3A_875 : vector<16xi32>
        %and3A_877 = arith.andi %and3A_851, %lt3A_876 : vector<16xi1>
        %lt3A_878 = arith.constant 384 : i32
        %lt3A_879 = vector.broadcast %lt3A_878 : i32 to vector<16xi32>
        %lt3A_880 = arith.cmpi slt, %select_n3A_873, %lt3A_879 : vector<16xi32>
        %and3A_881 = arith.andi %and3A_877, %lt3A_880 : vector<16xi1>
        %mul3A_882 = arith.constant 384 : i32
        %mul3A_883 = vector.broadcast %mul3A_882 : i32 to vector<16xi32>
        %mul3A_884 = arith.muli %select_n3A_869, %mul3A_883 : vector<16xi32>
        %add3A_885 = arith.addi %mul3A_884, %select_n3A_873 : vector<16xi32>
        tpu.vector_store_idx %arg8[%add3A_885], %get3A_843 masked %and3A_881 : memref<24576xf32, #tpu.memory_space<vmem>>[vector<16xi32>], vector<16xf32>, vector<16xi1>
      }
      %add3A_689 = arith.constant 98304 : i32
      %add3A_690 = arith.addi %mul3A_21, %add3A_689 : i32
      %multiple_of3A_691 = tpu.assume_multiple %add3A_690, 8 : i32
      %dma_start3A_692 = tpu.memref_slice %arg5[%multiple_of3A_691] : memref<56623104xf32, #tpu.memory_space<hbm>> -> memref<24576xf32, #tpu.memory_space<hbm>>
      %dma_start3A_693 = tpu.memref_slice %arg5[%multiple_of3A_691] : memref<56623104xf32, #tpu.memory_space<hbm>> -> memref<24576xf32, #tpu.memory_space<hbm>>
      tpu.enqueue_dma source(%arg8 : memref<24576xf32, #tpu.memory_space<vmem>>) target(%dma_start3A_693 : memref<24576xf32, #tpu.memory_space<hbm>>) target_semaphore(%arg12 : memref<!tpu.dma_semaphore, #tpu.memory_space<semaphore_mem>>)
      %mul3A_694 = arith.constant 6 : i32
      %mul3A_695 = arith.muli %scan3A_14, %mul3A_694 : i32
      %add3A_696 = arith.constant 5 : i32
      %add3A_697 = arith.addi %mul3A_695, %add3A_696 : i32
      %shift_right_arithmetic3A_698 = arith.constant 4 : i32
      %shift_right_arithmetic3A_699 = arith.shrsi %add3A_697, %shift_right_arithmetic3A_698 : i32
      %mul3A_700 = arith.constant 16 : i32
      %mul3A_701 = arith.muli %shift_right_arithmetic3A_699, %mul3A_700 : i32
      %get3A_702 = arith.index_cast %mul3A_701 : i32 to index
      %get3A_703 = tpu.vector_load %arg10[%get3A_702] {strides = array<i32>} : memref<80xi32, #tpu.memory_space<vmem>>, vector<16xi32>,
      %iota3A_704 = tpu.iota {dimensions = array<i32: 0>} : vector<16xi32>
      %and3A_705 = arith.constant 15 : i32
      %and3A_706 = arith.andi %add3A_697, %and3A_705 : i32
      %eq3A_707 = vector.broadcast %and3A_706 : i32 to vector<16xi32>
      %eq3A_708 = arith.cmpi eq, %iota3A_704, %eq3A_707 : vector<16xi32>
      %jit3A_709 = arith.constant -2147483648 : i32
      %broadcast_in_dim3A_710 = vector.broadcast %jit3A_709 : i32 to vector<16xi32>
      %select_n3A_711 = arith.select %eq3A_708, %get3A_703, %broadcast_in_dim3A_710 : vector<16xi1>, vector<16xi32>
      %reduce_max3A_712 = arith.constant true
      %reduce_max3A_713 = vector.broadcast %reduce_max3A_712 : i1 to vector<16xi1>
      %reduce_max3A_714 = arith.constant -2147483648 : i32
      %reduce_max3A_715 = vector.broadcast %reduce_max3A_714 : i32 to vector<16xi32>
      %reduce_max3A_716 = arith.xori %select_n3A_711, %reduce_max3A_715 : vector<16xi32>
      %reduce_max3A_717 = tpu.scan <max>, %reduce_max3A_716 masked %reduce_max3A_713 : vector<16xi32>, vector<16xi1> -> vector<16xi32>
      %reduce_max3A_718 = arith.xori %reduce_max3A_717, %reduce_max3A_715 : vector<16xi32>
      %reduce_max3A_719 = vector.extract %reduce_max3A_718[15] : i32 from vector<16xi32>
      %mul3A_720 = arith.constant 6 : i32
      %mul3A_721 = arith.muli %scan3A_14, %mul3A_720 : i32
      %add3A_722 = arith.constant 5 : i32
      %add3A_723 = arith.addi %mul3A_721, %add3A_722 : i32
      %add3A_724 = arith.constant 1 : i32
      %add3A_725 = arith.addi %add3A_723, %add3A_724 : i32
      %shift_right_arithmetic3A_726 = arith.constant 4 : i32
      %shift_right_arithmetic3A_727 = arith.shrsi %add3A_725, %shift_right_arithmetic3A_726 : i32
      %mul3A_728 = arith.constant 16 : i32
      %mul3A_729 = arith.muli %shift_right_arithmetic3A_727, %mul3A_728 : i32
      %get3A_730 = arith.index_cast %mul3A_729 : i32 to index
      %get3A_731 = tpu.vector_load %arg10[%get3A_730] {strides = array<i32>} : memref<80xi32, #tpu.memory_space<vmem>>, vector<16xi32>,
      %iota3A_732 = tpu.iota {dimensions = array<i32: 0>} : vector<16xi32>
      %and3A_733 = arith.constant 15 : i32
      %and3A_734 = arith.andi %add3A_725, %and3A_733 : i32
      %eq3A_735 = vector.broadcast %and3A_734 : i32 to vector<16xi32>
      %eq3A_736 = arith.cmpi eq, %iota3A_732, %eq3A_735 : vector<16xi32>
      %jit3A_737 = arith.constant -2147483648 : i32
      %broadcast_in_dim3A_738 = vector.broadcast %jit3A_737 : i32 to vector<16xi32>
      %select_n3A_739 = arith.select %eq3A_736, %get3A_731, %broadcast_in_dim3A_738 : vector<16xi1>, vector<16xi32>
      %reduce_max3A_740 = arith.constant true
      %reduce_max3A_741 = vector.broadcast %reduce_max3A_740 : i1 to vector<16xi1>
      %reduce_max3A_742 = arith.constant -2147483648 : i32
      %reduce_max3A_743 = vector.broadcast %reduce_max3A_742 : i32 to vector<16xi32>
      %reduce_max3A_744 = arith.xori %select_n3A_739, %reduce_max3A_743 : vector<16xi32>
      %reduce_max3A_745 = tpu.scan <max>, %reduce_max3A_744 masked %reduce_max3A_741 : vector<16xi32>, vector<16xi1> -> vector<16xi32>
      %reduce_max3A_746 = arith.xori %reduce_max3A_745, %reduce_max3A_743 : vector<16xi32>
      %reduce_max3A_747 = vector.extract %reduce_max3A_746[15] : i32 from vector<16xi32>
      %and3A_748 = arith.constant -8 : i32
      %and3A_749 = arith.andi %reduce_max3A_719, %and3A_748 : i32
      %min3A_750 = arith.constant 14147584 : i32
      %min3A_751 = arith.minsi %and3A_749, %min3A_750 : i32
      %multiple_of3A_752 = tpu.assume_multiple %min3A_751, 8 : i32
      %sub3A_753 = arith.subi %reduce_max3A_747, %reduce_max3A_719 : i32
      %min3A_754 = arith.constant 8184 : i32
      %min3A_755 = arith.minsi %sub3A_753, %min3A_754 : i32
      %add3A_756 = arith.constant 15 : i32
      %add3A_757 = arith.addi %min3A_755, %add3A_756 : i32
      %jit3A_758 = arith.constant 16 : i32
      %div3A_759 = arith.divsi %add3A_757, %jit3A_758 : i32
      %sign3A_760 = arith.constant 0 : i32
      %sign3A_761 = arith.cmpi sgt, %add3A_757, %sign3A_760 : i32
      %sign3A_762 = arith.extui %sign3A_761 : i1 to i32
      %sign3A_763 = arith.constant 0 : i32
      %sign3A_764 = arith.cmpi slt, %add3A_757, %sign3A_763 : i32
      %sign3A_765 = arith.extui %sign3A_764 : i1 to i32
      %sign3A_766 = arith.subi %sign3A_762, %sign3A_765 : i32
      %sign3A_767 = arith.constant 0 : i32
      %sign3A_768 = arith.cmpi sgt, %jit3A_758, %sign3A_767 : i32
      %sign3A_769 = arith.extui %sign3A_768 : i1 to i32
      %sign3A_770 = arith.constant 0 : i32
      %sign3A_771 = arith.cmpi slt, %jit3A_758, %sign3A_770 : i32
      %sign3A_772 = arith.extui %sign3A_771 : i1 to i32
      %sign3A_773 = arith.subi %sign3A_769, %sign3A_772 : i32
      %ne3A_774 = arith.cmpi ne, %sign3A_766, %sign3A_773 : i32
      %rem3A_775 = arith.remsi %add3A_757, %jit3A_758 : i32
      %ne3A_776 = arith.constant 0 : i32
      %ne3A_777 = arith.cmpi ne, %rem3A_775, %ne3A_776 : i32
      %and3A_778 = arith.andi %ne3A_774, %ne3A_777 : i1
      %sub3A_779 = arith.constant 1 : i32
      %sub3A_780 = arith.subi %div3A_759, %sub3A_779 : i32
      %select_n3A_781 = arith.select %and3A_778, %sub3A_780, %div3A_759 : i32
      %dma_start3A_782 = arith.constant 0 : i32
      %dma_start3A_783 = tpu.memref_slice %arg6[%dma_start3A_782] : memref<8208xi32, #tpu.memory_space<vmem>> -> memref<8192xi32, #tpu.memory_space<vmem>>
      %dma_start3A_784 = tpu.memref_slice %arg2[%multiple_of3A_752] : memref<14155776xi32, #tpu.memory_space<hbm>> -> memref<8192xi32, #tpu.memory_space<hbm>>
      %dma_start3A_785 = arith.constant 0 : i32
      %dma_start3A_786 = tpu.memref_slice %arg6[%dma_start3A_785] : memref<8208xi32, #tpu.memory_space<vmem>> -> memref<8192xi32, #tpu.memory_space<vmem>>
      %dma_start3A_787 = tpu.memref_slice %arg2[%multiple_of3A_752] : memref<14155776xi32, #tpu.memory_space<hbm>> -> memref<8192xi32, #tpu.memory_space<hbm>>
      tpu.enqueue_dma source(%dma_start3A_787 : memref<8192xi32, #tpu.memory_space<hbm>>) target(%dma_start3A_786 : memref<8192xi32, #tpu.memory_space<vmem>>) target_semaphore(%arg11 : memref<!tpu.dma_semaphore, #tpu.memory_space<semaphore_mem>>)
      %dma_start3A_788 = arith.constant 0 : i32
      %dma_start3A_789 = tpu.memref_slice %arg7[%dma_start3A_788] : memref<8208xf32, #tpu.memory_space<vmem>> -> memref<8192xf32, #tpu.memory_space<vmem>>
      %dma_start3A_790 = tpu.memref_slice %arg3[%multiple_of3A_752] : memref<14155776xf32, #tpu.memory_space<hbm>> -> memref<8192xf32, #tpu.memory_space<hbm>>
      %dma_start3A_791 = arith.constant 0 : i32
      %dma_start3A_792 = tpu.memref_slice %arg7[%dma_start3A_791] : memref<8208xf32, #tpu.memory_space<vmem>> -> memref<8192xf32, #tpu.memory_space<vmem>>
      %dma_start3A_793 = tpu.memref_slice %arg3[%multiple_of3A_752] : memref<14155776xf32, #tpu.memory_space<hbm>> -> memref<8192xf32, #tpu.memory_space<hbm>>
      tpu.enqueue_dma source(%dma_start3A_793 : memref<8192xf32, #tpu.memory_space<hbm>>) target(%dma_start3A_792 : memref<8192xf32, #tpu.memory_space<vmem>>) target_semaphore(%arg11 : memref<!tpu.dma_semaphore, #tpu.memory_space<semaphore_mem>>)
      %dma_wait3A_794 = arith.constant 0 : i32
      %dma_wait3A_795 = tpu.memref_slice %arg5[%dma_wait3A_794] : memref<56623104xf32, #tpu.memory_space<hbm>> -> memref<24576xf32, #tpu.memory_space<hbm>>
      %dma_wait3A_796 = arith.constant 0 : i32
      %dma_wait3A_797 = tpu.memref_slice %arg5[%dma_wait3A_796] : memref<56623104xf32, #tpu.memory_space<hbm>> -> memref<24576xf32, #tpu.memory_space<hbm>>
      tpu.wait_dma2 semaphore(%arg13 : memref<!tpu.dma_semaphore, #tpu.memory_space<semaphore_mem>>) src(%dma_wait3A_797 : memref<24576xf32, #tpu.memory_space<hbm>>) dst(%arg9 : memref<24576xf32, #tpu.memory_space<vmem>>)
      %scan3A_798 = arith.constant 0 : i32
      %scan3A_799 = arith.constant 1536 : i32
      %scan3A_800 = arith.addi %scan3A_798, %scan3A_799 : i32
      %scan3A_801 = arith.constant 1 : i32
      scf.for %scan3A_832 = %scan3A_798 to %scan3A_800 step %scan3A_801  : i32 {
        %broadcast_in_dim3A_833 = arith.constant 0.000000e+00 : f32
        %broadcast_in_dim3A_834 = vector.broadcast %broadcast_in_dim3A_833 : f32 to vector<16xf32>
        %mul3A_835 = arith.constant 16 : i32
        %mul3A_836 = arith.muli %scan3A_832, %mul3A_835 : i32
        %swap3A_837 = arith.index_cast %mul3A_836 : i32 to index
        %swap3A_838 = tpu.vector_load %arg9[%swap3A_837] {strides = array<i32>} : memref<24576xf32, #tpu.memory_space<vmem>>, vector<16xf32>,
        tpu.vector_store %arg9[%swap3A_837], %broadcast_in_dim3A_834 {strides = array<i32>} : memref<24576xf32, #tpu.memory_space<vmem>>, vector<16xf32>,
      }
      %scan3A_802 = arith.constant 1536 : i32
      %dma_wait3A_803 = arith.constant 0 : i32
      %dma_wait3A_804 = tpu.memref_slice %arg6[%dma_wait3A_803] : memref<8208xi32, #tpu.memory_space<vmem>> -> memref<8192xi32, #tpu.memory_space<vmem>>
      %dma_wait3A_805 = tpu.memref_slice %arg2[%multiple_of3A_752] : memref<14155776xi32, #tpu.memory_space<hbm>> -> memref<8192xi32, #tpu.memory_space<hbm>>
      %dma_wait3A_806 = arith.constant 0 : i32
      %dma_wait3A_807 = tpu.memref_slice %arg6[%dma_wait3A_806] : memref<8208xi32, #tpu.memory_space<vmem>> -> memref<8192xi32, #tpu.memory_space<vmem>>
      %dma_wait3A_808 = tpu.memref_slice %arg2[%multiple_of3A_752] : memref<14155776xi32, #tpu.memory_space<hbm>> -> memref<8192xi32, #tpu.memory_space<hbm>>
      tpu.wait_dma2 semaphore(%arg11 : memref<!tpu.dma_semaphore, #tpu.memory_space<semaphore_mem>>) src(%dma_wait3A_808 : memref<8192xi32, #tpu.memory_space<hbm>>) dst(%dma_wait3A_807 : memref<8192xi32, #tpu.memory_space<vmem>>)
      %dma_wait3A_809 = arith.constant 0 : i32
      %dma_wait3A_810 = tpu.memref_slice %arg7[%dma_wait3A_809] : memref<8208xf32, #tpu.memory_space<vmem>> -> memref<8192xf32, #tpu.memory_space<vmem>>
      %dma_wait3A_811 = tpu.memref_slice %arg3[%multiple_of3A_752] : memref<14155776xf32, #tpu.memory_space<hbm>> -> memref<8192xf32, #tpu.memory_space<hbm>>
      %dma_wait3A_812 = arith.constant 0 : i32
      %dma_wait3A_813 = tpu.memref_slice %arg7[%dma_wait3A_812] : memref<8208xf32, #tpu.memory_space<vmem>> -> memref<8192xf32, #tpu.memory_space<vmem>>
      %dma_wait3A_814 = tpu.memref_slice %arg3[%multiple_of3A_752] : memref<14155776xf32, #tpu.memory_space<hbm>> -> memref<8192xf32, #tpu.memory_space<hbm>>
      tpu.wait_dma2 semaphore(%arg11 : memref<!tpu.dma_semaphore, #tpu.memory_space<semaphore_mem>>) src(%dma_wait3A_814 : memref<8192xf32, #tpu.memory_space<hbm>>) dst(%dma_wait3A_813 : memref<8192xf32, #tpu.memory_space<vmem>>)
      %sub3A_815 = arith.subi %reduce_max3A_719, %multiple_of3A_752 : i32
      %add3A_816 = arith.constant 123200 : i32
      %add3A_817 = arith.addi %mul3A_19, %add3A_816 : i32
      %while3A_818 = arith.constant 0 : i32
      %while3A_819 = arith.subi %select_n3A_781, %while3A_818 : i32
      %while3A_820 = arith.addi %while3A_818, %while3A_819 : i32
      %while3A_821 = arith.constant 1 : i32
      %while3A_822 = arith.divsi %while3A_819, %while3A_821 : i32
      %while3A_823 = arith.muli %while3A_822, %while3A_821 : i32
      %while3A_824 = arith.addi %while3A_818, %while3A_823 : i32
      %while3A_825 = arith.constant 1 : i32
      scf.for %while3A_832 = %while3A_818 to %while3A_824 step %while3A_825  : i32 {
        %mul3A_833 = arith.constant 16 : i32
        %mul3A_834 = arith.muli %while3A_832, %mul3A_833 : i32
        %add3A_835 = arith.addi %sub3A_815, %mul3A_834 : i32
        %get3A_836 = arith.index_cast %add3A_835 : i32 to index
        %get3A_837 = tpu.vector_load %arg6[%get3A_836] {strides = array<i32>} : memref<8208xi32, #tpu.memory_space<vmem>>, vector<16xi32>,
        %add3A_838 = arith.constant 1 : i32
        %add3A_839 = arith.addi %add3A_835, %add3A_838 : i32
        %get3A_840 = arith.index_cast %add3A_839 : i32 to index
        %get3A_841 = tpu.vector_load %arg6[%get3A_840] {strides = array<i32>} : memref<8208xi32, #tpu.memory_space<vmem>>, vector<16xi32>,
        %get3A_842 = arith.index_cast %add3A_835 : i32 to index
        %get3A_843 = tpu.vector_load %arg7[%get3A_842] {strides = array<i32>} : memref<8208xf32, #tpu.memory_space<vmem>>, vector<16xf32>,
        %iota3A_844 = tpu.iota {dimensions = array<i32: 0>} : vector<16xi32>
        %mul3A_845 = arith.constant 16 : i32
        %mul3A_846 = arith.muli %while3A_832, %mul3A_845 : i32
        %add3A_847 = vector.broadcast %mul3A_846 : i32 to vector<16xi32>
        %add3A_848 = arith.addi %iota3A_844, %add3A_847 : vector<16xi32>
        %ne3A_849 = arith.cmpi ne, %get3A_837, %get3A_841 : vector<16xi32>
        %lt3A = vector.broadcast %min3A_755 : i32 to vector<16xi32>
        %lt3A_850 = arith.cmpi slt, %add3A_848, %lt3A : vector<16xi32>
        %and3A_851 = arith.andi %ne3A_849, %lt3A_850 : vector<16xi1>
        %sub3A_852 = vector.broadcast %add3A_817 : i32 to vector<16xi32>
        %sub3A_853 = arith.subi %get3A_837, %sub3A_852 : vector<16xi32>
        %mul3A_854 = arith.constant 21791 : i32
        %mul3A_855 = vector.broadcast %mul3A_854 : i32 to vector<16xi32>
        %mul3A_856 = arith.muli %sub3A_853, %mul3A_855 : vector<16xi32>
        %shift_right_logical3A = arith.constant 23 : i32
        %shift_right_logical3A_857 = vector.broadcast %shift_right_logical3A : i32 to vector<16xi32>
        %shift_right_logical3A_858 = arith.shrui %mul3A_856, %shift_right_logical3A_857 : vector<16xi32>
        %mul3A_859 = arith.constant 385 : i32
        %mul3A_860 = vector.broadcast %mul3A_859 : i32 to vector<16xi32>
        %mul3A_861 = arith.muli %shift_right_logical3A_858, %mul3A_860 : vector<16xi32>
        %sub3A_862 = arith.subi %sub3A_853, %mul3A_861 : vector<16xi32>
        %lt3A_863 = arith.constant 0 : i32
        %lt3A_864 = vector.broadcast %lt3A_863 : i32 to vector<16xi32>
        %lt3A_865 = arith.cmpi slt, %sub3A_862, %lt3A_864 : vector<16xi32>
        %sub3A_866 = arith.constant 1 : i32
        %sub3A_867 = vector.broadcast %sub3A_866 : i32 to vector<16xi32>
        %sub3A_868 = arith.subi %shift_right_logical3A_858, %sub3A_867 : vector<16xi32>
        %select_n3A_869 = arith.select %lt3A_865, %sub3A_868, %shift_right_logical3A_858 : vector<16xi1>, vector<16xi32>
        %add3A_870 = arith.constant 385 : i32
        %add3A_871 = vector.broadcast %add3A_870 : i32 to vector<16xi32>
        %add3A_872 = arith.addi %sub3A_862, %add3A_871 : vector<16xi32>
        %select_n3A_873 = arith.select %lt3A_865, %add3A_872, %sub3A_862 : vector<16xi1>, vector<16xi32>
        %lt3A_874 = arith.constant 64 : i32
        %lt3A_875 = vector.broadcast %lt3A_874 : i32 to vector<16xi32>
        %lt3A_876 = arith.cmpi slt, %select_n3A_869, %lt3A_875 : vector<16xi32>
        %and3A_877 = arith.andi %and3A_851, %lt3A_876 : vector<16xi1>
        %lt3A_878 = arith.constant 384 : i32
        %lt3A_879 = vector.broadcast %lt3A_878 : i32 to vector<16xi32>
        %lt3A_880 = arith.cmpi slt, %select_n3A_873, %lt3A_879 : vector<16xi32>
        %and3A_881 = arith.andi %and3A_877, %lt3A_880 : vector<16xi1>
        %mul3A_882 = arith.constant 384 : i32
        %mul3A_883 = vector.broadcast %mul3A_882 : i32 to vector<16xi32>
        %mul3A_884 = arith.muli %select_n3A_869, %mul3A_883 : vector<16xi32>
        %add3A_885 = arith.addi %mul3A_884, %select_n3A_873 : vector<16xi32>
        tpu.vector_store_idx %arg9[%add3A_885], %get3A_843 masked %and3A_881 : memref<24576xf32, #tpu.memory_space<vmem>>[vector<16xi32>], vector<16xf32>, vector<16xi1>
      }
      %while3A_826 = arith.constant 1 : i32
      scf.for %while3A_832 = %while3A_824 to %while3A_820 step %while3A_826  : i32 {
        %mul3A_833 = arith.constant 16 : i32
        %mul3A_834 = arith.muli %while3A_832, %mul3A_833 : i32
        %add3A_835 = arith.addi %sub3A_815, %mul3A_834 : i32
        %get3A_836 = arith.index_cast %add3A_835 : i32 to index
        %get3A_837 = tpu.vector_load %arg6[%get3A_836] {strides = array<i32>} : memref<8208xi32, #tpu.memory_space<vmem>>, vector<16xi32>,
        %add3A_838 = arith.constant 1 : i32
        %add3A_839 = arith.addi %add3A_835, %add3A_838 : i32
        %get3A_840 = arith.index_cast %add3A_839 : i32 to index
        %get3A_841 = tpu.vector_load %arg6[%get3A_840] {strides = array<i32>} : memref<8208xi32, #tpu.memory_space<vmem>>, vector<16xi32>,
        %get3A_842 = arith.index_cast %add3A_835 : i32 to index
        %get3A_843 = tpu.vector_load %arg7[%get3A_842] {strides = array<i32>} : memref<8208xf32, #tpu.memory_space<vmem>>, vector<16xf32>,
        %iota3A_844 = tpu.iota {dimensions = array<i32: 0>} : vector<16xi32>
        %mul3A_845 = arith.constant 16 : i32
        %mul3A_846 = arith.muli %while3A_832, %mul3A_845 : i32
        %add3A_847 = vector.broadcast %mul3A_846 : i32 to vector<16xi32>
        %add3A_848 = arith.addi %iota3A_844, %add3A_847 : vector<16xi32>
        %ne3A_849 = arith.cmpi ne, %get3A_837, %get3A_841 : vector<16xi32>
        %lt3A = vector.broadcast %min3A_755 : i32 to vector<16xi32>
        %lt3A_850 = arith.cmpi slt, %add3A_848, %lt3A : vector<16xi32>
        %and3A_851 = arith.andi %ne3A_849, %lt3A_850 : vector<16xi1>
        %sub3A_852 = vector.broadcast %add3A_817 : i32 to vector<16xi32>
        %sub3A_853 = arith.subi %get3A_837, %sub3A_852 : vector<16xi32>
        %mul3A_854 = arith.constant 21791 : i32
        %mul3A_855 = vector.broadcast %mul3A_854 : i32 to vector<16xi32>
        %mul3A_856 = arith.muli %sub3A_853, %mul3A_855 : vector<16xi32>
        %shift_right_logical3A = arith.constant 23 : i32
        %shift_right_logical3A_857 = vector.broadcast %shift_right_logical3A : i32 to vector<16xi32>
        %shift_right_logical3A_858 = arith.shrui %mul3A_856, %shift_right_logical3A_857 : vector<16xi32>
        %mul3A_859 = arith.constant 385 : i32
        %mul3A_860 = vector.broadcast %mul3A_859 : i32 to vector<16xi32>
        %mul3A_861 = arith.muli %shift_right_logical3A_858, %mul3A_860 : vector<16xi32>
        %sub3A_862 = arith.subi %sub3A_853, %mul3A_861 : vector<16xi32>
        %lt3A_863 = arith.constant 0 : i32
        %lt3A_864 = vector.broadcast %lt3A_863 : i32 to vector<16xi32>
        %lt3A_865 = arith.cmpi slt, %sub3A_862, %lt3A_864 : vector<16xi32>
        %sub3A_866 = arith.constant 1 : i32
        %sub3A_867 = vector.broadcast %sub3A_866 : i32 to vector<16xi32>
        %sub3A_868 = arith.subi %shift_right_logical3A_858, %sub3A_867 : vector<16xi32>
        %select_n3A_869 = arith.select %lt3A_865, %sub3A_868, %shift_right_logical3A_858 : vector<16xi1>, vector<16xi32>
        %add3A_870 = arith.constant 385 : i32
        %add3A_871 = vector.broadcast %add3A_870 : i32 to vector<16xi32>
        %add3A_872 = arith.addi %sub3A_862, %add3A_871 : vector<16xi32>
        %select_n3A_873 = arith.select %lt3A_865, %add3A_872, %sub3A_862 : vector<16xi1>, vector<16xi32>
        %lt3A_874 = arith.constant 64 : i32
        %lt3A_875 = vector.broadcast %lt3A_874 : i32 to vector<16xi32>
        %lt3A_876 = arith.cmpi slt, %select_n3A_869, %lt3A_875 : vector<16xi32>
        %and3A_877 = arith.andi %and3A_851, %lt3A_876 : vector<16xi1>
        %lt3A_878 = arith.constant 384 : i32
        %lt3A_879 = vector.broadcast %lt3A_878 : i32 to vector<16xi32>
        %lt3A_880 = arith.cmpi slt, %select_n3A_873, %lt3A_879 : vector<16xi32>
        %and3A_881 = arith.andi %and3A_877, %lt3A_880 : vector<16xi1>
        %mul3A_882 = arith.constant 384 : i32
        %mul3A_883 = vector.broadcast %mul3A_882 : i32 to vector<16xi32>
        %mul3A_884 = arith.muli %select_n3A_869, %mul3A_883 : vector<16xi32>
        %add3A_885 = arith.addi %mul3A_884, %select_n3A_873 : vector<16xi32>
        tpu.vector_store_idx %arg9[%add3A_885], %get3A_843 masked %and3A_881 : memref<24576xf32, #tpu.memory_space<vmem>>[vector<16xi32>], vector<16xf32>, vector<16xi1>
      }
      %add3A_827 = arith.constant 122880 : i32
      %add3A_828 = arith.addi %mul3A_21, %add3A_827 : i32
      %multiple_of3A_829 = tpu.assume_multiple %add3A_828, 8 : i32
      %dma_start3A_830 = tpu.memref_slice %arg5[%multiple_of3A_829] : memref<56623104xf32, #tpu.memory_space<hbm>> -> memref<24576xf32, #tpu.memory_space<hbm>>
      %dma_start3A_831 = tpu.memref_slice %arg5[%multiple_of3A_829] : memref<56623104xf32, #tpu.memory_space<hbm>> -> memref<24576xf32, #tpu.memory_space<hbm>>
      tpu.enqueue_dma source(%arg9 : memref<24576xf32, #tpu.memory_space<vmem>>) target(%dma_start3A_831 : memref<24576xf32, #tpu.memory_space<hbm>>) target_semaphore(%arg13 : memref<!tpu.dma_semaphore, #tpu.memory_space<semaphore_mem>>)
    }
    %scan3A_6 = arith.constant 12 : i32
    %dma_wait3A = arith.constant 0 : i32
    %dma_wait3A_7 = tpu.memref_slice %arg5[%dma_wait3A] : memref<56623104xf32, #tpu.memory_space<hbm>> -> memref<24576xf32, #tpu.memory_space<hbm>>
    %dma_wait3A_8 = arith.constant 0 : i32
    %dma_wait3A_9 = tpu.memref_slice %arg5[%dma_wait3A_8] : memref<56623104xf32, #tpu.memory_space<hbm>> -> memref<24576xf32, #tpu.memory_space<hbm>>
    tpu.wait_dma2 semaphore(%arg12 : memref<!tpu.dma_semaphore, #tpu.memory_space<semaphore_mem>>) src(%dma_wait3A_9 : memref<24576xf32, #tpu.memory_space<hbm>>) dst(%arg8 : memref<24576xf32, #tpu.memory_space<vmem>>)
    %dma_wait3A_10 = arith.constant 0 : i32
    %dma_wait3A_11 = tpu.memref_slice %arg5[%dma_wait3A_10] : memref<56623104xf32, #tpu.memory_space<hbm>> -> memref<24576xf32, #tpu.memory_space<hbm>>
    %dma_wait3A_12 = arith.constant 0 : i32
    %dma_wait3A_13 = tpu.memref_slice %arg5[%dma_wait3A_12] : memref<56623104xf32, #tpu.memory_space<hbm>> -> memref<24576xf32, #tpu.memory_space<hbm>>
    tpu.wait_dma2 semaphore(%arg13 : memref<!tpu.dma_semaphore, #tpu.memory_space<semaphore_mem>>) src(%dma_wait3A_13 : memref<24576xf32, #tpu.memory_space<hbm>>) dst(%arg9 : memref<24576xf32, #tpu.memory_space<vmem>>)
    return
  }
}

</mosaic_0001>

<sc_bundles>
// kernel: gather_offload_async_start
scs
__scs_entry_jumppad:
0x0: {  	(pc) =	sbr.rel $0x88, $3  }
0x1: {  	(tag) =	ssettag $0x0;
	lr =	simm.s32 $0x1  }
0x2: {  	[smem:$0x3F9F] =	sst lr;
	_ =	strace $0xD0000000  }
0x3: {  	_ = 	snop  }
0x4: {  	_ = 	snop  }
0x5: {  	_ = 	snop  }
0x6: {  	_ = 	snop  }
0x7: {  	_ = 	snop  }
__scs_overlays_trampoline_lowered:
0x8: {  	[smem:$0x3FAE] =	sst s0  }
0x9: {  	[smem:$0x3FAF] =	sst s1  }
0xa: {  	[smem:$0x3FB0] =	sst s2  }
0xb: {  	[smem:$0x3FB1] =	sst s3  }
0xc: {  	[smem:$0x3FB2] =	sst s4  }
0xd: {  	[smem:$0x3FB3] =	sst s5  }
0xe: {  	[smem:$0x3FB4] =	sst s6  }
0xf: {  	[smem:$0x3FB5] =	sst s7  }
0x10: {  	[smem:$0x3FB6] =	sst s8  }
0x11: {  	[smem:$0x3FB7] =	sst s9;
	s0 =	simm.s32 @!p0 $0x0  }
0x12: {  	s1 =	sld [smem:$0x3F9D];
	s0 =	simm.s32 @p0 $0x1  }
0x13: {  	[smem:$0x3FB8] =	sst s0;
	s0 =	simm.s32 @!p1 $0x0  }
0x14: {  	s2 =	sld [smem:$0x3F9C];
	s0 =	simm.s32 @p1 $0x1  }
0x15: {  	[smem:$0x3FB9] =	sst s0;
	s0 =	simm.s32 @!p2 $0x0  }
0x16: {  	s3 =	sld [smem:$0x3FDB];
	s0 =	simm.s32 @p2 $0x1  }
0x17: {  	s4 =	simm.s32 $0x1BF5;
	[smem:$0x3FBB] =	sst s0  }
0x18: {  	s0 =	sld [smem:$0x3F9E];
	_ =	swait.ge [sflag:s4], $0x0  }
0x19: {  	s7 =	sld [smem:$0x3F9F]  }
0x1a: {  	s8 =	sadd.s32 $0xFFFFE003, lr  }
0x1b: {  	s9 =	sadd.s32 $0xFFFFFEF7, lr;
	s5 =	simm.s32 $0xFFFFFFFF;
	p2 =	slt.u32 s8, $0xFFFFF086  }
0x1c: {  	p1 =	slt.u32 s9, $0xF7A;
	s5 =	simm.s32 @!p2 $0x0  }
0x1d: {  	s5 =	simm.s32 @p1 $0x1;
	p0 =	seq.s32 s7, s2  }
0x1e: {  	s7 =	smul.u32 @!p0 $0xF7A, s2;
	p2 =	seq.s32 @!p0 s5, $0x0  }
0x1f: {  	s9 =	smul.u32 $0xF7A, s1;
	s8 =	simm.s32 @!p0 $0x1BF5;
	p2 =	por !p2, p0  }
0x20: {  	[sflag:s8] =	ssyncset.s32 @!p0 $0xFFFFF086;
	s6 =	sadd.s32 @!p0 s3, s7;
	s7 =	simm.s32 @!p0 $0x108  }
0x21: {  	s3 =	sadd.s32 s3, s9;
	s6 =	sadd.s32 @!p0 $0x88, s6;
	s7 =	simm.s32 @p2 $0x1082  }
0x22: {  	[simem:s7], [sflag:s8] =	dma.local @!p0 [hbm:s6], $0xF7A  }
0x23: {  	s9 =	sor.u32 $0xD0000000, s2;
	s6 =	simm.s32 $0x108;
	_ =	swait.ge @!p0 [sflag:s8], $0x0  }
0x24: {  	s3 =	sadd.s32 $0x88, s3;
	s6 =	simm.s32 @!p1 $0x1082;
	[sflag:s4] =	ssyncset.s32 $0xFFFFF086  }
0x25: {  	[simem:s6], [sflag:s4] =	dma.local [hbm:s3], $0xF7A  }
0x26: {  	[smem:$0x3F9F] =	sst s1;
	(tag) =	ssettag s2;
	_ =	strace s9  }
0x27: {  	s1 =	sld [smem:$0x3FAF]  }
0x28: {  	s2 =	sld [smem:$0x3FB0]  }
0x29: {  	s4 =	sld [smem:$0x3FB2]  }
0x2a: {  	p0 =	seq.s32 s5, $0x0;
	s5 =	sld [smem:$0x3FB3]  }
0x2b: {  	s6 =	sld [smem:$0x3FB4]  }
0x2c: {  	s7 =	sld [smem:$0x3FB5]  }
0x2d: {  	s3 =	simm.s32 $0x108;
	s8 =	sld [smem:$0x3FB6]  }
0x2e: {  	s3 =	simm.s32 @!p0 $0x1082;
	s9 =	sld [smem:$0x3FB7]  }
0x2f: {  	lr =	sadd.s32 s0, s3;
	s0 =	sld [smem:$0x3FAE]  }
0x30: {  	s3 =	sld [smem:$0x3FB1]  }
0x31: {  	[smem:$0x3FBA] =	sst s10  }
0x32: {  	s10 =	sld [smem:$0x3FB8];
	_ =	sdelay $0x3  }
0x33: {  	p0 =	seq.s32 s10, $0x1;
	s10 =	sld [smem:$0x3FBA];
	_ =	sdelay $0x3  }
0x34: {  	[smem:$0x3FBA] =	sst s10  }
0x35: {  	s10 =	sld [smem:$0x3FB9];
	_ =	sdelay $0x3  }
0x36: {  	p1 =	seq.s32 s10, $0x1;
	s10 =	sld [smem:$0x3FBA];
	_ =	sdelay $0x3  }
0x37: {  	[smem:$0x3FBA] =	sst s10  }
0x38: {  	s10 =	sld [smem:$0x3FBB]  }
0x39: {  	_ = 	snop;
	(pc) =	sbr.ind lr, $3  }
0x3a: {  	_ = 	snop  }
0x3b: {  	_ = 	snop  }
0x3c: {  	p2 =	seq.s32 s10, $0x1;
	s10 =	sld [smem:$0x3FBA]  }
0x3d: {  	_ =	shalt  }
0x3e: {  	_ =	shalt  }
0x3f: {  	_ =	shalt  }
0x40: {  	_ =	shalt  }
0x41: {  	_ =	shalt  }
0x42: {  	_ =	shalt  }
0x43: {  	_ =	shalt  }
0x44: {  	_ =	shalt  }
0x45: {  	_ =	shalt  }
0x46: {  	_ =	shalt  }
0x47: {  	_ =	shalt  }
0x48: {  	_ =	shalt  }
0x49: {  	_ =	shalt  }
0x4a: {  	_ =	shalt  }
0x4b: {  	_ =	shalt  }
0x4c: {  	_ =	shalt  }
0x4d: {  	_ =	shalt  }
0x4e: {  	_ =	shalt  }
0x4f: {  	_ =	shalt  }
0x50: {  	_ =	shalt  }
0x51: {  	_ =	shalt  }
0x52: {  	_ =	shalt  }
0x53: {  	_ =	shalt  }
0x54: {  	_ =	shalt  }
0x55: {  	_ =	shalt  }
0x56: {  	_ =	shalt  }
0x57: {  	_ =	shalt  }
0x58: {  	_ =	shalt  }
0x59: {  	_ =	shalt  }
0x5a: {  	_ =	shalt  }
0x5b: {  	_ =	shalt  }
0x5c: {  	_ =	shalt  }
0x5d: {  	_ =	shalt  }
0x5e: {  	_ =	shalt  }
0x5f: {  	_ =	shalt  }
0x60: {  	_ =	shalt  }
0x61: {  	_ =	shalt  }
0x62: {  	_ =	shalt  }
0x63: {  	_ =	shalt  }
0x64: {  	_ =	shalt  }
0x65: {  	_ =	shalt  }
0x66: {  	_ =	shalt  }
0x67: {  	_ =	shalt  }
0x68: {  	_ =	shalt  }
0x69: {  	_ =	shalt  }
0x6a: {  	_ =	shalt  }
0x6b: {  	_ =	shalt  }
0x6c: {  	_ =	shalt  }
0x6d: {  	_ =	shalt  }
0x6e: {  	_ =	shalt  }
0x6f: {  	_ =	shalt  }
0x70: {  	_ =	shalt  }
0x71: {  	_ =	shalt  }
0x72: {  	_ =	shalt  }
0x73: {  	_ =	shalt  }
0x74: {  	_ =	shalt  }
0x75: {  	_ =	shalt  }
0x76: {  	_ =	shalt  }
0x77: {  	_ =	shalt  }
0x78: {  	_ =	shalt  }
0x79: {  	_ =	shalt  }
0x7a: {  	_ =	shalt  }
0x7b: {  	_ =	shalt  }
0x7c: {  	_ =	shalt  }
0x7d: {  	_ =	shalt  }
0x7e: {  	_ =	shalt  }
0x7f: {  	_ =	shalt  }
0x80: {  	_ =	shalt  }
0x81: {  	_ =	shalt  }
0x82: {  	_ =	shalt  }
0x83: {  	_ =	shalt  }
0x84: {  	_ =	shalt  }
0x85: {  	_ =	shalt  }
0x86: {  	_ =	shalt  }
0x87: {  	_ =	shalt  }
.Lfunc_end0:
.L_simem_size_0:
called_computation.1_lowered:
.L_overlay_start_0:
0x88: {  	s2 =	sld [smem:$0x3FD9]  }
0x89: {  	s3 =	sld [smem:$0x3FFE];
	_ =	sdelay $0x1  }
0x8a: {  	s1 =	srdreg.scid  }
0x8b: {  	s0 =	sand.u32 $0x1, s1  }
0x8c: {  	s16 =	sshll.u32 s0, $0xA;
	s2 =	sadd.s32 s3, s2  }
0x8d: {  	s2 =	sadd.s32 s2, s16  }
0x8e: {  	[smem:$0x3FC6] =	sst s2  }
0x8f: {  	_ = 	snop  }
0x90: {  	(tm) =	ssettm $0x1  }
0x91: {  	s17 =	sld [smem:$0x3FFB];
	_ =	sdelay $0x3  }
0x92: {  	_ =	strace s17  }
0x93: {  	s2 =	sld [smem:$0x3FFC];
	_ =	sdelay $0x3  }
0x94: {  	_ =	strace s2  }
0x95: {  	s2 =	sld [smem:$0x3FFD];
	_ =	sdelay $0x3  }
0x96: {  	_ =	strace s2  }
0x97: {  	_ =	strace $0x8FFFFFFF  }
0x98: {  	s18 =	sld [smem:$0x3FDB];
	_ =	sdelay $0x1  }
0x99: {  	s19 =	simm.s32 $_scs_section_size  }
0x9a: {  	s4 =	simm.s32 $_size__tile_overlayer_lowered;
	s5 =	simm.s32 $_tile_overlayer_lowered  }
0x9b: {  	s22 =	simm.s32 $0x1BFF;
	s21 =	sshll.u32 s5, $0x1;
	s2 =	sadd.s32 s19, s18  }
0x9c: {  	s6 =	simm.s32 $0x0;
	s20 =	sshll.u32 s4, $0x1;
	s4 =	sadd.s32 s21, s2  }
0x9d: {  	[timem:s6], [sflag:s22] =	dma.local [hbm:s4], s20  }
0x9e: {  	_ =	swait.ge [sflag:s22], s20  }
0x9f: {  	s3 =	ssub.s32 $0x0, s20;
	[sflag:s22] =	ssyncset.done $0x0  }
0xa0: {  	[sflag:s22] =	ssyncadd.s32 s3;
	_ =	sdelay $0x1  }
0xa1: {  	s23 =	simm.s32 $0x1B8B  }
0xa2: {  	_ =	swait.ge [sflag:s23], $0x1  }
0xa3: {  	[sflag:s23] =	ssyncset.done $0x0  }
0xa4: {  	s25 =	simm.s32 $0x1B8E;
	s24 =	sld [smem:$0x3FFE];
	[sflag:s23] =	ssyncadd.s32 $0xFFFFFFFF  }
0xa5: {  	s26 =	simm.s32 $execute0_lowered;
	[smem:$0x3FD2] =	sst s25  }
0xa6: {  	s4 =	sshll.u32 s26, $0x1;
	_ =	strace $0x80000049;
	[dreg:$0x1] =	wrdreg $0xFFFFFFFF  }
0xa7: {  	s28 =	simm.s32 $_size_execute0_lowered;
	s2 =	sadd.s32 s2, s4;
	[dreg:$0x0] =	wrdreg $0x0  }
0xa8: {  	s4 =	sshll.u32 s28, $0x1;
	[dreg:$0x2] =	wrdreg s2  }
0xa9: {  	[dreg:$0x3] =	wrdreg s4  }
0xaa: {  	[dreg:$0x4] =	wrdreg $0xC0  }
0xab: {  	_ =	task [dreg:s6], $0x5FFFF  }
0xac: {  	[dreg:$0x1] =	wrdreg $0xFFFFFFFF  }
0xad: {  	[dreg:$0x0] =	wrdreg $0x60  }
0xae: {  	[dreg:$0x2] =	wrdreg s24  }
0xaf: {  	[dreg:$0x3] =	wrdreg $0x9  }
0xb0: {  	_ =	task.clear_ibuf [dreg:s6], $0x4FFFF;
	_ =	strace $0x90000049  }
0xb1: {  	s29 =	simm.s32 $0x9;
	_ =	strace $0x8000004B  }
0xb2: {  	_ =	swait.ge [sflag:s29], $0x1  }
0xb3: {  	[sflag:s29] =	ssyncadd.s32 $0xFFFFFFFF  }
0xb4: {  	_ =	strace $0x9000004B  }
0xb5: {  	_ =	sfence  }
0xb6: {  	s30 =	sld [smem:$0x0];
	_ =	sdelay $0x2  }
0xb7: {  	s31 =	sshll.u32 s1, $0xD;
	s1 =	sshrl.u32 s1, $0x2  }
0xb8: {  	s3 =	sand.u32 $0x4000, s31;
	s1 =	sadd.s32 s1, s30  }
0xb9: {  	s0 =	sor.u32 s3, s0;
	s1 =	sshll.u32 s1, $0x11  }
0xba: {  	s0 =	sor.u32 s1, s0  }
0xbb: {  	s0 =	sadd.s32 $0x8F2B, s0  }
0xbc: {  	[sflag:s0] =	ssyncadd.remote.s32 $0x1  }
0xbd: {  	_ =	sfence.sel $0xFFFF  }
0xbe: {  	[dreg:$0x0] =	wrdreg $0xFFFFFFFF;
	(pc) =	sbr.abs _section_cstart, $3  }
0xbf: {  	[dreg:$0x1] =	wrdreg $0xFFFFFFFF  }
0xc0: {  	_ =	task.clear_ibuf [dreg:s6], $0x2FFFF;
	_ =	strace $0x9FFFFFFF  }
0xc1: {  	(tm) =	ssettm $0x7FFFFFFF  }
tec
execute0_lowered:
.L_overlay_start_1:
0x0: {  	(tag) =	ssettag $0x1  }
0x1: {  	s1 =	srdreg.scid;
	s0 =	stileid.u32  }
0x2: {  	s6 =	rddreg [dreg:$0x0];
	s7 =	simm.s32 $0x1;
	s1 =	sshll.u32 s1, $0x4  }
0x3: {  	s30 =	simm.s32 $0x2;
	s2 =	sshll.u32 s0, $0x5;
	s3 =	sand.u32 $0x10, s1  }
0x4: {  	s31 =	simm.s32 $0x3;
	s11 =	simm.s32 $0x0;
	s2 =	sor.u32 s2, s3  }
0x5: {  	s9 =	simm.s32 $0x0;
	s4 =	sadd.s32 $0x510E00, s6;
	s5 =	ssub.s32 $0x920, s2  }
0x6: {  	s1 =	rddreg [dreg:$0x1];
	_ =	strace $0x8000004A;
	s8 =	sand.u32 $0x1F0, s5  }
0x7: {  	s3 =	sadd.s32 $0x800, s6;
	[sflag:s7] =	ssyncpa.u1 $0x0;
	p0 =	sne.s32 s8, $0x0  }
0x8: {  	s6 =	sadd.s32 $0xA00, s6;
	s5 =	sshrl.u32 s5, $0x9;
	s7 =	simm.s32 @!p0 $0x0  }
0x9: {  	[sflag:s30] =	ssyncpa.u1 $0x0;
	s10 =	smov.u32 s2;
	s5 =	sadd.s32 s7, s5  }
0xa: {  	[sflag:s31] =	ssyncpa.u1 $0x0;
	s8 =	simm.s32 $0x0;
	s7 =	sadd.s32 $0x1, s5  }
.LBB2_1:
0xb: {  	p0 =	sge.u32 s9, s5  }
0xc: {  	s31 =	sadd.s32 $0xFFFFFFFF, s9;
	s12 =	sxor.u32 @!p0 $0xFFFFFFFF, s8;
	s13 =	sshrl.u32 @!p0 s10, $0x3  }
0xd: {  	s14 =	sand.u32 @!p0 $0x7, s10;
	s12 =	sand.u32 @!p0 $0x10, s12;
	s13 =	sadd.s32 @!p0 s4, s13  }
0xe: {  	[tilespmem:s12], [sflag:$0x2] =	stream.linear.gather @!p0 [hbm4b:s13+s14], $0x10, $0x38;
	[tilespmem:$0x40] =	vst v63  }
0xf: {  	p0 =	sge.u32 s31, s5  }
0x10: {  	s12 =	simm.s32 @!p0 $0x2  }
0x11: {  	_ =	swait.ge @!p0 [sflag:s12], $0x10  }
0x12: {  	[sflag:s12] =	ssyncset.done @!p0 $0x0  }
0x13: {  	[sflag:s12] =	ssyncadd.s32 @!p0 $0xFFFFFFF0;
	s12 =	sand.u32 @!p0 $0x10, s8  }
0x14: {  	(ifvalue) =	ssetifvalue @!p0 $0x7FFFFFFF;
	v0 =	vld.msk @!p0 [tilespmem:s12+$0x0 ss:$0x1], $0xffff;
	_ =	sdelay $0x4  }
0x15: {  	vm0 =	vgt.s32 @!p0 v0, $0x0  }
0x16: {  	v0 =	vnsel @!p0 vm0, $0x0, v0  }
0x17: {  	v0 =	vmin.u32 @!p0 v0, $0x900;
	_ =	sdelay $0x3  }
0x18: {  	s13 =	simm.s32 @!p0 $0x0;
	s12 =	sor.u32 @!p0 $0x20, s12;
	(ifvalue) =	ssetifvalue @!p0 $0x7FFFFFFF;
	vm0 =	vmmov @!p0 $0xffff  }
0x19: {  	[tilespmem:s12], [sflag:$0x1] =	stream.indirect_vreg.gather @!p0 [hbm4b:s3+s13], $0x1, v0, vm0, $0x4038;
	[tilespmem:$0x40] =	vst v63  }
0x1a: {  	s13 =	simm.s32 @!p0 $0x1  }
0x1b: {  	_ =	swait.ge @!p0 [sflag:s13], $0x10  }
0x1c: {  	s14 =	sshrl.u32 @!p0 s11, $0x3;
	[sflag:s13] =	ssyncset.done @!p0 $0x0  }
0x1d: {  	s11 =	sand.u32 @!p0 $0x7, s11;
	[sflag:s13] =	ssyncadd.s32 @!p0 $0xFFFFFFF0;
	s13 =	sadd.s32 @!p0 s6, s14  }
0x1e: {  	[hbm4b:s13+s11] =	stream.linear.scatter @!p0 [tilespmem:s12], [sflag:$0x3], $0x10, $0x38;
	[tilespmem:$0x40] =	vst v63  }
0x1f: {  	s13 =	sadd.s32 $0x200, s10  }
0x20: {  	p1 =	sgt.s32 s13, $0x91F  }
0x21: {  	s13 =	smov.u32 @p1 s2;
	p1 =	sne.s32 s9, s7  }
.Ltmp0:
0x22: {  	p0 =	slt.u32 s9, $0x2;
	(pc) =	sbr.rel @p1 .LBB2_1-.Ltmp0, $4  }
0x23: {  	s12 =	simm.s32 @!p0 $0x3  }
0x24: {  	_ =	swait.ge @!p0 [sflag:s12], $0x10  }
0x25: {  	s8 =	sadd.s32 $0x10, s8;
	s11 =	smov.u32 s10;
	[sflag:s12] =	ssyncset.done @!p0 $0x0  }
0x26: {  	s9 =	sadd.s32 $0x1, s9;
	s10 =	smov.u32 s13;
	[sflag:s12] =	ssyncadd.s32 @!p0 $0xFFFFFFF0  }
0x27: {  	_ =	sfence.sel $0x180000  }
0x28: {  	s2 =	simm.s32 $0x2;
	[bflag:$0x0] =	sbarrier.arrive $0xFFFF  }
0x29: {  	s30 =	simm.s32 $0x3;
	[sflag:s2] =	ssyncpa.u1 $0x1  }
0x2a: {  	s31 =	simm.s32 $0x1;
	[sflag:s30] =	ssyncpa.u1 $0x1  }
0x2b: {  	[sflag:s31] =	ssyncpa.u1 $0x1  }
0x2c: {  	p0 =	sne.s32 s0, $0x0;
	_ =	strace $0x9000004A  }
0x2d: {  	s0 =	sadd.s32 @!p0 $0x100000, s1;
	[bflag:$0x2] =	sbarrier.arrive $0xFFFF  }
0x2e: {  	[sflag:s0] =	ssyncadd.tile.s32 @!p0 $0x1;
	_ =	shalt  }
.Lfunc_end2:
_tile_overlayer_lowered:
.L_overlay_start_2:
0x2f: {  	(tag) =	ssettag $0x2  }
0x30: {  	s0 =	rddreg [dreg:$0x0];
	s2 =	stileid.u32  }
0x31: {  	s1 =	rddreg [dreg:$0x1];
	p0 =	sne.s32 s2, $0x0  }
0x32: {  	s3 =	rddreg [dreg:$0x2];
	[bflag:$0x3] =	sbarrier.arrive $0xFFFF;
	s2 =	simm.s32 @!p0 $0x1C01  }
0x33: {  	[timem:s3], [sflag:s2] =	dma.local @!p0 [hbm:s0], s1  }
0x34: {  	s0 =	simm.s32 @!p0 $0x1  }
0x35: {  	_ =	swait.ge @!p0 [sflag:s0], s1  }
0x36: {  	s1 =	ssub.s32 @!p0 $0x0, s1;
	[sflag:s0] =	ssyncset.done @!p0 $0x0  }
0x37: {  	[sflag:s0] =	ssyncadd.s32 @!p0 s1  }
0x38: {  	[bflag:$0x3] =	sbarrier.arrive $0xFFFF  }
0x39: {  	_ =	shalt  }

// kernel: kernel.3.cloned.1.call-start
scs
__scs_entry_jumppad:
0x0: {  	(pc) =	sbr.rel $0x88, $3  }
0x1: {  	(tag) =	ssettag $0x0;
	lr =	simm.s32 $0x1  }
0x2: {  	[smem:$0x3F9F] =	sst lr;
	_ =	strace $0xD0000000  }
0x3: {  	_ = 	snop  }
0x4: {  	_ = 	snop  }
0x5: {  	_ = 	snop  }
0x6: {  	_ = 	snop  }
0x7: {  	_ = 	snop  }
__scs_overlays_trampoline_lowered:
0x8: {  	[smem:$0x3FAE] =	sst s0  }
0x9: {  	[smem:$0x3FAF] =	sst s1  }
0xa: {  	[smem:$0x3FB0] =	sst s2  }
0xb: {  	[smem:$0x3FB1] =	sst s3  }
0xc: {  	[smem:$0x3FB2] =	sst s4  }
0xd: {  	[smem:$0x3FB3] =	sst s5  }
0xe: {  	[smem:$0x3FB4] =	sst s6  }
0xf: {  	[smem:$0x3FB5] =	sst s7  }
0x10: {  	[smem:$0x3FB6] =	sst s8  }
0x11: {  	[smem:$0x3FB7] =	sst s9;
	s0 =	simm.s32 @!p0 $0x0  }
0x12: {  	s1 =	sld [smem:$0x3F9D];
	s0 =	simm.s32 @p0 $0x1  }
0x13: {  	[smem:$0x3FB8] =	sst s0;
	s0 =	simm.s32 @!p1 $0x0  }
0x14: {  	s2 =	sld [smem:$0x3F9C];
	s0 =	simm.s32 @p1 $0x1  }
0x15: {  	[smem:$0x3FB9] =	sst s0;
	s0 =	simm.s32 @!p2 $0x0  }
0x16: {  	s3 =	sld [smem:$0x3FDB];
	s0 =	simm.s32 @p2 $0x1  }
0x17: {  	s4 =	simm.s32 $0x1BF5;
	[smem:$0x3FBB] =	sst s0  }
0x18: {  	s0 =	sld [smem:$0x3F9E];
	_ =	swait.ge [sflag:s4], $0x0  }
0x19: {  	s7 =	sld [smem:$0x3F9F]  }
0x1a: {  	s8 =	sadd.s32 $0xFFFFE003, lr  }
0x1b: {  	s9 =	sadd.s32 $0xFFFFFEF7, lr;
	s5 =	simm.s32 $0xFFFFFFFF;
	p2 =	slt.u32 s8, $0xFFFFF086  }
0x1c: {  	p1 =	slt.u32 s9, $0xF7A;
	s5 =	simm.s32 @!p2 $0x0  }
0x1d: {  	s5 =	simm.s32 @p1 $0x1;
	p0 =	seq.s32 s7, s2  }
0x1e: {  	s7 =	smul.u32 @!p0 $0xF7A, s2;
	p2 =	seq.s32 @!p0 s5, $0x0  }
0x1f: {  	s9 =	smul.u32 $0xF7A, s1;
	s8 =	simm.s32 @!p0 $0x1BF5;
	p2 =	por !p2, p0  }
0x20: {  	[sflag:s8] =	ssyncset.s32 @!p0 $0xFFFFF086;
	s6 =	sadd.s32 @!p0 s3, s7;
	s7 =	simm.s32 @!p0 $0x108  }
0x21: {  	s3 =	sadd.s32 s3, s9;
	s6 =	sadd.s32 @!p0 $0x88, s6;
	s7 =	simm.s32 @p2 $0x1082  }
0x22: {  	[simem:s7], [sflag:s8] =	dma.local @!p0 [hbm:s6], $0xF7A  }
0x23: {  	s9 =	sor.u32 $0xD0000000, s2;
	s6 =	simm.s32 $0x108;
	_ =	swait.ge @!p0 [sflag:s8], $0x0  }
0x24: {  	s3 =	sadd.s32 $0x88, s3;
	s6 =	simm.s32 @!p1 $0x1082;
	[sflag:s4] =	ssyncset.s32 $0xFFFFF086  }
0x25: {  	[simem:s6], [sflag:s4] =	dma.local [hbm:s3], $0xF7A  }
0x26: {  	[smem:$0x3F9F] =	sst s1;
	(tag) =	ssettag s2;
	_ =	strace s9  }
0x27: {  	s1 =	sld [smem:$0x3FAF]  }
0x28: {  	s2 =	sld [smem:$0x3FB0]  }
0x29: {  	s4 =	sld [smem:$0x3FB2]  }
0x2a: {  	p0 =	seq.s32 s5, $0x0;
	s5 =	sld [smem:$0x3FB3]  }
0x2b: {  	s6 =	sld [smem:$0x3FB4]  }
0x2c: {  	s7 =	sld [smem:$0x3FB5]  }
0x2d: {  	s3 =	simm.s32 $0x108;
	s8 =	sld [smem:$0x3FB6]  }
0x2e: {  	s3 =	simm.s32 @!p0 $0x1082;
	s9 =	sld [smem:$0x3FB7]  }
0x2f: {  	lr =	sadd.s32 s0, s3;
	s0 =	sld [smem:$0x3FAE]  }
0x30: {  	s3 =	sld [smem:$0x3FB1]  }
0x31: {  	[smem:$0x3FBA] =	sst s10  }
0x32: {  	s10 =	sld [smem:$0x3FB8];
	_ =	sdelay $0x3  }
0x33: {  	p0 =	seq.s32 s10, $0x1;
	s10 =	sld [smem:$0x3FBA];
	_ =	sdelay $0x3  }
0x34: {  	[smem:$0x3FBA] =	sst s10  }
0x35: {  	s10 =	sld [smem:$0x3FB9];
	_ =	sdelay $0x3  }
0x36: {  	p1 =	seq.s32 s10, $0x1;
	s10 =	sld [smem:$0x3FBA];
	_ =	sdelay $0x3  }
0x37: {  	[smem:$0x3FBA] =	sst s10  }
0x38: {  	s10 =	sld [smem:$0x3FBB]  }
0x39: {  	_ = 	snop;
	(pc) =	sbr.ind lr, $3  }
0x3a: {  	_ = 	snop  }
0x3b: {  	_ = 	snop  }
0x3c: {  	p2 =	seq.s32 s10, $0x1;
	s10 =	sld [smem:$0x3FBA]  }
0x3d: {  	_ =	shalt  }
0x3e: {  	_ =	shalt  }
0x3f: {  	_ =	shalt  }
0x40: {  	_ =	shalt  }
0x41: {  	_ =	shalt  }
0x42: {  	_ =	shalt  }
0x43: {  	_ =	shalt  }
0x44: {  	_ =	shalt  }
0x45: {  	_ =	shalt  }
0x46: {  	_ =	shalt  }
0x47: {  	_ =	shalt  }
0x48: {  	_ =	shalt  }
0x49: {  	_ =	shalt  }
0x4a: {  	_ =	shalt  }
0x4b: {  	_ =	shalt  }
0x4c: {  	_ =	shalt  }
0x4d: {  	_ =	shalt  }
0x4e: {  	_ =	shalt  }
0x4f: {  	_ =	shalt  }
0x50: {  	_ =	shalt  }
0x51: {  	_ =	shalt  }
0x52: {  	_ =	shalt  }
0x53: {  	_ =	shalt  }
0x54: {  	_ =	shalt  }
0x55: {  	_ =	shalt  }
0x56: {  	_ =	shalt  }
0x57: {  	_ =	shalt  }
0x58: {  	_ =	shalt  }
0x59: {  	_ =	shalt  }
0x5a: {  	_ =	shalt  }
0x5b: {  	_ =	shalt  }
0x5c: {  	_ =	shalt  }
0x5d: {  	_ =	shalt  }
0x5e: {  	_ =	shalt  }
0x5f: {  	_ =	shalt  }
0x60: {  	_ =	shalt  }
0x61: {  	_ =	shalt  }
0x62: {  	_ =	shalt  }
0x63: {  	_ =	shalt  }
0x64: {  	_ =	shalt  }
0x65: {  	_ =	shalt  }
0x66: {  	_ =	shalt  }
0x67: {  	_ =	shalt  }
0x68: {  	_ =	shalt  }
0x69: {  	_ =	shalt  }
0x6a: {  	_ =	shalt  }
0x6b: {  	_ =	shalt  }
0x6c: {  	_ =	shalt  }
0x6d: {  	_ =	shalt  }
0x6e: {  	_ =	shalt  }
0x6f: {  	_ =	shalt  }
0x70: {  	_ =	shalt  }
0x71: {  	_ =	shalt  }
0x72: {  	_ =	shalt  }
0x73: {  	_ =	shalt  }
0x74: {  	_ =	shalt  }
0x75: {  	_ =	shalt  }
0x76: {  	_ =	shalt  }
0x77: {  	_ =	shalt  }
0x78: {  	_ =	shalt  }
0x79: {  	_ =	shalt  }
0x7a: {  	_ =	shalt  }
0x7b: {  	_ =	shalt  }
0x7c: {  	_ =	shalt  }
0x7d: {  	_ =	shalt  }
0x7e: {  	_ =	shalt  }
0x7f: {  	_ =	shalt  }
0x80: {  	_ =	shalt  }
0x81: {  	_ =	shalt  }
0x82: {  	_ =	shalt  }
0x83: {  	_ =	shalt  }
0x84: {  	_ =	shalt  }
0x85: {  	_ =	shalt  }
0x86: {  	_ =	shalt  }
0x87: {  	_ =	shalt  }
.Lfunc_end0:
.L_simem_size_0:
called_computation.2_lowered:
.L_overlay_start_0:
0x88: {  	s2 =	sld [smem:$0x3FD9]  }
0x89: {  	s3 =	sld [smem:$0x3FFE];
	_ =	sdelay $0x1  }
0x8a: {  	s1 =	srdreg.scid  }
0x8b: {  	s0 =	sand.u32 $0x1, s1  }
0x8c: {  	s17 =	sshll.u32 s0, $0xA;
	s2 =	sadd.s32 s3, s2  }
0x8d: {  	s2 =	sadd.s32 s2, s17  }
0x8e: {  	[smem:$0x3FC6] =	sst s2  }
0x8f: {  	_ = 	snop  }
0x90: {  	s2 =	sld [smem:$0x3FD0];
	(tm) =	ssettm $0x1  }
0x91: {  	s18 =	sld [smem:$0x3FFB];
	_ =	sdelay $0x3  }
0x92: {  	_ =	strace s18  }
0x93: {  	s3 =	sld [smem:$0x3FFC];
	_ =	sdelay $0x3  }
0x94: {  	_ =	strace s3  }
0x95: {  	s3 =	sld [smem:$0x3FFD];
	_ =	sdelay $0x3  }
0x96: {  	_ =	strace s3  }
0x97: {  	_ =	strace $0x8FFFFFFF  }
0x98: {  	s19 =	sld [smem:$0x3FDB];
	_ =	sdelay $0x1  }
0x99: {  	s4 =	simm.s32 $_scs_section_size  }
0x9a: {  	s5 =	simm.s32 $_size__tile_overlayer_lowered;
	s6 =	simm.s32 $_tile_overlayer_lowered  }
0x9b: {  	s22 =	simm.s32 $0x1BFF;
	s21 =	sshll.u32 s6, $0x1;
	s3 =	sadd.s32 s4, s19  }
0x9c: {  	s7 =	simm.s32 $0x0;
	s20 =	sshll.u32 s5, $0x1;
	s5 =	sadd.s32 s21, s3  }
0x9d: {  	[timem:s7], [sflag:s22] =	dma.local [hbm:s5], s20  }
0x9e: {  	_ =	swait.ge [sflag:s22], s20  }
0x9f: {  	s4 =	ssub.s32 $0x0, s20;
	[sflag:s22] =	ssyncset.done $0x0  }
0xa0: {  	[sflag:s22] =	ssyncadd.s32 s4;
	_ =	sdelay $0x1  }
0xa1: {  	s23 =	simm.s32 $0x1B8B  }
0xa2: {  	_ =	swait.ge [sflag:s23], $0x1  }
0xa3: {  	[sflag:s23] =	ssyncset.done $0x0  }
0xa4: {  	s25 =	simm.s32 $0x1B8E;
	s24 =	sld [smem:$0x3FFE];
	[sflag:s23] =	ssyncadd.s32 $0xFFFFFFFF  }
0xa5: {  	s26 =	simm.s32 $execute0_lowered;
	[smem:$0x3FD2] =	sst s25  }
0xa6: {  	s5 =	sshll.u32 s26, $0x1;
	_ =	strace $0x8000004C;
	[dreg:$0x1] =	wrdreg $0xFFFFFFFF  }
0xa7: {  	s28 =	simm.s32 $_size_execute0_lowered;
	s3 =	sadd.s32 s3, s5;
	[dreg:$0x0] =	wrdreg $0x0  }
0xa8: {  	s5 =	sshll.u32 s28, $0x1;
	[dreg:$0x2] =	wrdreg s3  }
0xa9: {  	[dreg:$0x3] =	wrdreg s5  }
0xaa: {  	[dreg:$0x4] =	wrdreg $0xC0  }
0xab: {  	_ =	task [dreg:s7], $0x5FFFF  }
0xac: {  	[dreg:$0x1] =	wrdreg $0xFFFFFFFF  }
0xad: {  	[dreg:$0x0] =	wrdreg $0x60  }
0xae: {  	[dreg:$0x2] =	wrdreg s2  }
0xaf: {  	[dreg:$0x3] =	wrdreg s24  }
0xb0: {  	[dreg:$0x4] =	wrdreg $0x9  }
0xb1: {  	_ =	task.clear_ibuf [dreg:s7], $0x5FFFF;
	_ =	strace $0x9000004C  }
0xb2: {  	s29 =	simm.s32 $0x9;
	_ =	strace $0x8000004E  }
0xb3: {  	_ =	swait.ge [sflag:s29], $0x1  }
0xb4: {  	[sflag:s29] =	ssyncadd.s32 $0xFFFFFFFF  }
0xb5: {  	_ =	strace $0x9000004E  }
0xb6: {  	_ =	sfence  }
0xb7: {  	s30 =	sld [smem:$0x0];
	_ =	sdelay $0x2  }
0xb8: {  	s31 =	sshll.u32 s1, $0xD;
	s1 =	sshrl.u32 s1, $0x2  }
0xb9: {  	s3 =	sand.u32 $0x4000, s31;
	s1 =	sadd.s32 s1, s30  }
0xba: {  	s0 =	sor.u32 s3, s0;
	s1 =	sshll.u32 s1, $0x11  }
0xbb: {  	s0 =	sor.u32 s1, s0  }
0xbc: {  	s0 =	sadd.s32 $0x8F2B, s0  }
0xbd: {  	[sflag:s0] =	ssyncadd.remote.s32 $0x1  }
0xbe: {  	_ =	sfence.sel $0xFFFF  }
0xbf: {  	[dreg:$0x0] =	wrdreg $0xFFFFFFFF;
	(pc) =	sbr.abs _section_cstart, $3  }
0xc0: {  	[dreg:$0x1] =	wrdreg $0xFFFFFFFF  }
0xc1: {  	_ =	task.clear_ibuf [dreg:s7], $0x2FFFF;
	_ =	strace $0x9FFFFFFF  }
0xc2: {  	(tm) =	ssettm $0x7FFFFFFF  }
0xc3: {  	_ =	shalt  }
tec
execute0_lowered:
.L_overlay_start_1:
0x0: {  	(tag) =	ssettag $0x1  }
0x1: {  	s1 =	rddreg [dreg:$0x0]  }
0x2: {  	s5 =	rddreg [dreg:$0x1]  }
0x3: {  	s0 =	rddreg [dreg:$0x2];
	s3 =	simm.s32 $0x0  }
0x4: {  	s4 =	srdreg.scid;
	s2 =	stileid.u32;
	s10 =	simm.s32 $0x4  }
0x5: {  	s11 =	simm.s32 $0x1;
	s12 =	simm.s32 $0x2080;
	s13 =	simm.s32 $0x4100  }
0x6: {  	s14 =	simm.s32 $0xA100;
	s15 =	simm.s32 $0x2;
	s16 =	simm.s32 $0x3  }
0x7: {  	s17 =	simm.s32 $0x0;
	[smem:$0x7FF] =	sst s3;
	s4 =	sand.u32 $0x1, s4  }
.Ltmp0:
0x8: {  	s6 =	sshll.u32 s2, $0x1;
	_ =	strace $0x8000004D;
	(pc) =	sbr.rel .LBB2_1-.Ltmp0, $4  }
0x9: {  	s7 =	sor.u32 s4, s6;
	s31 =	ssub.s32 $0x2, s4;
	s4 =	sadd.s32 $0x360E00, s5  }
0xa: {  	s8 =	sshll.u32 s7, $0x4;
	s9 =	sshrl.u32 s31, $0x1;
	s7 =	smul.u32 $0xC, s7  }
0xb: {  	s8 =	sadd.s32 s8, s5;
	s5 =	sadd.s32 $0x510E00, s5;
	s9 =	ssub.s32 s31, s9  }
0xc: {  	v0 =	vimm.s32 $0x7FFFFFFF;
	v1 =	vlaneseq.u32;
	v2 =	vimm.f32 $0.0e+00;
	s6 =	sadd.s32 $0x800, s8;
	s8 =	smax.u32 s9, $0x1;
	s9 =	simm.s32 $0x10100  }
.LBB2_57:
0xd: {  	s17 =	sadd.s32 $0x1, s17  }
0xe: {  	_ =	swait.ge [sflag:s15], $0x6000;
	p0 =	sne.s32 s17, s8  }
.Ltmp1:
0xf: {  	[sflag:s15] =	ssyncset.done $0x0;
	(pc) =	sbr.rel @!p0 .LBB2_58-.Ltmp1, $4  }
0x10: {  	[sflag:s15] =	ssyncadd.s32 $0xFFFFA000  }
0x11: {  	_ =	swait.ge [sflag:s16], $0x6000  }
0x12: {  	[sflag:s16] =	ssyncset.done $0x0  }
0x13: {  	[sflag:s16] =	ssyncadd.s32 $0xFFFFA000  }
.LBB2_1:
0x14: {  	[tilespmem:s9], [sflag:$0x4] =	stream.linear.gather [hbm4b:s6+s3], $0x80, $0x38;
	[tilespmem:$0x10180] =	vst v63  }
.Ltmp2:
0x15: {  	_ = 	snop;
	(pc) =	sbr.rel .LBB2_2-.Ltmp2, $4  }
0x16: {  	_ =	swait.ge [sflag:s10], $0x80  }
0x17: {  	[sflag:s10] =	ssyncset.done $0x0  }
0x18: {  	[sflag:s10] =	ssyncadd.s32 $0xFFFFFF80  }
0x19: {  	s18 =	simm.s32 $0x0;
	[tilespmem:$0x2000] =	vst v0  }
.LBB2_51:
0x1a: {  	s24 =	simm.s32 $0x0;
	s23 =	smov.u32 s19  }
.LBB2_55:
0x1b: {  	v4 =	vsub.s32 v5, v4  }
0x1c: {  	v6 =	vmul.u32 $0x551F, v4;
	_ =	sdelay $0x1  }
0x1d: {  	v6 =	vshrl.u32 v6, $0x17  }
0x1e: {  	v7 =	vmul.u32 $0xFFFFFE7F, v6  }
0x1f: {  	v8 =	vld [tilespmem:s20+$0x0];
	s20 =	sadd.s32 @p0 $0x10, s24  }
0x20: {  	s22 =	smov.u32 @p0 s20;
	v4 =	vadd.s32 v4, v7  }
0x21: {  	v61 =	vor.u32 s22, v1;
	v9 =	vshra.s32 v4, $0x1F  }
0x22: {  	vm0 =	vlt.s32 v61, v3;
	v3 =	vadd.s32 v6, v9  }
0x23: {  	vm2 =	vlt.s32 v4, $0x0;
	v62 =	vadd.s32 $0x181, v4;
	vm1 =	vlt.s32 v3, $0x40  }
0x24: {  	vm3 =	vne.s32 v5, v8;
	v4 =	vsel vm2, v62, v4;
	vm0 =	vmand vm0, vm1  }
0x25: {  	s20 =	sadd.s32 @p0 $0x10, s23;
	vm15 =	vlt.s32 v4, $0x180;
	v3 =	vmul.u32 $0x180, v3;
	vm0 =	vmand vm0, vm3  }
0x26: {  	s19 =	smov.u32 @p0 s20;
	vm0 =	vmand vm15, vm0  }
0x27: {  	v63 =	vld [tilespmem:s19+$0x0];
	v3 =	vadd.s32 v4, v3;
	_ =	sdelay $0x4  }
0x28: {  	[tilespmem:v3+s14+$0x0] =	vst.idx.msk vm0, v63  }
.LBB2_56:
0x29: {  	s18 =	sadd.s32 $0x1, s18  }
0x2a: {  	p0 =	sne.s32 s18, $0xC  }
.Ltmp3:
0x2b: {  	_ = 	snop;
	(pc) =	sbr.rel @!p0 .LBB2_57-.Ltmp3, $3  }
0x2c: {  	_ =	sdelay $0x1  }
0x2d: {  	s19 =	sadd.s32 $0x3C00, s21  }
0x2e: {  	[hbm4b:s19+s3] =	stream.linear.scatter [tilespmem:s14], [sflag:$0x3], $0x6000, $0x38;
	[tilespmem:$0x10180] =	vst v63  }
.LBB2_2:
0x2f: {  	s20 =	smul.u32 $0x6, s18;
	_ =	sdelay $0x1  }
0x30: {  	s22 =	sand.u32 $0x70, s20  }
0x31: {  	v3 =	vld [tilespmem:s22+$0x10100];
	_ =	sdelay $0x2  }
0x32: {  	s19 =	sand.u32 $0xE, s20  }
0x33: {  	v4 =	vmov s19;
	s19 =	sor.u32 $0x1, s19  }
0x34: {  	vm0 =	veq.s32 v4, v1;
	v63 =	vmov s19;
	v3 =	vxor.u32 $0x80000000, v3  }
0x35: {  	v5 =	vnsel vm0, $0x0, v3;
	vm0 =	veq.s32 v63, v1  }
0x36: {  	(xrf0) =	vmax.scan.msk.u32 $0xffff, v5;
	v3 =	vnsel vm0, $0x0, v3  }
0x37: {  	(xrf0) =	vmax.scan.msk.u32 $0xffff, v3;
	_ =	sdelay $0x4  }
0x38: {  	v3, _, _ =	vpop (xrf0)  }
0x39: {  	(v2sf) =	vpush v3, $0xF;
	v3, _, _ =	vpop (xrf0)  }
0x3a: {  	(v2sf) =	vpush v3, $0xF;
	_ =	sdelay $0xd  }
0x3b: {  	s23 =	spop (v2sf)  }
0x3c: {  	s26 =	spop (v2sf)  }
0x3d: {  	s21 =	sxor.u32 $0x80000000, s23;
	s19 =	sxor.u32 $0x80000000, s26  }
0x3e: {  	s25 =	ssub.s32 s19, s21  }
0x3f: {  	p1 =	slt.s32 s25, $0x1FF8  }
0x40: {  	s24 =	sand.u32 $0xFFFFFFF8, s21;
	p0 =	slt.s32 s25, $0xFFFFFFF2;
	s25 =	simm.s32 @!p1 $0x1FF8  }
0x41: {  	s26 =	sadd.s32 s7, s18;
	p1 =	slt.s32 s24, $0xD7E000;
	s21 =	sadd.s32 $0xF, s25  }
0x42: {  	s19 =	smul.u32 $0x24301, s26;
	s24 =	simm.s32 @!p1 $0xD7E000;
	s30 =	sand.u32 $0xF, s21  }
0x43: {  	s28 =	sshrl.u32 s24, $0x3;
	s29 =	sshra.s32 s21, $0x1F;
	p6 =	sne.s32 s30, $0x0  }
0x44: {  	s31 =	sadd.s32 s1, s28;
	s29 =	sshrl.u32 s29, $0x1C;
	s28 =	sadd.s32 s4, s28  }
0x45: {  	[tilespmem:s3], [sflag:$0x1] =	stream.linear.gather [hbm4b:s31+s3], $0x2000, $0x38;
	[tilespmem:$0x10180] =	vst v63  }
0x46: {  	s21 =	sadd.s32 s29, s21;
	p1 =	por !p0, !p6;
	p0 =	seq.s32 s18, $0x0  }
0x47: {  	[tilespmem:s12], [sflag:$0x1] =	stream.linear.gather [hbm4b:s28+s3], $0x2000, $0x38;
	[tilespmem:$0x10180] =	vst v63  }
0x48: {  	p1 =	por !p1, !p1;
	s29 =	simm.s32 @!p0 $0x2;
	s28 =	simm.s32 $0x1  }
0x49: {  	s30 =	sshra.s32 s21, $0x4;
	s28 =	simm.s32 @!p1 $0x0;
	_ =	swait.ge @!p0 [sflag:s29], $0x6000  }
0x4a: {  	s21 =	smul.u32 $0x24000, s26;
	s26 =	ssub.s32 s30, s28;
	[sflag:s29] =	ssyncset.done @!p0 $0x0  }
0x4b: {  	s28 =	simm.s32 $0x40;
	[sflag:s29] =	ssyncadd.s32 @!p0 $0xFFFFA000;
	s29 =	simm.s32 $0x0  }
.LBB2_3:
0x4c: {  	p1 =	sne.s32 s28, $0x17FC0;
	[tilespmem:s29+$0x4100] =	vst v2;
	s29 =	smov.u32 s28;
	s28 =	sadd.s32 $0x40, s28  }
.Ltmp4:
0x4d: {  	(pc) =	sbr.rel @p1 .LBB2_3-.Ltmp4, $2  }
0x4e: {  	_ =	sdelay $0x2  }
0x4f: {  	s29 =	sshra.s32 s29, $0x2  }
0x50: {  	[tilespmem:s29+$0x4100] =	vst v2  }
0x51: {  	p1 =	slt.s32 s26, $0x1;
	_ =	swait.ge [sflag:s11], $0x2000  }
.Ltmp5:
0x52: {  	[sflag:s11] =	ssyncset.done $0x0;
	(pc) =	sbr.rel @p1 .LBB2_11-.Ltmp5, $4  }
0x53: {  	[sflag:s11] =	ssyncadd.s32 $0xFFFFE000  }
0x54: {  	_ =	swait.ge [sflag:s11], $0x2000  }
0x55: {  	[sflag:s11] =	ssyncset.done $0x0  }
0x56: {  	[sflag:s11] =	ssyncadd.s32 $0xFFFFE000  }
0x57: {  	p2 =	sne.s32 s26, $0x1  }
.Ltmp6:
0x58: {  	s23 =	sshll.u32 s23, $0x2;
	s24 =	sshll.u32 s24, $0x2;
	(pc) =	sbr.rel @!p2 .LBB2_6-.Ltmp6, $4  }
0x59: {  	s23 =	ssub.s32 s23, s24  }
0x5a: {  	s23 =	sshra.s32 s23, $0x2  }
0x5b: {  	v3 =	vmov s25;
	s25 =	simm.s32 $0x0;
	s24 =	sadd.s32 $0x1, s23  }
0x5c: {  	v4 =	vmov s19;
	s26 =	sadd.s32 $0xFFFFFFFF, s26;
	p1 =	por $0x0, $0x0;
	s23 =	sadd.s32 $0x2080, s23;
	v5 =	vld [tilespmem:s24+$0xFFFFFFFF]  }
0x5d: {  	_ =	sdelay $0x3  }
0x5e: {  	v6 =	vsub.s32 v5, v4  }
0x5f: {  	v7 =	vmul.u32 $0x551F, v6;
	_ =	sdelay $0x1  }
0x60: {  	v7 =	vshrl.u32 v7, $0x17  }
0x61: {  	v8 =	vmul.u32 $0xFFFFFE7F, v7  }
0x62: {  	v9 =	vld [tilespmem:s24+$0x0]  }
0x63: {  	v6 =	vadd.s32 v6, v8  }
0x64: {  	v62 =	vor.u32 s25, v1;
	v10 =	vshra.s32 v6, $0x1F  }
0x65: {  	vm1 =	vlt.s32 v62, v3;
	v7 =	vadd.s32 v7, v10  }
0x66: {  	vm3 =	vlt.s32 v6, $0x0;
	v63 =	vadd.s32 $0x181, v6;
	vm2 =	vlt.s32 v7, $0x40  }
0x67: {  	vm4 =	vne.s32 v5, v9;
	v5 =	vsel vm3, v63, v6;
	vm1 =	vmand vm1, vm2  }
0x68: {  	v6 =	vmul.u32 $0x180, v7;
	vm2 =	vlt.s32 v5, $0x180;
	vm1 =	vmand vm1, vm4  }
0x69: {  	vm1 =	vmand vm2, vm1  }
0x6a: {  	v7 =	vld [tilespmem:s23+$0x0];
	v5 =	vadd.s32 v5, v6  }
0x6b: {  	p2 =	sne.s32 s26, $0x1  }
.Ltmp7:
0x6c: {  	_ = 	snop;
	(pc) =	sbr.rel @!p2 .LBB2_8-.Ltmp7, $3  }
0x6d: {  	_ =	sdelay $0x1  }
0x6e: {  	s24 =	sadd.s32 $0x10, s24;
	s29 =	sadd.s32 $0xFFFFFFFF, s26;
	[tilespmem:v5+s13+$0x0] =	vst.idx.msk vm1, v7  }
0x6f: {  	p1 =	por $0x1, $0x1;
	s28 =	simm.s32 $0x0;
	s26 =	smov.u32 s23;
	v5 =	vld [tilespmem:s24+$0xFFFFFFFF]  }
.LBB2_9:
0x70: {  	p2 =	sne.s32 s29, $0x1;
	_ =	sdelay $0x3  }
0x71: {  	v6 =	vsub.s32 v5, v4  }
0x72: {  	v7 =	vmul.u32 $0x551F, v6;
	_ =	sdelay $0x1  }
0x73: {  	v7 =	vshrl.u32 v7, $0x17  }
0x74: {  	v8 =	vmul.u32 $0xFFFFFE7F, v7  }
0x75: {  	v9 =	vld [tilespmem:s24+$0x0]  }
0x76: {  	s28 =	sadd.s32 $0x10, s28;
	v6 =	vadd.s32 v6, v8  }
0x77: {  	v8 =	vor.u32 s28, v1;
	v10 =	vshra.s32 v6, $0x1F  }
0x78: {  	vm1 =	vlt.s32 v8, v3;
	v7 =	vadd.s32 v7, v10  }
0x79: {  	vm3 =	vlt.s32 v6, $0x0;
	v8 =	vadd.s32 $0x181, v6;
	vm2 =	vlt.s32 v7, $0x40  }
0x7a: {  	vm4 =	vne.s32 v5, v9;
	vm1 =	vmand vm1, vm2;
	v5 =	vsel vm3, v8, v6  }
0x7b: {  	v6 =	vmul.u32 $0x180, v7;
	vm1 =	vmand vm1, vm4;
	vm2 =	vlt.s32 v5, $0x180  }
0x7c: {  	s26 =	sadd.s32 $0x10, s26;
	vm1 =	vmand vm2, vm1  }
0x7d: {  	v5 =	vadd.s32 v5, v6;
	v7 =	vld [tilespmem:s26+$0x0];
	_ =	sdelay $0x1  }
.Ltmp8:
0x7e: {  	(pc) =	sbr.rel @p2 .LBB2_9-.Ltmp8, $3  }
0x7f: {  	_ =	sdelay $0x1  }
0x80: {  	s24 =	sadd.s32 $0x10, s24;
	[tilespmem:v5+s13+$0x0] =	vst.idx.msk vm1, v7  }
0x81: {  	s29 =	sadd.s32 $0xFFFFFFFF, s29;
	v5 =	vld [tilespmem:s24+$0xFFFFFFFF]  }
.LBB2_10:
0x82: {  	_ =	sdelay $0x3  }
0x83: {  	v4 =	vsub.s32 v5, v4  }
0x84: {  	v6 =	vmul.u32 $0x551F, v4;
	_ =	sdelay $0x1  }
0x85: {  	v6 =	vshrl.u32 v6, $0x17  }
0x86: {  	v7 =	vmul.u32 $0xFFFFFE7F, v6  }
0x87: {  	v8 =	vld [tilespmem:s24+$0x0];
	s24 =	sadd.s32 @p1 $0x10, s28  }
0x88: {  	s25 =	smov.u32 @p1 s24;
	v4 =	vadd.s32 v4, v7  }
0x89: {  	v61 =	vor.u32 s25, v1;
	v9 =	vshra.s32 v4, $0x1F  }
0x8a: {  	vm1 =	vlt.s32 v61, v3;
	v3 =	vadd.s32 v6, v9  }
0x8b: {  	vm3 =	vlt.s32 v4, $0x0;
	v62 =	vadd.s32 $0x181, v4;
	vm2 =	vlt.s32 v3, $0x40  }
0x8c: {  	vm4 =	vne.s32 v5, v8;
	v4 =	vsel vm3, v62, v4;
	vm1 =	vmand vm1, vm2  }
0x8d: {  	s24 =	sadd.s32 @p1 $0x10, s26;
	v3 =	vmul.u32 $0x180, v3;
	vm2 =	vlt.s32 v4, $0x180;
	vm1 =	vmand vm1, vm4  }
0x8e: {  	s23 =	smov.u32 @p1 s24;
	vm1 =	vmand vm2, vm1  }
0x8f: {  	v63 =	vld [tilespmem:s23+$0x0];
	v3 =	vadd.s32 v4, v3;
	_ =	sdelay $0x4  }
0x90: {  	[tilespmem:v3+s13+$0x0] =	vst.idx.msk vm1, v63  }
.LBB2_11:
0x91: {  	s21 =	sshrl.u32 s21, $0x3  }
0x92: {  	s23 =	sadd.s32 $0x2, s20;
	s21 =	sadd.s32 s5, s21  }
0x93: {  	[hbm4b:s21+s3] =	stream.linear.scatter [tilespmem:s13], [sflag:$0x2], $0x6000, $0x38;
	[tilespmem:$0x10180] =	vst v63  }
0x94: {  	v3 =	vld [tilespmem:s22+$0x10100];
	s22 =	sand.u32 $0xF0, s23  }
0x95: {  	v4 =	vld [tilespmem:s22+$0x10100];
	_ =	sdelay $0x2  }
0x96: {  	s23 =	sand.u32 $0xE, s23  }
0x97: {  	v5 =	vmov s23;
	v3 =	vxor.u32 $0x80000000, v3  }
0x98: {  	v3 =	vnsel vm0, $0x0, v3;
	vm0 =	veq.s32 v5, v1;
	v4 =	vxor.u32 $0x80000000, v4  }
0x99: {  	(xrf0) =	vmax.scan.msk.u32 $0xffff, v3;
	v3 =	vnsel vm0, $0x0, v4  }
0x9a: {  	(xrf0) =	vmax.scan.msk.u32 $0xffff, v3;
	_ =	sdelay $0x4  }
0x9b: {  	v3, _, _ =	vpop (xrf0)  }
0x9c: {  	(v2sf) =	vpush v3, $0xF;
	v3, _, _ =	vpop (xrf0)  }
0x9d: {  	(v2sf) =	vpush v3, $0xF;
	_ =	sdelay $0xd  }
0x9e: {  	s23 =	spop (v2sf)  }
0x9f: {  	s25 =	sxor.u32 $0x80000000, s23;
	s24 =	spop (v2sf)  }
0xa0: {  	s26 =	sxor.u32 $0x80000000, s24;
	s24 =	sand.u32 $0xFFFFFFF8, s25  }
0xa1: {  	p1 =	slt.s32 s24, $0xD7E000;
	s25 =	ssub.s32 s26, s25  }
0xa2: {  	s24 =	simm.s32 @!p1 $0xD7E000;
	p1 =	slt.s32 s25, $0x1FF8  }
0xa3: {  	p2 =	slt.s32 s25, $0xFFFFFFF2;
	s25 =	simm.s32 @!p1 $0x1FF8;
	s31 =	sshrl.u32 s24, $0x3  }
0xa4: {  	s28 =	sadd.s32 $0xF, s25;
	s29 =	sadd.s32 s1, s31  }
0xa5: {  	[tilespmem:s3], [sflag:$0x1] =	stream.linear.gather [hbm4b:s29+s3], $0x2000, $0x38;
	[tilespmem:$0x10180] =	vst v63  }
0xa6: {  	s29 =	sshra.s32 s28, $0x1F;
	s30 =	sand.u32 $0xF, s28  }
0xa7: {  	p6 =	sne.s32 s30, $0x0;
	s29 =	sshrl.u32 s29, $0x1C  }
0xa8: {  	s26 =	sadd.s32 s4, s31;
	s28 =	sadd.s32 s29, s28;
	p1 =	por !p2, !p6  }
0xa9: {  	[tilespmem:s12], [sflag:$0x1] =	stream.linear.gather [hbm4b:s26+s3], $0x2000, $0x38;
	[tilespmem:$0x10180] =	vst v63  }
0xaa: {  	s26 =	simm.s32 $0x1;
	s29 =	simm.s32 @!p0 $0x3;
	p1 =	por !p1, !p1  }
0xab: {  	s28 =	sshra.s32 s28, $0x4;
	_ =	swait.ge @!p0 [sflag:s29], $0x6000;
	s26 =	simm.s32 @!p1 $0x0  }
0xac: {  	[sflag:s29] =	ssyncset.done @!p0 $0x0;
	s26 =	ssub.s32 s28, s26  }
0xad: {  	[sflag:s29] =	ssyncadd.s32 @!p0 $0xFFFFA000;
	s28 =	simm.s32 $0x40;
	s29 =	simm.s32 $0x0  }
.LBB2_12:
0xae: {  	p0 =	sne.s32 s28, $0x17FC0;
	[tilespmem:s29+$0xA100] =	vst v2;
	s29 =	smov.u32 s28;
	s28 =	sadd.s32 $0x40, s28  }
.Ltmp9:
0xaf: {  	(pc) =	sbr.rel @p0 .LBB2_12-.Ltmp9, $2  }
0xb0: {  	_ =	sdelay $0x2  }
0xb1: {  	s29 =	sshra.s32 s29, $0x2  }
0xb2: {  	[tilespmem:s29+$0xA100] =	vst v2  }
0xb3: {  	p0 =	slt.s32 s26, $0x1;
	_ =	swait.ge [sflag:s11], $0x2000  }
.Ltmp10:
0xb4: {  	[sflag:s11] =	ssyncset.done $0x0;
	(pc) =	sbr.rel @p0 .LBB2_20-.Ltmp10, $4  }
0xb5: {  	[sflag:s11] =	ssyncadd.s32 $0xFFFFE000  }
0xb6: {  	_ =	swait.ge [sflag:s11], $0x2000  }
0xb7: {  	[sflag:s11] =	ssyncset.done $0x0  }
0xb8: {  	[sflag:s11] =	ssyncadd.s32 $0xFFFFE000  }
0xb9: {  	p1 =	sne.s32 s26, $0x1  }
.Ltmp11:
0xba: {  	s23 =	sshll.u32 s23, $0x2;
	s24 =	sshll.u32 s24, $0x2;
	(pc) =	sbr.rel @!p1 .LBB2_15-.Ltmp11, $4  }
0xbb: {  	s23 =	ssub.s32 s23, s24  }
0xbc: {  	s23 =	sshra.s32 s23, $0x2  }
0xbd: {  	s28 =	sadd.s32 $0x6040, s19;
	v3 =	vmov s25;
	s25 =	simm.s32 $0x0;
	s24 =	sadd.s32 $0x1, s23  }
0xbe: {  	s26 =	sadd.s32 $0xFFFFFFFF, s26;
	p0 =	por $0x0, $0x0;
	v4 =	vmov s28;
	s23 =	sadd.s32 $0x2080, s23;
	v5 =	vld [tilespmem:s24+$0xFFFFFFFF]  }
0xbf: {  	_ =	sdelay $0x3  }
0xc0: {  	v6 =	vsub.s32 v5, v4  }
0xc1: {  	v7 =	vmul.u32 $0x551F, v6;
	_ =	sdelay $0x1  }
0xc2: {  	v7 =	vshrl.u32 v7, $0x17  }
0xc3: {  	v8 =	vmul.u32 $0xFFFFFE7F, v7  }
0xc4: {  	v9 =	vld [tilespmem:s24+$0x0]  }
0xc5: {  	v6 =	vadd.s32 v6, v8  }
0xc6: {  	v62 =	vor.u32 s25, v1;
	v10 =	vshra.s32 v6, $0x1F  }
0xc7: {  	vm1 =	vlt.s32 v62, v3;
	v7 =	vadd.s32 v7, v10  }
0xc8: {  	vm3 =	vlt.s32 v6, $0x0;
	v63 =	vadd.s32 $0x181, v6;
	vm2 =	vlt.s32 v7, $0x40  }
0xc9: {  	vm4 =	vne.s32 v5, v9;
	v5 =	vsel vm3, v63, v6;
	vm1 =	vmand vm1, vm2  }
0xca: {  	v6 =	vmul.u32 $0x180, v7;
	vm2 =	vlt.s32 v5, $0x180;
	vm1 =	vmand vm1, vm4  }
0xcb: {  	vm1 =	vmand vm2, vm1  }
0xcc: {  	v7 =	vld [tilespmem:s23+$0x0];
	v5 =	vadd.s32 v5, v6  }
0xcd: {  	p1 =	sne.s32 s26, $0x1  }
.Ltmp12:
0xce: {  	_ = 	snop;
	(pc) =	sbr.rel @!p1 .LBB2_17-.Ltmp12, $3  }
0xcf: {  	_ =	sdelay $0x1  }
0xd0: {  	s24 =	sadd.s32 $0x10, s24;
	s29 =	sadd.s32 $0xFFFFFFFF, s26;
	[tilespmem:v5+s14+$0x0] =	vst.idx.msk vm1, v7  }
0xd1: {  	p0 =	por $0x1, $0x1;
	s28 =	simm.s32 $0x0;
	s26 =	smov.u32 s23;
	v5 =	vld [tilespmem:s24+$0xFFFFFFFF]  }
.LBB2_18:
0xd2: {  	p1 =	sne.s32 s29, $0x1;
	_ =	sdelay $0x3  }
0xd3: {  	v6 =	vsub.s32 v5, v4  }
0xd4: {  	v7 =	vmul.u32 $0x551F, v6;
	_ =	sdelay $0x1  }
0xd5: {  	v7 =	vshrl.u32 v7, $0x17  }
0xd6: {  	v8 =	vmul.u32 $0xFFFFFE7F, v7  }
0xd7: {  	v9 =	vld [tilespmem:s24+$0x0]  }
0xd8: {  	s28 =	sadd.s32 $0x10, s28;
	v6 =	vadd.s32 v6, v8  }
0xd9: {  	v8 =	vor.u32 s28, v1;
	v10 =	vshra.s32 v6, $0x1F  }
0xda: {  	vm1 =	vlt.s32 v8, v3;
	v7 =	vadd.s32 v7, v10  }
0xdb: {  	vm3 =	vlt.s32 v6, $0x0;
	v8 =	vadd.s32 $0x181, v6;
	vm2 =	vlt.s32 v7, $0x40  }
0xdc: {  	vm4 =	vne.s32 v5, v9;
	vm1 =	vmand vm1, vm2;
	v5 =	vsel vm3, v8, v6  }
0xdd: {  	v6 =	vmul.u32 $0x180, v7;
	vm1 =	vmand vm1, vm4;
	vm2 =	vlt.s32 v5, $0x180  }
0xde: {  	s26 =	sadd.s32 $0x10, s26;
	vm1 =	vmand vm2, vm1  }
0xdf: {  	v5 =	vadd.s32 v5, v6;
	v7 =	vld [tilespmem:s26+$0x0];
	_ =	sdelay $0x1  }
.Ltmp13:
0xe0: {  	(pc) =	sbr.rel @p1 .LBB2_18-.Ltmp13, $3  }
0xe1: {  	_ =	sdelay $0x1  }
0xe2: {  	s24 =	sadd.s32 $0x10, s24;
	[tilespmem:v5+s14+$0x0] =	vst.idx.msk vm1, v7  }
0xe3: {  	s29 =	sadd.s32 $0xFFFFFFFF, s29;
	v5 =	vld [tilespmem:s24+$0xFFFFFFFF]  }
.LBB2_19:
0xe4: {  	_ =	sdelay $0x3  }
0xe5: {  	v4 =	vsub.s32 v5, v4  }
0xe6: {  	v6 =	vmul.u32 $0x551F, v4;
	_ =	sdelay $0x1  }
0xe7: {  	v6 =	vshrl.u32 v6, $0x17  }
0xe8: {  	v7 =	vmul.u32 $0xFFFFFE7F, v6  }
0xe9: {  	v8 =	vld [tilespmem:s24+$0x0];
	s24 =	sadd.s32 @p0 $0x10, s28  }
0xea: {  	s25 =	smov.u32 @p0 s24;
	v4 =	vadd.s32 v4, v7  }
0xeb: {  	v61 =	vor.u32 s25, v1;
	v9 =	vshra.s32 v4, $0x1F  }
0xec: {  	vm1 =	vlt.s32 v61, v3;
	v3 =	vadd.s32 v6, v9  }
0xed: {  	vm3 =	vlt.s32 v4, $0x0;
	v62 =	vadd.s32 $0x181, v4;
	vm2 =	vlt.s32 v3, $0x40  }
0xee: {  	vm4 =	vne.s32 v5, v8;
	v4 =	vsel vm3, v62, v4;
	vm1 =	vmand vm1, vm2  }
0xef: {  	s24 =	sadd.s32 @p0 $0x10, s26;
	v3 =	vmul.u32 $0x180, v3;
	vm2 =	vlt.s32 v4, $0x180;
	vm1 =	vmand vm1, vm4  }
0xf0: {  	s23 =	smov.u32 @p0 s24;
	vm1 =	vmand vm2, vm1  }
0xf1: {  	v63 =	vld [tilespmem:s23+$0x0];
	v3 =	vadd.s32 v4, v3;
	_ =	sdelay $0x4  }
0xf2: {  	[tilespmem:v3+s14+$0x0] =	vst.idx.msk vm1, v63  }
.LBB2_20:
0xf3: {  	s23 =	sadd.s32 $0xC00, s21;
	s28 =	simm.s32 $0x0  }
0xf4: {  	[hbm4b:s23+s28] =	stream.linear.scatter [tilespmem:s14], [sflag:$0x3], $0x6000, $0x38;
	[tilespmem:$0x10180] =	vst v63  }
0xf5: {  	v3 =	vld [tilespmem:s22+$0x10100];
	_ =	sdelay $0x4  }
0xf6: {  	v3 =	vxor.u32 $0x80000000, v3  }
0xf7: {  	v3 =	vnsel vm0, $0x0, v3  }
0xf8: {  	(xrf0) =	vmax.scan.msk.u32 $0xffff, v3;
	_ =	sdelay $0x5  }
0xf9: {  	v3, _, _ =	vpop (xrf0)  }
0xfa: {  	(v2sf) =	vpush v3, $0xF;
	_ =	sdelay $0xe  }
0xfb: {  	s23 =	spop (v2sf)  }
0xfc: {  	s25 =	sxor.u32 $0x80000000, s23  }
0xfd: {  	s24 =	sand.u32 $0xFFFFFFF8, s25  }
0xfe: {  	p0 =	slt.s32 s24, $0xD7E000  }
0xff: {  	s24 =	simm.s32 @!p0 $0xD7E000  }
0x100: {  	s26 =	sadd.s32 $0x3, s20;
	s29 =	sshrl.u32 s24, $0x3  }
0x101: {  	s22 =	sand.u32 $0xF0, s26;
	s30 =	sadd.s32 s1, s29  }
0x102: {  	v3 =	vld [tilespmem:s22+$0x10100];
	[tilespmem:s28], [sflag:$0x1] =	stream.linear.gather [hbm4b:s30+s28], $0x2000, $0x38  }
0x103: {  	s29 =	sadd.s32 s4, s29  }
0x104: {  	[tilespmem:s12], [sflag:$0x1] =	stream.linear.gather [hbm4b:s29+s28], $0x2000, $0x38;
	[tilespmem:$0x10180] =	vst v63  }
0x105: {  	_ =	swait.ge [sflag:s15], $0x6000  }
0x106: {  	[sflag:s15] =	ssyncset.done $0x0  }
0x107: {  	s29 =	simm.s32 $0x40;
	s28 =	simm.s32 $0x0;
	[sflag:s15] =	ssyncadd.s32 $0xFFFFA000  }
.LBB2_21:
0x108: {  	p0 =	sne.s32 s29, $0x17FC0;
	[tilespmem:s28+$0x4100] =	vst v2;
	s28 =	smov.u32 s29;
	s29 =	sadd.s32 $0x40, s29  }
.Ltmp14:
0x109: {  	(pc) =	sbr.rel @p0 .LBB2_21-.Ltmp14, $2  }
0x10a: {  	_ =	sdelay $0x2  }
0x10b: {  	s28 =	sshra.s32 s28, $0x2  }
0x10c: {  	s26 =	sand.u32 $0xF, s26  }
0x10d: {  	v4 =	vmov s26  }
0x10e: {  	v3 =	vxor.u32 $0x80000000, v3;
	vm0 =	veq.s32 v4, v1  }
0x10f: {  	v3 =	vnsel vm0, $0x0, v3  }
0x110: {  	(xrf0) =	vmax.scan.msk.u32 $0xffff, v3;
	_ =	sdelay $0x5  }
0x111: {  	v3, _, _ =	vpop (xrf0)  }
0x112: {  	(v2sf) =	vpush v3, $0xF;
	_ =	sdelay $0xe  }
0x113: {  	s30 =	spop (v2sf)  }
0x114: {  	s26 =	sxor.u32 $0x80000000, s30  }
0x115: {  	s25 =	ssub.s32 s26, s25  }
0x116: {  	p0 =	slt.s32 s25, $0x1FF8  }
0x117: {  	p1 =	slt.s32 s25, $0xFFFFFFF2;
	s25 =	simm.s32 @!p0 $0x1FF8  }
0x118: {  	s26 =	sadd.s32 $0xF, s25  }
0x119: {  	s30 =	sand.u32 $0xF, s26  }
0x11a: {  	s29 =	sshra.s32 s26, $0x1F;
	p6 =	sne.s32 s30, $0x0  }
0x11b: {  	s31 =	sshrl.u32 s29, $0x1C;
	p0 =	por !p1, !p6  }
0x11c: {  	[tilespmem:s28+$0x4100] =	vst v2;
	s28 =	simm.s32 $0x1;
	s26 =	sadd.s32 s31, s26;
	p0 =	por !p0, !p0  }
0x11d: {  	s26 =	sshra.s32 s26, $0x4;
	s28 =	simm.s32 @!p0 $0x0  }
0x11e: {  	s26 =	ssub.s32 s26, s28  }
0x11f: {  	_ =	swait.ge [sflag:s11], $0x2000;
	p0 =	slt.s32 s26, $0x1  }
.Ltmp15:
0x120: {  	[sflag:s11] =	ssyncset.done $0x0;
	(pc) =	sbr.rel @p0 .LBB2_29-.Ltmp15, $4  }
0x121: {  	[sflag:s11] =	ssyncadd.s32 $0xFFFFE000  }
0x122: {  	_ =	swait.ge [sflag:s11], $0x2000  }
0x123: {  	[sflag:s11] =	ssyncset.done $0x0  }
0x124: {  	[sflag:s11] =	ssyncadd.s32 $0xFFFFE000  }
0x125: {  	p1 =	sne.s32 s26, $0x1  }
.Ltmp16:
0x126: {  	s23 =	sshll.u32 s23, $0x2;
	s24 =	sshll.u32 s24, $0x2;
	(pc) =	sbr.rel @!p1 .LBB2_24-.Ltmp16, $4  }
0x127: {  	s23 =	ssub.s32 s23, s24  }
0x128: {  	s23 =	sshra.s32 s23, $0x2  }
0x129: {  	s28 =	sadd.s32 $0xC080, s19;
	v3 =	vmov s25;
	s25 =	simm.s32 $0x0;
	s24 =	sadd.s32 $0x1, s23  }
0x12a: {  	s26 =	sadd.s32 $0xFFFFFFFF, s26;
	p0 =	por $0x0, $0x0;
	v4 =	vmov s28;
	s23 =	sadd.s32 $0x2080, s23;
	v5 =	vld [tilespmem:s24+$0xFFFFFFFF]  }
0x12b: {  	_ =	sdelay $0x3  }
0x12c: {  	v6 =	vsub.s32 v5, v4  }
0x12d: {  	v7 =	vmul.u32 $0x551F, v6;
	_ =	sdelay $0x1  }
0x12e: {  	v7 =	vshrl.u32 v7, $0x17  }
0x12f: {  	v8 =	vmul.u32 $0xFFFFFE7F, v7  }
0x130: {  	v9 =	vld [tilespmem:s24+$0x0]  }
0x131: {  	v6 =	vadd.s32 v6, v8  }
0x132: {  	v62 =	vor.u32 s25, v1;
	v10 =	vshra.s32 v6, $0x1F  }
0x133: {  	vm1 =	vlt.s32 v62, v3;
	v7 =	vadd.s32 v7, v10  }
0x134: {  	vm3 =	vlt.s32 v6, $0x0;
	v63 =	vadd.s32 $0x181, v6;
	vm2 =	vlt.s32 v7, $0x40  }
0x135: {  	vm4 =	vne.s32 v5, v9;
	v5 =	vsel vm3, v63, v6;
	vm1 =	vmand vm1, vm2  }
0x136: {  	v6 =	vmul.u32 $0x180, v7;
	vm2 =	vlt.s32 v5, $0x180;
	vm1 =	vmand vm1, vm4  }
0x137: {  	vm1 =	vmand vm2, vm1  }
0x138: {  	v7 =	vld [tilespmem:s23+$0x0];
	v5 =	vadd.s32 v5, v6  }
0x139: {  	p1 =	sne.s32 s26, $0x1  }
.Ltmp17:
0x13a: {  	_ = 	snop;
	(pc) =	sbr.rel @!p1 .LBB2_26-.Ltmp17, $3  }
0x13b: {  	_ =	sdelay $0x1  }
0x13c: {  	s24 =	sadd.s32 $0x10, s24;
	s29 =	sadd.s32 $0xFFFFFFFF, s26;
	[tilespmem:v5+s13+$0x0] =	vst.idx.msk vm1, v7  }
0x13d: {  	p0 =	por $0x1, $0x1;
	s28 =	simm.s32 $0x0;
	s26 =	smov.u32 s23;
	v5 =	vld [tilespmem:s24+$0xFFFFFFFF]  }
.LBB2_27:
0x13e: {  	p1 =	sne.s32 s29, $0x1;
	_ =	sdelay $0x3  }
0x13f: {  	v6 =	vsub.s32 v5, v4  }
0x140: {  	v7 =	vmul.u32 $0x551F, v6;
	_ =	sdelay $0x1  }
0x141: {  	v7 =	vshrl.u32 v7, $0x17  }
0x142: {  	v8 =	vmul.u32 $0xFFFFFE7F, v7  }
0x143: {  	v9 =	vld [tilespmem:s24+$0x0]  }
0x144: {  	s28 =	sadd.s32 $0x10, s28;
	v6 =	vadd.s32 v6, v8  }
0x145: {  	v8 =	vor.u32 s28, v1;
	v10 =	vshra.s32 v6, $0x1F  }
0x146: {  	vm1 =	vlt.s32 v8, v3;
	v7 =	vadd.s32 v7, v10  }
0x147: {  	vm3 =	vlt.s32 v6, $0x0;
	v8 =	vadd.s32 $0x181, v6;
	vm2 =	vlt.s32 v7, $0x40  }
0x148: {  	vm4 =	vne.s32 v5, v9;
	vm1 =	vmand vm1, vm2;
	v5 =	vsel vm3, v8, v6  }
0x149: {  	v6 =	vmul.u32 $0x180, v7;
	vm1 =	vmand vm1, vm4;
	vm2 =	vlt.s32 v5, $0x180  }
0x14a: {  	s26 =	sadd.s32 $0x10, s26;
	vm1 =	vmand vm2, vm1  }
0x14b: {  	v5 =	vadd.s32 v5, v6;
	v7 =	vld [tilespmem:s26+$0x0];
	_ =	sdelay $0x1  }
.Ltmp18:
0x14c: {  	(pc) =	sbr.rel @p1 .LBB2_27-.Ltmp18, $3  }
0x14d: {  	_ =	sdelay $0x1  }
0x14e: {  	s24 =	sadd.s32 $0x10, s24;
	[tilespmem:v5+s13+$0x0] =	vst.idx.msk vm1, v7  }
0x14f: {  	s29 =	sadd.s32 $0xFFFFFFFF, s29;
	v5 =	vld [tilespmem:s24+$0xFFFFFFFF]  }
.LBB2_28:
0x150: {  	_ =	sdelay $0x3  }
0x151: {  	v4 =	vsub.s32 v5, v4  }
0x152: {  	v6 =	vmul.u32 $0x551F, v4;
	_ =	sdelay $0x1  }
0x153: {  	v6 =	vshrl.u32 v6, $0x17  }
0x154: {  	v7 =	vmul.u32 $0xFFFFFE7F, v6  }
0x155: {  	v8 =	vld [tilespmem:s24+$0x0];
	s24 =	sadd.s32 @p0 $0x10, s28  }
0x156: {  	s25 =	smov.u32 @p0 s24;
	v4 =	vadd.s32 v4, v7  }
0x157: {  	v61 =	vor.u32 s25, v1;
	v9 =	vshra.s32 v4, $0x1F  }
0x158: {  	vm1 =	vlt.s32 v61, v3;
	v3 =	vadd.s32 v6, v9  }
0x159: {  	vm3 =	vlt.s32 v4, $0x0;
	v62 =	vadd.s32 $0x181, v4;
	vm2 =	vlt.s32 v3, $0x40  }
0x15a: {  	vm4 =	vne.s32 v5, v8;
	v4 =	vsel vm3, v62, v4;
	vm1 =	vmand vm1, vm2  }
0x15b: {  	s24 =	sadd.s32 @p0 $0x10, s26;
	v3 =	vmul.u32 $0x180, v3;
	vm2 =	vlt.s32 v4, $0x180;
	vm1 =	vmand vm1, vm4  }
0x15c: {  	s23 =	smov.u32 @p0 s24;
	vm1 =	vmand vm2, vm1  }
0x15d: {  	v63 =	vld [tilespmem:s23+$0x0];
	v3 =	vadd.s32 v4, v3;
	_ =	sdelay $0x4  }
0x15e: {  	[tilespmem:v3+s13+$0x0] =	vst.idx.msk vm1, v63  }
.LBB2_29:
0x15f: {  	s23 =	sadd.s32 $0x1800, s21;
	s28 =	simm.s32 $0x0  }
0x160: {  	[hbm4b:s23+s28] =	stream.linear.scatter [tilespmem:s13], [sflag:$0x2], $0x6000, $0x38;
	[tilespmem:$0x10180] =	vst v63  }
0x161: {  	v3 =	vld [tilespmem:s22+$0x10100];
	_ =	sdelay $0x4  }
0x162: {  	v3 =	vxor.u32 $0x80000000, v3  }
0x163: {  	v3 =	vnsel vm0, $0x0, v3  }
0x164: {  	(xrf0) =	vmax.scan.msk.u32 $0xffff, v3;
	_ =	sdelay $0x5  }
0x165: {  	v3, _, _ =	vpop (xrf0)  }
0x166: {  	(v2sf) =	vpush v3, $0xF;
	_ =	sdelay $0xe  }
0x167: {  	s23 =	spop (v2sf)  }
0x168: {  	s25 =	sxor.u32 $0x80000000, s23  }
0x169: {  	s24 =	sand.u32 $0xFFFFFFF8, s25  }
0x16a: {  	p0 =	slt.s32 s24, $0xD7E000  }
0x16b: {  	s24 =	simm.s32 @!p0 $0xD7E000  }
0x16c: {  	s26 =	sadd.s32 $0x4, s20;
	s29 =	sshrl.u32 s24, $0x3  }
0x16d: {  	s22 =	sand.u32 $0xF0, s26;
	s30 =	sadd.s32 s1, s29  }
0x16e: {  	v3 =	vld [tilespmem:s22+$0x10100];
	[tilespmem:s28], [sflag:$0x1] =	stream.linear.gather [hbm4b:s30+s28], $0x2000, $0x38  }
0x16f: {  	s29 =	sadd.s32 s4, s29  }
0x170: {  	[tilespmem:s12], [sflag:$0x1] =	stream.linear.gather [hbm4b:s29+s28], $0x2000, $0x38;
	[tilespmem:$0x10180] =	vst v63  }
0x171: {  	_ =	swait.ge [sflag:s16], $0x6000  }
0x172: {  	[sflag:s16] =	ssyncset.done $0x0  }
0x173: {  	s29 =	simm.s32 $0x40;
	s28 =	simm.s32 $0x0;
	[sflag:s16] =	ssyncadd.s32 $0xFFFFA000  }
.LBB2_30:
0x174: {  	p0 =	sne.s32 s29, $0x17FC0;
	[tilespmem:s28+$0xA100] =	vst v2;
	s28 =	smov.u32 s29;
	s29 =	sadd.s32 $0x40, s29  }
.Ltmp19:
0x175: {  	(pc) =	sbr.rel @p0 .LBB2_30-.Ltmp19, $2  }
0x176: {  	_ =	sdelay $0x2  }
0x177: {  	s28 =	sshra.s32 s28, $0x2  }
0x178: {  	s26 =	sand.u32 $0xE, s26  }
0x179: {  	v4 =	vmov s26  }
0x17a: {  	v3 =	vxor.u32 $0x80000000, v3;
	vm0 =	veq.s32 v4, v1  }
0x17b: {  	v3 =	vnsel vm0, $0x0, v3  }
0x17c: {  	(xrf0) =	vmax.scan.msk.u32 $0xffff, v3;
	_ =	sdelay $0x5  }
0x17d: {  	v3, _, _ =	vpop (xrf0)  }
0x17e: {  	(v2sf) =	vpush v3, $0xF;
	_ =	sdelay $0xe  }
0x17f: {  	s30 =	spop (v2sf)  }
0x180: {  	s26 =	sxor.u32 $0x80000000, s30  }
0x181: {  	s25 =	ssub.s32 s26, s25  }
0x182: {  	p0 =	slt.s32 s25, $0x1FF8  }
0x183: {  	p1 =	slt.s32 s25, $0xFFFFFFF2;
	s25 =	simm.s32 @!p0 $0x1FF8  }
0x184: {  	s26 =	sadd.s32 $0xF, s25  }
0x185: {  	s30 =	sand.u32 $0xF, s26  }
0x186: {  	s29 =	sshra.s32 s26, $0x1F;
	p6 =	sne.s32 s30, $0x0  }
0x187: {  	s31 =	sshrl.u32 s29, $0x1C;
	p0 =	por !p1, !p6  }
0x188: {  	[tilespmem:s28+$0xA100] =	vst v2;
	s28 =	simm.s32 $0x1;
	s26 =	sadd.s32 s31, s26;
	p0 =	por !p0, !p0  }
0x189: {  	s26 =	sshra.s32 s26, $0x4;
	s28 =	simm.s32 @!p0 $0x0  }
0x18a: {  	s26 =	ssub.s32 s26, s28  }
0x18b: {  	_ =	swait.ge [sflag:s11], $0x2000;
	p0 =	slt.s32 s26, $0x1  }
.Ltmp20:
0x18c: {  	[sflag:s11] =	ssyncset.done $0x0;
	(pc) =	sbr.rel @p0 .LBB2_38-.Ltmp20, $4  }
0x18d: {  	[sflag:s11] =	ssyncadd.s32 $0xFFFFE000  }
0x18e: {  	_ =	swait.ge [sflag:s11], $0x2000  }
0x18f: {  	[sflag:s11] =	ssyncset.done $0x0  }
0x190: {  	[sflag:s11] =	ssyncadd.s32 $0xFFFFE000  }
0x191: {  	p1 =	sne.s32 s26, $0x1  }
.Ltmp21:
0x192: {  	s23 =	sshll.u32 s23, $0x2;
	s24 =	sshll.u32 s24, $0x2;
	(pc) =	sbr.rel @!p1 .LBB2_33-.Ltmp21, $4  }
0x193: {  	s23 =	ssub.s32 s23, s24  }
0x194: {  	s23 =	sshra.s32 s23, $0x2  }
0x195: {  	s28 =	sadd.s32 $0x120C0, s19;
	v3 =	vmov s25;
	s25 =	simm.s32 $0x0;
	s24 =	sadd.s32 $0x1, s23  }
0x196: {  	s26 =	sadd.s32 $0xFFFFFFFF, s26;
	p0 =	por $0x0, $0x0;
	v4 =	vmov s28;
	s23 =	sadd.s32 $0x2080, s23;
	v5 =	vld [tilespmem:s24+$0xFFFFFFFF]  }
0x197: {  	_ =	sdelay $0x3  }
0x198: {  	v6 =	vsub.s32 v5, v4  }
0x199: {  	v7 =	vmul.u32 $0x551F, v6;
	_ =	sdelay $0x1  }
0x19a: {  	v7 =	vshrl.u32 v7, $0x17  }
0x19b: {  	v8 =	vmul.u32 $0xFFFFFE7F, v7  }
0x19c: {  	v9 =	vld [tilespmem:s24+$0x0]  }
0x19d: {  	v6 =	vadd.s32 v6, v8  }
0x19e: {  	v62 =	vor.u32 s25, v1;
	v10 =	vshra.s32 v6, $0x1F  }
0x19f: {  	vm1 =	vlt.s32 v62, v3;
	v7 =	vadd.s32 v7, v10  }
0x1a0: {  	vm3 =	vlt.s32 v6, $0x0;
	v63 =	vadd.s32 $0x181, v6;
	vm2 =	vlt.s32 v7, $0x40  }
0x1a1: {  	vm4 =	vne.s32 v5, v9;
	v5 =	vsel vm3, v63, v6;
	vm1 =	vmand vm1, vm2  }
0x1a2: {  	v6 =	vmul.u32 $0x180, v7;
	vm2 =	vlt.s32 v5, $0x180;
	vm1 =	vmand vm1, vm4  }
0x1a3: {  	vm1 =	vmand vm2, vm1  }
0x1a4: {  	v7 =	vld [tilespmem:s23+$0x0];
	v5 =	vadd.s32 v5, v6  }
0x1a5: {  	p1 =	sne.s32 s26, $0x1  }
.Ltmp22:
0x1a6: {  	_ = 	snop;
	(pc) =	sbr.rel @!p1 .LBB2_35-.Ltmp22, $3  }
0x1a7: {  	_ =	sdelay $0x1  }
0x1a8: {  	s24 =	sadd.s32 $0x10, s24;
	s29 =	sadd.s32 $0xFFFFFFFF, s26;
	[tilespmem:v5+s14+$0x0] =	vst.idx.msk vm1, v7  }
0x1a9: {  	p0 =	por $0x1, $0x1;
	s28 =	simm.s32 $0x0;
	s26 =	smov.u32 s23;
	v5 =	vld [tilespmem:s24+$0xFFFFFFFF]  }
.LBB2_36:
0x1aa: {  	p1 =	sne.s32 s29, $0x1;
	_ =	sdelay $0x3  }
0x1ab: {  	v6 =	vsub.s32 v5, v4  }
0x1ac: {  	v7 =	vmul.u32 $0x551F, v6;
	_ =	sdelay $0x1  }
0x1ad: {  	v7 =	vshrl.u32 v7, $0x17  }
0x1ae: {  	v8 =	vmul.u32 $0xFFFFFE7F, v7  }
0x1af: {  	v9 =	vld [tilespmem:s24+$0x0]  }
0x1b0: {  	s28 =	sadd.s32 $0x10, s28;
	v6 =	vadd.s32 v6, v8  }
0x1b1: {  	v8 =	vor.u32 s28, v1;
	v10 =	vshra.s32 v6, $0x1F  }
0x1b2: {  	vm1 =	vlt.s32 v8, v3;
	v7 =	vadd.s32 v7, v10  }
0x1b3: {  	vm3 =	vlt.s32 v6, $0x0;
	v8 =	vadd.s32 $0x181, v6;
	vm2 =	vlt.s32 v7, $0x40  }
0x1b4: {  	vm4 =	vne.s32 v5, v9;
	vm1 =	vmand vm1, vm2;
	v5 =	vsel vm3, v8, v6  }
0x1b5: {  	v6 =	vmul.u32 $0x180, v7;
	vm1 =	vmand vm1, vm4;
	vm2 =	vlt.s32 v5, $0x180  }
0x1b6: {  	s26 =	sadd.s32 $0x10, s26;
	vm1 =	vmand vm2, vm1  }
0x1b7: {  	v5 =	vadd.s32 v5, v6;
	v7 =	vld [tilespmem:s26+$0x0];
	_ =	sdelay $0x1  }
.Ltmp23:
0x1b8: {  	(pc) =	sbr.rel @p1 .LBB2_36-.Ltmp23, $3  }
0x1b9: {  	_ =	sdelay $0x1  }
0x1ba: {  	s24 =	sadd.s32 $0x10, s24;
	[tilespmem:v5+s14+$0x0] =	vst.idx.msk vm1, v7  }
0x1bb: {  	s29 =	sadd.s32 $0xFFFFFFFF, s29;
	v5 =	vld [tilespmem:s24+$0xFFFFFFFF]  }
.LBB2_37:
0x1bc: {  	_ =	sdelay $0x3  }
0x1bd: {  	v4 =	vsub.s32 v5, v4  }
0x1be: {  	v6 =	vmul.u32 $0x551F, v4;
	_ =	sdelay $0x1  }
0x1bf: {  	v6 =	vshrl.u32 v6, $0x17  }
0x1c0: {  	v7 =	vmul.u32 $0xFFFFFE7F, v6  }
0x1c1: {  	v8 =	vld [tilespmem:s24+$0x0];
	s24 =	sadd.s32 @p0 $0x10, s28  }
0x1c2: {  	s25 =	smov.u32 @p0 s24;
	v4 =	vadd.s32 v4, v7  }
0x1c3: {  	v61 =	vor.u32 s25, v1;
	v9 =	vshra.s32 v4, $0x1F  }
0x1c4: {  	vm1 =	vlt.s32 v61, v3;
	v3 =	vadd.s32 v6, v9  }
0x1c5: {  	vm3 =	vlt.s32 v4, $0x0;
	v62 =	vadd.s32 $0x181, v4;
	vm2 =	vlt.s32 v3, $0x40  }
0x1c6: {  	vm4 =	vne.s32 v5, v8;
	v4 =	vsel vm3, v62, v4;
	vm1 =	vmand vm1, vm2  }
0x1c7: {  	s24 =	sadd.s32 @p0 $0x10, s26;
	v3 =	vmul.u32 $0x180, v3;
	vm2 =	vlt.s32 v4, $0x180;
	vm1 =	vmand vm1, vm4  }
0x1c8: {  	s23 =	smov.u32 @p0 s24;
	vm1 =	vmand vm2, vm1  }
0x1c9: {  	v63 =	vld [tilespmem:s23+$0x0];
	v3 =	vadd.s32 v4, v3;
	_ =	sdelay $0x4  }
0x1ca: {  	[tilespmem:v3+s14+$0x0] =	vst.idx.msk vm1, v63  }
.LBB2_38:
0x1cb: {  	s23 =	sadd.s32 $0x2400, s21;
	s28 =	simm.s32 $0x0  }
0x1cc: {  	[hbm4b:s23+s28] =	stream.linear.scatter [tilespmem:s14], [sflag:$0x3], $0x6000, $0x38;
	[tilespmem:$0x10180] =	vst v63  }
0x1cd: {  	v3 =	vld [tilespmem:s22+$0x10100];
	_ =	sdelay $0x4  }
0x1ce: {  	v3 =	vxor.u32 $0x80000000, v3  }
0x1cf: {  	v3 =	vnsel vm0, $0x0, v3  }
0x1d0: {  	(xrf0) =	vmax.scan.msk.u32 $0xffff, v3;
	_ =	sdelay $0x5  }
0x1d1: {  	v3, _, _ =	vpop (xrf0)  }
0x1d2: {  	(v2sf) =	vpush v3, $0xF;
	_ =	sdelay $0xe  }
0x1d3: {  	s23 =	spop (v2sf)  }
0x1d4: {  	s25 =	sxor.u32 $0x80000000, s23  }
0x1d5: {  	s24 =	sand.u32 $0xFFFFFFF8, s25  }
0x1d6: {  	p0 =	slt.s32 s24, $0xD7E000  }
0x1d7: {  	s24 =	simm.s32 @!p0 $0xD7E000  }
0x1d8: {  	s26 =	sadd.s32 $0x5, s20;
	s29 =	sshrl.u32 s24, $0x3  }
0x1d9: {  	s22 =	sand.u32 $0xF0, s26;
	s30 =	sadd.s32 s1, s29  }
0x1da: {  	v3 =	vld [tilespmem:s22+$0x10100];
	[tilespmem:s28], [sflag:$0x1] =	stream.linear.gather [hbm4b:s30+s28], $0x2000, $0x38  }
0x1db: {  	s29 =	sadd.s32 s4, s29  }
0x1dc: {  	[tilespmem:s12], [sflag:$0x1] =	stream.linear.gather [hbm4b:s29+s28], $0x2000, $0x38;
	[tilespmem:$0x10180] =	vst v63  }
0x1dd: {  	_ =	swait.ge [sflag:s15], $0x6000  }
0x1de: {  	[sflag:s15] =	ssyncset.done $0x0  }
0x1df: {  	s29 =	simm.s32 $0x40;
	s28 =	simm.s32 $0x0;
	[sflag:s15] =	ssyncadd.s32 $0xFFFFA000  }
.LBB2_39:
0x1e0: {  	p0 =	sne.s32 s29, $0x17FC0;
	[tilespmem:s28+$0x4100] =	vst v2;
	s28 =	smov.u32 s29;
	s29 =	sadd.s32 $0x40, s29  }
.Ltmp24:
0x1e1: {  	(pc) =	sbr.rel @p0 .LBB2_39-.Ltmp24, $2  }
0x1e2: {  	_ =	sdelay $0x2  }
0x1e3: {  	s28 =	sshra.s32 s28, $0x2  }
0x1e4: {  	s26 =	sand.u32 $0xF, s26  }
0x1e5: {  	v4 =	vmov s26  }
0x1e6: {  	v3 =	vxor.u32 $0x80000000, v3;
	vm0 =	veq.s32 v4, v1  }
0x1e7: {  	v3 =	vnsel vm0, $0x0, v3  }
0x1e8: {  	(xrf0) =	vmax.scan.msk.u32 $0xffff, v3;
	_ =	sdelay $0x5  }
0x1e9: {  	v3, _, _ =	vpop (xrf0)  }
0x1ea: {  	(v2sf) =	vpush v3, $0xF;
	_ =	sdelay $0xe  }
0x1eb: {  	s30 =	spop (v2sf)  }
0x1ec: {  	s26 =	sxor.u32 $0x80000000, s30  }
0x1ed: {  	s25 =	ssub.s32 s26, s25  }
0x1ee: {  	p0 =	slt.s32 s25, $0x1FF8  }
0x1ef: {  	p1 =	slt.s32 s25, $0xFFFFFFF2;
	s25 =	simm.s32 @!p0 $0x1FF8  }
0x1f0: {  	s26 =	sadd.s32 $0xF, s25  }
0x1f1: {  	s30 =	sand.u32 $0xF, s26  }
0x1f2: {  	s29 =	sshra.s32 s26, $0x1F;
	p6 =	sne.s32 s30, $0x0  }
0x1f3: {  	s31 =	sshrl.u32 s29, $0x1C;
	p0 =	por !p1, !p6  }
0x1f4: {  	[tilespmem:s28+$0x4100] =	vst v2;
	s28 =	simm.s32 $0x1;
	s26 =	sadd.s32 s31, s26;
	p0 =	por !p0, !p0  }
0x1f5: {  	s26 =	sshra.s32 s26, $0x4;
	s28 =	simm.s32 @!p0 $0x0  }
0x1f6: {  	s26 =	ssub.s32 s26, s28  }
0x1f7: {  	_ =	swait.ge [sflag:s11], $0x2000;
	p0 =	slt.s32 s26, $0x1  }
.Ltmp25:
0x1f8: {  	[sflag:s11] =	ssyncset.done $0x0;
	(pc) =	sbr.rel @p0 .LBB2_47-.Ltmp25, $4  }
0x1f9: {  	[sflag:s11] =	ssyncadd.s32 $0xFFFFE000  }
0x1fa: {  	_ =	swait.ge [sflag:s11], $0x2000  }
0x1fb: {  	[sflag:s11] =	ssyncset.done $0x0  }
0x1fc: {  	[sflag:s11] =	ssyncadd.s32 $0xFFFFE000  }
0x1fd: {  	p1 =	sne.s32 s26, $0x1  }
.Ltmp26:
0x1fe: {  	s23 =	sshll.u32 s23, $0x2;
	s24 =	sshll.u32 s24, $0x2;
	(pc) =	sbr.rel @!p1 .LBB2_42-.Ltmp26, $4  }
0x1ff: {  	s23 =	ssub.s32 s23, s24  }
0x200: {  	s23 =	sshra.s32 s23, $0x2  }
0x201: {  	s28 =	sadd.s32 $0x18100, s19;
	v3 =	vmov s25;
	s25 =	simm.s32 $0x0;
	s24 =	sadd.s32 $0x1, s23  }
0x202: {  	s26 =	sadd.s32 $0xFFFFFFFF, s26;
	p0 =	por $0x0, $0x0;
	v4 =	vmov s28;
	s23 =	sadd.s32 $0x2080, s23;
	v5 =	vld [tilespmem:s24+$0xFFFFFFFF]  }
0x203: {  	_ =	sdelay $0x3  }
0x204: {  	v6 =	vsub.s32 v5, v4  }
0x205: {  	v7 =	vmul.u32 $0x551F, v6;
	_ =	sdelay $0x1  }
0x206: {  	v7 =	vshrl.u32 v7, $0x17  }
0x207: {  	v8 =	vmul.u32 $0xFFFFFE7F, v7  }
0x208: {  	v9 =	vld [tilespmem:s24+$0x0]  }
0x209: {  	v6 =	vadd.s32 v6, v8  }
0x20a: {  	v62 =	vor.u32 s25, v1;
	v10 =	vshra.s32 v6, $0x1F  }
0x20b: {  	vm1 =	vlt.s32 v62, v3;
	v7 =	vadd.s32 v7, v10  }
0x20c: {  	vm3 =	vlt.s32 v6, $0x0;
	v63 =	vadd.s32 $0x181, v6;
	vm2 =	vlt.s32 v7, $0x40  }
0x20d: {  	vm4 =	vne.s32 v5, v9;
	v5 =	vsel vm3, v63, v6;
	vm1 =	vmand vm1, vm2  }
0x20e: {  	v6 =	vmul.u32 $0x180, v7;
	vm2 =	vlt.s32 v5, $0x180;
	vm1 =	vmand vm1, vm4  }
0x20f: {  	vm1 =	vmand vm2, vm1  }
0x210: {  	v7 =	vld [tilespmem:s23+$0x0];
	v5 =	vadd.s32 v5, v6  }
0x211: {  	p1 =	sne.s32 s26, $0x1  }
.Ltmp27:
0x212: {  	_ = 	snop;
	(pc) =	sbr.rel @!p1 .LBB2_44-.Ltmp27, $3  }
0x213: {  	_ =	sdelay $0x1  }
0x214: {  	s24 =	sadd.s32 $0x10, s24;
	s29 =	sadd.s32 $0xFFFFFFFF, s26;
	[tilespmem:v5+s13+$0x0] =	vst.idx.msk vm1, v7  }
0x215: {  	p0 =	por $0x1, $0x1;
	s28 =	simm.s32 $0x0;
	s26 =	smov.u32 s23;
	v5 =	vld [tilespmem:s24+$0xFFFFFFFF]  }
.LBB2_45:
0x216: {  	p1 =	sne.s32 s29, $0x1;
	_ =	sdelay $0x3  }
0x217: {  	v6 =	vsub.s32 v5, v4  }
0x218: {  	v7 =	vmul.u32 $0x551F, v6;
	_ =	sdelay $0x1  }
0x219: {  	v7 =	vshrl.u32 v7, $0x17  }
0x21a: {  	v8 =	vmul.u32 $0xFFFFFE7F, v7  }
0x21b: {  	v9 =	vld [tilespmem:s24+$0x0]  }
0x21c: {  	s28 =	sadd.s32 $0x10, s28;
	v6 =	vadd.s32 v6, v8  }
0x21d: {  	v8 =	vor.u32 s28, v1;
	v10 =	vshra.s32 v6, $0x1F  }
0x21e: {  	vm1 =	vlt.s32 v8, v3;
	v7 =	vadd.s32 v7, v10  }
0x21f: {  	vm3 =	vlt.s32 v6, $0x0;
	v8 =	vadd.s32 $0x181, v6;
	vm2 =	vlt.s32 v7, $0x40  }
0x220: {  	vm4 =	vne.s32 v5, v9;
	vm1 =	vmand vm1, vm2;
	v5 =	vsel vm3, v8, v6  }
0x221: {  	v6 =	vmul.u32 $0x180, v7;
	vm1 =	vmand vm1, vm4;
	vm2 =	vlt.s32 v5, $0x180  }
0x222: {  	s26 =	sadd.s32 $0x10, s26;
	vm1 =	vmand vm2, vm1  }
0x223: {  	v5 =	vadd.s32 v5, v6;
	v7 =	vld [tilespmem:s26+$0x0];
	_ =	sdelay $0x1  }
.Ltmp28:
0x224: {  	(pc) =	sbr.rel @p1 .LBB2_45-.Ltmp28, $3  }
0x225: {  	_ =	sdelay $0x1  }
0x226: {  	s24 =	sadd.s32 $0x10, s24;
	[tilespmem:v5+s13+$0x0] =	vst.idx.msk vm1, v7  }
0x227: {  	s29 =	sadd.s32 $0xFFFFFFFF, s29;
	v5 =	vld [tilespmem:s24+$0xFFFFFFFF]  }
.LBB2_46:
0x228: {  	_ =	sdelay $0x3  }
0x229: {  	v4 =	vsub.s32 v5, v4  }
0x22a: {  	v6 =	vmul.u32 $0x551F, v4;
	_ =	sdelay $0x1  }
0x22b: {  	v6 =	vshrl.u32 v6, $0x17  }
0x22c: {  	v7 =	vmul.u32 $0xFFFFFE7F, v6  }
0x22d: {  	v8 =	vld [tilespmem:s24+$0x0];
	s24 =	sadd.s32 @p0 $0x10, s28  }
0x22e: {  	s25 =	smov.u32 @p0 s24;
	v4 =	vadd.s32 v4, v7  }
0x22f: {  	v61 =	vor.u32 s25, v1;
	v9 =	vshra.s32 v4, $0x1F  }
0x230: {  	vm1 =	vlt.s32 v61, v3;
	v3 =	vadd.s32 v6, v9  }
0x231: {  	vm3 =	vlt.s32 v4, $0x0;
	v62 =	vadd.s32 $0x181, v4;
	vm2 =	vlt.s32 v3, $0x40  }
0x232: {  	vm4 =	vne.s32 v5, v8;
	v4 =	vsel vm3, v62, v4;
	vm1 =	vmand vm1, vm2  }
0x233: {  	s24 =	sadd.s32 @p0 $0x10, s26;
	v3 =	vmul.u32 $0x180, v3;
	vm2 =	vlt.s32 v4, $0x180;
	vm1 =	vmand vm1, vm4  }
0x234: {  	s23 =	smov.u32 @p0 s24;
	vm1 =	vmand vm2, vm1  }
0x235: {  	v63 =	vld [tilespmem:s23+$0x0];
	v3 =	vadd.s32 v4, v3;
	_ =	sdelay $0x4  }
0x236: {  	[tilespmem:v3+s13+$0x0] =	vst.idx.msk vm1, v63  }
.LBB2_47:
0x237: {  	s23 =	sadd.s32 $0x3000, s21;
	s25 =	simm.s32 $0x0  }
0x238: {  	[hbm4b:s23+s25] =	stream.linear.scatter [tilespmem:s13], [sflag:$0x2], $0x6000, $0x38;
	[tilespmem:$0x10180] =	vst v63  }
0x239: {  	v3 =	vld [tilespmem:s22+$0x10100];
	_ =	sdelay $0x4  }
0x23a: {  	v3 =	vxor.u32 $0x80000000, v3  }
0x23b: {  	v3 =	vnsel vm0, $0x0, v3  }
0x23c: {  	(xrf0) =	vmax.scan.msk.u32 $0xffff, v3;
	_ =	sdelay $0x5  }
0x23d: {  	v3, _, _ =	vpop (xrf0)  }
0x23e: {  	(v2sf) =	vpush v3, $0xF;
	_ =	sdelay $0xe  }
0x23f: {  	s22 =	spop (v2sf)  }
0x240: {  	s24 =	sxor.u32 $0x80000000, s22  }
0x241: {  	s23 =	sand.u32 $0xFFFFFFF8, s24  }
0x242: {  	p0 =	slt.s32 s23, $0xD7E000  }
0x243: {  	s23 =	simm.s32 @!p0 $0xD7E000  }
0x244: {  	s20 =	sadd.s32 $0x6, s20;
	s28 =	sshrl.u32 s23, $0x3  }
0x245: {  	s26 =	sand.u32 $0xF0, s20;
	s30 =	sadd.s32 s1, s28  }
0x246: {  	v3 =	vld [tilespmem:s26+$0x10100];
	[tilespmem:s25], [sflag:$0x1] =	stream.linear.gather [hbm4b:s30+s25], $0x2000, $0x38  }
0x247: {  	s31 =	sadd.s32 s4, s28  }
0x248: {  	[tilespmem:s12], [sflag:$0x1] =	stream.linear.gather [hbm4b:s31+s25], $0x2000, $0x38;
	[tilespmem:$0x10180] =	vst v63  }
0x249: {  	_ =	swait.ge [sflag:s16], $0x6000  }
0x24a: {  	[sflag:s16] =	ssyncset.done $0x0  }
0x24b: {  	s26 =	simm.s32 $0x40;
	s25 =	simm.s32 $0x0;
	[sflag:s16] =	ssyncadd.s32 $0xFFFFA000  }
.LBB2_48:
0x24c: {  	p0 =	sne.s32 s26, $0x17FC0;
	[tilespmem:s25+$0xA100] =	vst v2;
	s25 =	smov.u32 s26;
	s26 =	sadd.s32 $0x40, s26  }
.Ltmp29:
0x24d: {  	(pc) =	sbr.rel @p0 .LBB2_48-.Ltmp29, $2  }
0x24e: {  	_ =	sdelay $0x2  }
0x24f: {  	s25 =	sshra.s32 s25, $0x2  }
0x250: {  	s20 =	sand.u32 $0xE, s20  }
0x251: {  	v4 =	vmov s20  }
0x252: {  	v3 =	vxor.u32 $0x80000000, v3;
	vm0 =	veq.s32 v4, v1  }
0x253: {  	v3 =	vnsel vm0, $0x0, v3  }
0x254: {  	(xrf0) =	vmax.scan.msk.u32 $0xffff, v3;
	_ =	sdelay $0x5  }
0x255: {  	v3, _, _ =	vpop (xrf0)  }
0x256: {  	(v2sf) =	vpush v3, $0xF;
	_ =	sdelay $0xe  }
0x257: {  	s29 =	spop (v2sf)  }
0x258: {  	s20 =	sxor.u32 $0x80000000, s29  }
0x259: {  	s24 =	ssub.s32 s20, s24  }
0x25a: {  	p0 =	slt.s32 s24, $0x1FF8  }
0x25b: {  	p1 =	slt.s32 s24, $0xFFFFFFF2;
	s24 =	simm.s32 @!p0 $0x1FF8  }
0x25c: {  	s30 =	sadd.s32 $0xF, s24  }
0x25d: {  	s28 =	sand.u32 $0xF, s30  }
0x25e: {  	s26 =	sshra.s32 s30, $0x1F;
	p6 =	sne.s32 s28, $0x0  }
0x25f: {  	s31 =	sshrl.u32 s26, $0x1C;
	p0 =	por !p1, !p6  }
0x260: {  	[tilespmem:s25+$0xA100] =	vst v2;
	s25 =	simm.s32 $0x1;
	s20 =	sadd.s32 s31, s30;
	p0 =	por !p0, !p0  }
0x261: {  	s20 =	sshra.s32 s20, $0x4;
	s25 =	simm.s32 @!p0 $0x0  }
0x262: {  	s25 =	ssub.s32 s20, s25  }
0x263: {  	_ =	swait.ge [sflag:s11], $0x2000;
	p0 =	slt.s32 s25, $0x1  }
.Ltmp30:
0x264: {  	[sflag:s11] =	ssyncset.done $0x0;
	(pc) =	sbr.rel @p0 .LBB2_56-.Ltmp30, $4  }
0x265: {  	[sflag:s11] =	ssyncadd.s32 $0xFFFFE000  }
0x266: {  	_ =	swait.ge [sflag:s11], $0x2000  }
0x267: {  	[sflag:s11] =	ssyncset.done $0x0  }
0x268: {  	[sflag:s11] =	ssyncadd.s32 $0xFFFFE000  }
0x269: {  	s20 =	sshll.u32 s22, $0x2;
	s29 =	sshll.u32 s23, $0x2  }
0x26a: {  	s20 =	ssub.s32 s20, s29  }
0x26b: {  	s31 =	sshra.s32 s20, $0x2  }
0x26c: {  	p1 =	sne.s32 s25, $0x1;
	s20 =	sadd.s32 $0x1, s31  }
.Ltmp31:
0x26d: {  	v5 =	vld [tilespmem:s20+$0xFFFFFFFF];
	(pc) =	sbr.rel @!p1 .LBB2_51-.Ltmp31, $3  }
0x26e: {  	_ =	sdelay $0x1  }
0x26f: {  	s30 =	sadd.s32 $0x1E140, s19;
	s22 =	simm.s32 $0x0  }
0x270: {  	v3 =	vmov s24;
	s23 =	sadd.s32 $0xFFFFFFFF, s25;
	p0 =	por $0x0, $0x0;
	v4 =	vmov s30;
	s19 =	sadd.s32 $0x2080, s31  }
0x271: {  	v6 =	vsub.s32 v5, v4  }
0x272: {  	v7 =	vmul.u32 $0x551F, v6;
	_ =	sdelay $0x1  }
0x273: {  	v7 =	vshrl.u32 v7, $0x17  }
0x274: {  	v8 =	vmul.u32 $0xFFFFFE7F, v7  }
0x275: {  	v9 =	vld [tilespmem:s20+$0x0]  }
0x276: {  	v6 =	vadd.s32 v6, v8  }
0x277: {  	v62 =	vor.u32 s22, v1;
	v10 =	vshra.s32 v6, $0x1F  }
0x278: {  	vm0 =	vlt.s32 v62, v3;
	v7 =	vadd.s32 v7, v10  }
0x279: {  	vm2 =	vlt.s32 v6, $0x0;
	v63 =	vadd.s32 $0x181, v6;
	vm1 =	vlt.s32 v7, $0x40  }
0x27a: {  	vm3 =	vne.s32 v5, v9;
	v5 =	vsel vm2, v63, v6;
	vm0 =	vmand vm0, vm1  }
0x27b: {  	vm15 =	vlt.s32 v5, $0x180;
	v6 =	vmul.u32 $0x180, v7;
	vm0 =	vmand vm0, vm3  }
0x27c: {  	vm0 =	vmand vm15, vm0  }
0x27d: {  	v7 =	vld [tilespmem:s19+$0x0];
	v5 =	vadd.s32 v5, v6;
	_ =	sdelay $0x4  }
0x27e: {  	p1 =	sne.s32 s23, $0x1;
	s20 =	sadd.s32 $0x10, s20;
	[tilespmem:v5+s14+$0x0] =	vst.idx.msk vm0, v7  }
.Ltmp32:
0x27f: {  	v5 =	vld [tilespmem:s20+$0xFFFFFFFF];
	(pc) =	sbr.rel @!p1 .LBB2_53-.Ltmp32, $3  }
0x280: {  	_ =	sdelay $0x1  }
0x281: {  	s25 =	sadd.s32 $0xFFFFFFFF, s23  }
0x282: {  	p0 =	por $0x1, $0x1;
	s24 =	simm.s32 $0x0;
	s23 =	smov.u32 s19  }
.LBB2_54:
0x283: {  	p1 =	sne.s32 s25, $0x1;
	_ =	sdelay $0x3  }
0x284: {  	v6 =	vsub.s32 v5, v4  }
0x285: {  	v7 =	vmul.u32 $0x551F, v6;
	_ =	sdelay $0x1  }
0x286: {  	v7 =	vshrl.u32 v7, $0x17  }
0x287: {  	v8 =	vmul.u32 $0xFFFFFE7F, v7  }
0x288: {  	v9 =	vld [tilespmem:s20+$0x0]  }
0x289: {  	s24 =	sadd.s32 $0x10, s24;
	v6 =	vadd.s32 v6, v8  }
0x28a: {  	v8 =	vor.u32 s24, v1;
	v10 =	vshra.s32 v6, $0x1F  }
0x28b: {  	vm0 =	vlt.s32 v8, v3;
	v7 =	vadd.s32 v7, v10  }
0x28c: {  	vm2 =	vlt.s32 v6, $0x0;
	v8 =	vadd.s32 $0x181, v6;
	vm1 =	vlt.s32 v7, $0x40  }
0x28d: {  	vm0 =	vmand vm0, vm1;
	vm3 =	vne.s32 v5, v9;
	v5 =	vsel vm2, v8, v6  }
0x28e: {  	v6 =	vmul.u32 $0x180, v7;
	vm0 =	vmand vm0, vm3;
	vm1 =	vlt.s32 v5, $0x180  }
0x28f: {  	s23 =	sadd.s32 $0x10, s23;
	vm0 =	vmand vm1, vm0  }
0x290: {  	v5 =	vadd.s32 v5, v6;
	v7 =	vld [tilespmem:s23+$0x0];
	_ =	sdelay $0x1  }
.Ltmp33:
0x291: {  	(pc) =	sbr.rel @p1 .LBB2_54-.Ltmp33, $3  }
0x292: {  	_ =	sdelay $0x1  }
0x293: {  	s20 =	sadd.s32 $0x10, s20;
	[tilespmem:v5+s14+$0x0] =	vst.idx.msk vm0, v7  }
0x294: {  	s25 =	sadd.s32 $0xFFFFFFFF, s25;
	v5 =	vld [tilespmem:s20+$0xFFFFFFFF]  }
.Ltmp34:
0x295: {  	_ = 	snop;
	(pc) =	sbr.rel .LBB2_55-.Ltmp34, $1  }
0x296: {  	_ =	sdelay $0x3  }
.LBB2_6:
.Ltmp35:
0x297: {  	(pc) =	sbr.rel .LBB2_10-.Ltmp35, $2  }
0x298: {  	_ =	sdelay $0x2  }
0x299: {  	s28 =	simm.s32 $0x0;
	s26 =	smov.u32 s23  }
.LBB2_15:
.Ltmp36:
0x29a: {  	(pc) =	sbr.rel .LBB2_19-.Ltmp36, $2  }
0x29b: {  	_ =	sdelay $0x2  }
0x29c: {  	s28 =	simm.s32 $0x0;
	s26 =	smov.u32 s23  }
.LBB2_24:
.Ltmp37:
0x29d: {  	(pc) =	sbr.rel .LBB2_28-.Ltmp37, $2  }
0x29e: {  	_ =	sdelay $0x2  }
0x29f: {  	s28 =	simm.s32 $0x0;
	s26 =	smov.u32 s23  }
.LBB2_33:
.Ltmp38:
0x2a0: {  	(pc) =	sbr.rel .LBB2_37-.Ltmp38, $2  }
0x2a1: {  	_ =	sdelay $0x2  }
0x2a2: {  	s28 =	simm.s32 $0x0;
	s26 =	smov.u32 s23  }
.LBB2_42:
.Ltmp39:
0x2a3: {  	(pc) =	sbr.rel .LBB2_46-.Ltmp39, $2  }
0x2a4: {  	_ =	sdelay $0x2  }
0x2a5: {  	s28 =	simm.s32 $0x0;
	s26 =	smov.u32 s23  }
.LBB2_8:
.Ltmp40:
0x2a6: {  	(pc) =	sbr.rel .LBB2_10-.Ltmp40, $2  }
0x2a7: {  	_ =	sdelay $0x2  }
0x2a8: {  	s28 =	simm.s32 $0x0;
	s26 =	smov.u32 s23  }
.LBB2_17:
.Ltmp41:
0x2a9: {  	(pc) =	sbr.rel .LBB2_19-.Ltmp41, $2  }
0x2aa: {  	_ =	sdelay $0x2  }
0x2ab: {  	s28 =	simm.s32 $0x0;
	s26 =	smov.u32 s23  }
.LBB2_26:
.Ltmp42:
0x2ac: {  	(pc) =	sbr.rel .LBB2_28-.Ltmp42, $2  }
0x2ad: {  	_ =	sdelay $0x2  }
0x2ae: {  	s28 =	simm.s32 $0x0;
	s26 =	smov.u32 s23  }
.LBB2_35:
.Ltmp43:
0x2af: {  	(pc) =	sbr.rel .LBB2_37-.Ltmp43, $2  }
0x2b0: {  	_ =	sdelay $0x2  }
0x2b1: {  	s28 =	simm.s32 $0x0;
	s26 =	smov.u32 s23  }
.LBB2_44:
.Ltmp44:
0x2b2: {  	(pc) =	sbr.rel .LBB2_46-.Ltmp44, $2  }
0x2b3: {  	_ =	sdelay $0x2  }
0x2b4: {  	s28 =	simm.s32 $0x0;
	s26 =	smov.u32 s23  }
.LBB2_53:
.Ltmp45:
0x2b5: {  	(pc) =	sbr.rel .LBB2_55-.Ltmp45, $2  }
0x2b6: {  	_ =	sdelay $0x2  }
0x2b7: {  	s24 =	simm.s32 $0x0;
	s23 =	smov.u32 s19  }
.LBB2_58:
0x2b8: {  	_ =	sfence.sel $0x180000  }
0x2b9: {  	[bflag:$0x0] =	sbarrier.arrive $0xFFFF  }
0x2ba: {  	p0 =	sne.s32 s2, $0x0;
	_ =	strace $0x9000004D  }
0x2bb: {  	s0 =	sadd.s32 @!p0 $0x100000, s0;
	[bflag:$0x2] =	sbarrier.arrive $0xFFFF  }
0x2bc: {  	[sflag:s0] =	ssyncadd.tile.s32 @!p0 $0x1;
	_ =	shalt  }
.Lfunc_end2:
_tile_overlayer_lowered:
.L_overlay_start_2:
0x2bd: {  	(tag) =	ssettag $0x2  }
0x2be: {  	s0 =	rddreg [dreg:$0x0];
	s2 =	stileid.u32  }
0x2bf: {  	s1 =	rddreg [dreg:$0x1];
	p0 =	sne.s32 s2, $0x0  }
0x2c0: {  	s3 =	rddreg [dreg:$0x2];
	[bflag:$0x3] =	sbarrier.arrive $0xFFFF;
	s2 =	simm.s32 @!p0 $0x1C04  }
0x2c1: {  	[timem:s3], [sflag:s2] =	dma.local @!p0 [hbm:s0], s1  }
0x2c2: {  	s0 =	simm.s32 @!p0 $0x4  }
0x2c3: {  	_ =	swait.ge @!p0 [sflag:s0], s1  }
0x2c4: {  	s1 =	ssub.s32 @!p0 $0x0, s1;
	[sflag:s0] =	ssyncset.done @!p0 $0x0  }
0x2c5: {  	[sflag:s0] =	ssyncadd.s32 @!p0 s1  }
0x2c6: {  	[bflag:$0x3] =	sbarrier.arrive $0xFFFF  }
0x2c7: {  	_ =	shalt  }

// kernel: sparse-core-data-format-call.cloned.1.call-start
scs
called_computation_lowered:
.L_overlay_start_0:
0x0: {  	s1 =	sld [smem:$0x3FD9]  }
0x1: {  	s2 =	sld [smem:$0x3FFE];
	_ =	sdelay $0x1  }
0x2: {  	s3 =	srdreg.scid  }
0x3: {  	s0 =	sand.u32 $0x1, s3  }
0x4: {  	s17 =	sshll.u32 s0, $0xA;
	s1 =	sadd.s32 s2, s1  }
0x5: {  	s1 =	sadd.s32 s1, s17  }
0x6: {  	[smem:$0x3FC6] =	sst s1  }
0x7: {  	_ = 	snop  }
0x8: {  	(tm) =	ssettm $0x1  }
0x9: {  	s18 =	sld [smem:$0x3FFB];
	_ =	sdelay $0x3  }
0xa: {  	_ =	strace s18  }
0xb: {  	s1 =	sld [smem:$0x3FFC];
	_ =	sdelay $0x3  }
0xc: {  	_ =	strace s1  }
0xd: {  	s1 =	sld [smem:$0x3FFD];
	_ =	sdelay $0x3  }
0xe: {  	_ =	strace s1  }
0xf: {  	_ =	strace $0x8FFFFFFF  }
0x10: {  	s19 =	sld [smem:$0x3FDB];
	_ =	sdelay $0x1  }
0x11: {  	s20 =	simm.s32 $_scs_section_size  }
0x12: {  	s4 =	simm.s32 $_size__tile_overlayer_lowered;
	s5 =	simm.s32 $_tile_overlayer_lowered  }
0x13: {  	s23 =	simm.s32 $0x1BFF;
	s22 =	sshll.u32 s5, $0x1;
	s1 =	sadd.s32 s20, s19  }
0x14: {  	s6 =	simm.s32 $0x0;
	s21 =	sshll.u32 s4, $0x1;
	s4 =	sadd.s32 s22, s1  }
0x15: {  	[timem:s6], [sflag:s23] =	dma.local [hbm:s4], s21  }
0x16: {  	_ =	swait.ge [sflag:s23], s21  }
0x17: {  	s2 =	ssub.s32 $0x0, s21;
	[sflag:s23] =	ssyncset.done $0x0  }
0x18: {  	[sflag:s23] =	ssyncadd.s32 s2;
	_ =	sdelay $0x1  }
0x19: {  	s24 =	simm.s32 $0x1B8B  }
0x1a: {  	_ =	swait.ge [sflag:s24], $0x1  }
0x1b: {  	[sflag:s24] =	ssyncset.done $0x0  }
0x1c: {  	s26 =	simm.s32 $0x1B8E;
	s25 =	sld [smem:$0x3FFE];
	[sflag:s24] =	ssyncadd.s32 $0xFFFFFFFF  }
0x1d: {  	s27 =	simm.s32 $execute0_lowered;
	[smem:$0x3FD2] =	sst s26  }
0x1e: {  	s4 =	sshll.u32 s27, $0x1;
	_ =	strace $0x80000046;
	[dreg:$0x1] =	wrdreg $0xFFFFFFFF  }
0x1f: {  	s28 =	simm.s32 $_size_execute0_lowered;
	s1 =	sadd.s32 s1, s4;
	[dreg:$0x0] =	wrdreg $0x0  }
0x20: {  	s4 =	sshll.u32 s28, $0x1;
	[dreg:$0x2] =	wrdreg s1  }
0x21: {  	[dreg:$0x3] =	wrdreg s4  }
0x22: {  	[dreg:$0x4] =	wrdreg $0xC0  }
0x23: {  	_ =	task [dreg:s6], $0x5FFFF  }
0x24: {  	[dreg:$0x1] =	wrdreg $0xFFFFFFFF  }
0x25: {  	[dreg:$0x0] =	wrdreg $0x60  }
0x26: {  	[dreg:$0x2] =	wrdreg s25  }
0x27: {  	[dreg:$0x3] =	wrdreg $0x9  }
0x28: {  	_ =	task.clear_ibuf [dreg:s6], $0x4FFFF;
	_ =	strace $0x90000046  }
0x29: {  	s29 =	simm.s32 $0x9;
	_ =	strace $0x80000048  }
0x2a: {  	_ =	swait.ge [sflag:s29], $0x1  }
0x2b: {  	[sflag:s29] =	ssyncadd.s32 $0xFFFFFFFF  }
0x2c: {  	_ =	strace $0x90000048  }
0x2d: {  	_ =	sfence  }
0x2e: {  	s30 =	sld [smem:$0x0];
	_ =	sdelay $0x2  }
0x2f: {  	s31 =	sshll.u32 s3, $0xD;
	s3 =	sshrl.u32 s3, $0x2  }
0x30: {  	s2 =	sand.u32 $0x4000, s31;
	s1 =	sadd.s32 s3, s30  }
0x31: {  	s0 =	sor.u32 s2, s0;
	s1 =	sshll.u32 s1, $0x11  }
0x32: {  	s0 =	sor.u32 s1, s0  }
0x33: {  	s0 =	sadd.s32 $0x8F2B, s0  }
0x34: {  	[sflag:s0] =	ssyncadd.remote.s32 $0x1  }
0x35: {  	_ =	sfence.sel $0xFFFF  }
0x36: {  	[dreg:$0x0] =	wrdreg $0xFFFFFFFF;
	(pc) =	sbr.abs _section_cstart, $3  }
0x37: {  	[dreg:$0x1] =	wrdreg $0xFFFFFFFF  }
0x38: {  	_ =	task.clear_ibuf [dreg:s6], $0x2FFFF;
	_ =	strace $0x9FFFFFFF  }
0x39: {  	(tm) =	ssettm $0x7FFFFFFF  }
tec
execute0_lowered:
.L_overlay_start_1:
0x0: {  	(tag) =	ssettag $0x1  }
0x1: {  	s0 =	srdreg.scid;
	s6 =	rddreg [dreg:$0x0];
	s4 =	simm.s32 $0x1  }
0x2: {  	s7 =	simm.s32 $0x2;
	s14 =	simm.s32 $0x0;
	s1 =	sshll.u32 s0, $0x4  }
0x3: {  	s8 =	simm.s32 $0x800;
	s0 =	stileid.u32;
	s1 =	sand.u32 $0x10, s1  }
0x4: {  	s9 =	simm.s32 $0x9000;
	s10 =	simm.s32 $0x0;
	s2 =	sor.u32 s0, s1  }
.Ltmp0:
0x5: {  	s15 =	simm.s32 $0x0;
	s3 =	ssub.s32 $0x4F, s2;
	(pc) =	sbr.rel .LBB1_1-.Ltmp0, $4  }
0x6: {  	s11 =	simm.s32 $0x0;
	s13 =	simm.s32 $0x0;
	s5 =	sshrl.u32 s3, $0x5  }
0x7: {  	s1 =	rddreg [dreg:$0x1];
	_ =	strace $0x80000047;
	s5 =	smul.u32 $0x12, s5  }
0x8: {  	[sflag:s4] =	ssyncpa.u1 $0x0;
	s12 =	smov.u32 s2;
	s3 =	sadd.s32 $0x800, s6  }
0x9: {  	s6 =	sadd.s32 $0x1B0800, s6;
	[sflag:s7] =	ssyncpa.u1 $0x0;
	s7 =	sor.u32 $0x1, s5  }
.LBB1_7:
0xa: {  	s16 =	sadd.s32 $0x10, s11  }
0xb: {  	s14 =	sadd.s32 $0x20, s12;
	s18 =	smov.u32 s12;
	p1 =	sgt.s32 s16, $0x11F  }
0xc: {  	s18 =	smov.u32 @p1 s14  }
0xd: {  	s16 =	simm.s32 @p1 $0x0;
	p1 =	sgt.s32 s18, $0x2F  }
0xe: {  	s18 =	smov.u32 @p1 s2;
	p1 =	sne.s32 s13, s7  }
.Ltmp1:
0xf: {  	p0 =	slt.u32 s13, $0x2;
	(pc) =	sbr.rel @!p1 .LBB1_8-.Ltmp1, $4  }
0x10: {  	s17 =	simm.s32 @!p0 $0x2  }
0x11: {  	s15 =	smov.u32 s12;
	s10 =	sadd.s32 $0x4000, s10;
	_ =	swait.ge @!p0 [sflag:s17], $0x4000  }
0x12: {  	s14 =	smov.u32 s11;
	[sflag:s17] =	ssyncset.done @!p0 $0x0;
	s11 =	smov.u32 s16  }
0x13: {  	s13 =	sadd.s32 $0x1, s13;
	[sflag:s17] =	ssyncadd.s32 @!p0 $0xFFFFC000;
	s12 =	smov.u32 s18  }
.LBB1_1:
0x14: {  	p0 =	sge.u32 s13, s5  }
0x15: {  	s16 =	smul.u32 @!p0 $0x9000, s12  }
0x16: {  	s31 =	sadd.s32 $0xFFFFFFFF, s13;
	s17 =	sxor.u32 @!p0 $0xFFFFFFFF, s13  }
0x17: {  	s18 =	sshll.u32 @!p0 s11, $0x7;
	s17 =	sshll.u32 @!p0 s17, $0xE;
	s16 =	sadd.s32 @!p0 s3, s16  }
0x18: {  	s17 =	sand.u32 @!p0 $0x4000, s17;
	s16 =	sadd.s32 @!p0 s18, s16;
	s18 =	simm.s32 @!p0 $0x0  }
0x19: {  	[tilespmem:s17], [sflag:$0x1] =	stream.linear.gather @!p0 [hbm4b:s16+s18], $0x4000, $0x38;
	[tilespmem:$0x10000] =	vst v63  }
0x1a: {  	p0 =	sge.u32 s31, s5  }
.Ltmp2:
0x1b: {  	_ = 	snop;
	(pc) =	sbr.rel @p0 .LBB1_7-.Ltmp2, $1  }
0x1c: {  	_ =	sdelay $0x3  }
0x1d: {  	s16 =	sand.u32 $0x4000, s10  }
0x1e: {  	_ =	swait.ge [sflag:s4], $0x4000;
	s19 =	sshll.u32 s13, $0xE;
	s17 =	sor.u32 $0x8040, s16  }
0x1f: {  	s18 =	sor.u32 $0x40, s16;
	[sflag:s4] =	ssyncset.done $0x0;
	s31 =	sand.u32 $0x4000, s19  }
0x20: {  	s19 =	simm.s32 $0x0;
	[sflag:s4] =	ssyncadd.s32 $0xFFFFC000;
	s16 =	sor.u32 $0x8000, s31  }
.LBB1_3:
0x21: {  	v0 =	vmov s18;
	_ =	sdelay $0x3  }
0x22: {  	s21 =	simm.s32 $0x0  }
0x23: {  	v6 =	vld.idx.msk [tilespmem:v0+s21+$0x30 ss:$0x1], $0xffff  }
0x24: {  	v7 =	vld.idx.msk [tilespmem:v0+s21+$0xFFFFFFC0 ss:$0x1], $0xffff  }
0x25: {  	v5 =	vld.idx.msk [tilespmem:v0+s21+$0xFFFFFFD0 ss:$0x1], $0xffff  }
0x26: {  	v4 =	vld.idx.msk [tilespmem:v0+s21+$0xFFFFFFE0 ss:$0x1], $0xffff  }
0x27: {  	v3 =	vld.idx.msk [tilespmem:v0+s21+$0xFFFFFFF0 ss:$0x1], $0xffff  }
0x28: {  	v1 =	vld.idx.msk [tilespmem:v0+s21+$0x0 ss:$0x1], $0xffff  }
0x29: {  	v2 =	vld.idx.msk [tilespmem:v0+s21+$0x10 ss:$0x1], $0xffff;
	[tilespmem:s17+$0x30] =	vst v6  }
0x2a: {  	s20 =	simm.s32 $0x80;
	s22 =	simm.s32 $0x400;
	[tilespmem:s17+$0xFFFFFFC0] =	vst v7;
	v6 =	vld.idx.msk [tilespmem:v0+s21+$0x20 ss:$0x1], $0xffff;
	s21 =	smov.u32 s17  }
.LBB1_4:
0x2b: {  	p0 =	sne.s32 s22, $0xE00;
	v7 =	vld.idx.msk [tilespmem:v0+s20+$0x30 ss:$0x1], $0xffff;
	[tilespmem:s21+$0xFFFFFFD0] =	vst v5  }
0x2c: {  	v8 =	vld.idx.msk [tilespmem:v0+s20+$0xFFFFFFC0 ss:$0x1], $0xffff;
	[tilespmem:s21+$0xFFFFFFE0] =	vst v4  }
0x2d: {  	v5 =	vld.idx.msk [tilespmem:v0+s20+$0xFFFFFFD0 ss:$0x1], $0xffff;
	[tilespmem:s21+$0xFFFFFFF0] =	vst v3  }
.Ltmp3:
0x2e: {  	v4 =	vld.idx.msk [tilespmem:v0+s20+$0xFFFFFFE0 ss:$0x1], $0xffff;
	[tilespmem:s21+$0x0] =	vst v1;
	(pc) =	sbr.rel @p0 .LBB1_4-.Ltmp3, $4  }
0x2f: {  	v3 =	vld.idx.msk [tilespmem:v0+s20+$0xFFFFFFF0 ss:$0x1], $0xffff;
	[tilespmem:s21+$0x10] =	vst v2  }
0x30: {  	v1 =	vld.idx.msk [tilespmem:v0+s20+$0x0 ss:$0x1], $0xffff;
	[tilespmem:s21+$0x20] =	vst v6;
	s21 =	sadd.s32 $0x800, s21  }
0x31: {  	v2 =	vld.idx.msk [tilespmem:v0+s20+$0x10 ss:$0x1], $0xffff;
	[tilespmem:s21+$0x30] =	vst v7  }
0x32: {  	[tilespmem:s21+$0xFFFFFFC0] =	vst v8;
	v6 =	vld.idx.msk [tilespmem:v0+s20+$0x20 ss:$0x1], $0xffff;
	s20 =	sshra.s32 s22, $0x2;
	s22 =	sadd.s32 $0x200, s22  }
0x33: {  	_ =	sdelay $0x2  }
0x34: {  	[tilespmem:s21+$0xFFFFFFD0] =	vst v5  }
0x35: {  	v56 =	vld.idx.msk [tilespmem:v0+s20+$0x30 ss:$0x1], $0xffff;
	[tilespmem:s21+$0xFFFFFFE0] =	vst v4  }
0x36: {  	v57 =	vld.idx.msk [tilespmem:v0+s20+$0xFFFFFFC0 ss:$0x1], $0xffff;
	[tilespmem:s21+$0xFFFFFFF0] =	vst v3  }
0x37: {  	v58 =	vld.idx.msk [tilespmem:v0+s20+$0xFFFFFFD0 ss:$0x1], $0xffff;
	[tilespmem:s21+$0x0] =	vst v1  }
0x38: {  	v59 =	vld.idx.msk [tilespmem:v0+s20+$0xFFFFFFE0 ss:$0x1], $0xffff;
	[tilespmem:s21+$0x10] =	vst v2  }
0x39: {  	v60 =	vld.idx.msk [tilespmem:v0+s20+$0xFFFFFFF0 ss:$0x1], $0xffff;
	s31 =	sadd.s32 $0x800, s21;
	[tilespmem:s21+$0x20] =	vst v6  }
0x3a: {  	v61 =	vld.idx.msk [tilespmem:v0+s20+$0x0 ss:$0x1], $0xffff;
	[tilespmem:s31+$0x30] =	vst v56  }
0x3b: {  	v62 =	vld.idx.msk [tilespmem:v0+s20+$0x10 ss:$0x1], $0xffff;
	s19 =	sadd.s32 $0x1, s19;
	[tilespmem:s31+$0xFFFFFFC0] =	vst v57  }
0x3c: {  	v63 =	vld.idx.msk [tilespmem:v0+s20+$0x20 ss:$0x1], $0xffff;
	p0 =	sne.s32 s19, $0x10;
	[tilespmem:s31+$0xFFFFFFD0] =	vst v58  }
.Ltmp4:
0x3d: {  	[tilespmem:s31+$0xFFFFFFE0] =	vst v59;
	(pc) =	sbr.rel @p0 .LBB1_3-.Ltmp4, $4  }
0x3e: {  	[tilespmem:s31+$0xFFFFFFF0] =	vst v60  }
0x3f: {  	[tilespmem:s31+$0x0] =	vst v61  }
0x40: {  	[tilespmem:s31+$0x10] =	vst v62  }
0x41: {  	s17 =	sadd.s32 $0x80, s17;
	s18 =	sadd.s32 $0x400, s18;
	[tilespmem:s31+$0x20] =	vst v63  }
0x42: {  	s14 =	sand.u32 $0x1FFFFFF, s14  }
0x43: {  	s17 =	smulhi.u32 $0xE38E39, s14  }
0x44: {  	s15 =	smul.u32 $0x9000, s15  }
0x45: {  	s17 =	smul.u32 $0x120, s17  }
.Ltmp5:
0x46: {  	_ = 	snop;
	(pc) =	sbr.rel .LBB1_7-.Ltmp5, $4  }
0x47: {  	s14 =	ssub.s32 s14, s17  }
0x48: {  	s15 =	sadd.s32 s6, s15;
	s14 =	sshll.u32 s14, $0x4  }
0x49: {  	s14 =	sadd.s32 s14, s15  }
0x4a: {  	[hbm4b:s14+s8] =	stream.strided.scatter [tilespmem:s16], [sflag:$0x2], $0x4000, s9, s8, $0x38;
	[tilespmem:$0x10000] =	vst v63  }
.LBB1_8:
0x4b: {  	_ =	sfence.sel $0x180000  }
0x4c: {  	s2 =	simm.s32 $0x1;
	[bflag:$0x0] =	sbarrier.arrive $0xFFFF  }
0x4d: {  	s31 =	simm.s32 $0x2;
	[sflag:s2] =	ssyncpa.u1 $0x1  }
0x4e: {  	[sflag:s31] =	ssyncpa.u1 $0x1  }
0x4f: {  	p0 =	sne.s32 s0, $0x0;
	_ =	strace $0x90000047  }
0x50: {  	s0 =	sadd.s32 @!p0 $0x100000, s1;
	[bflag:$0x2] =	sbarrier.arrive $0xFFFF  }
0x51: {  	[sflag:s0] =	ssyncadd.tile.s32 @!p0 $0x1;
	_ =	shalt  }
.Lfunc_end1:
_tile_overlayer_lowered:
.L_overlay_start_2:
0x52: {  	(tag) =	ssettag $0x2  }
0x53: {  	s0 =	rddreg [dreg:$0x0];
	s2 =	stileid.u32  }
0x54: {  	s1 =	rddreg [dreg:$0x1];
	p0 =	sne.s32 s2, $0x0  }
0x55: {  	s3 =	rddreg [dreg:$0x2];
	[bflag:$0x3] =	sbarrier.arrive $0xFFFF;
	s2 =	simm.s32 @!p0 $0x1C01  }
0x56: {  	[timem:s3], [sflag:s2] =	dma.local @!p0 [hbm:s0], s1  }
0x57: {  	s0 =	simm.s32 @!p0 $0x1  }
0x58: {  	_ =	swait.ge @!p0 [sflag:s0], s1  }
0x59: {  	s1 =	ssub.s32 @!p0 $0x0, s1;
	[sflag:s0] =	ssyncset.done @!p0 $0x0  }
0x5a: {  	[sflag:s0] =	ssyncadd.s32 @!p0 s1  }
0x5b: {  	[bflag:$0x3] =	sbarrier.arrive $0xFFFF  }
0x5c: {  	_ =	shalt  }

</sc_bundles>
